<compile_context>
chip_gen: v7x
topology: tpu7x:2x2x1
jax: 0.10.2.dev20260603
libtpu: 0.0.44.dev20260713+nightly
codegen_flags: <defaults>
</compile_context>

<pallas_src>
import functools

import jax
import jax.numpy as jnp
from jax import lax
from jax.experimental import pallas as pl
from jax.experimental.pallas import tpu as pltpu
from jax.experimental.pallas import tpu_sc as plsc

B, T, D, K = 8, 576, 256, 8192
N = B * T
TB = 512
NB = N // TB
KT = 2048
NKT = K // KT

NC = 2
NS = 16
NW = NC * NS
BPW = N // NW
NCH = 2
CH = BPW // NCH


def _fold_min(x):
    n = x.shape[1]
    while n > 128:
        h = n // 2
        x = jnp.minimum(x[:, :h], x[:, h:])
        n = h
    return jnp.min(x, axis=1)


def _argmin_into(r, cb_ref, c2_ref, idx_ref):
    r2 = jnp.sum(r * r, axis=1)
    rd = r + r
    minv = jnp.full((TB,), jnp.inf, dtype=jnp.float32)
    mini = jnp.zeros((TB,), dtype=jnp.int32)
    io = lax.broadcasted_iota(jnp.int32, (TB, KT), 1)
    for k in range(NKT):
        cbt = cb_ref[pl.ds(k * KT, KT), :]
        c2 = c2_ref[0, pl.ds(k * KT, KT)]
        cross2 = lax.dot_general(rd, cbt, (((1,), (1,)), ((), ())),
                                 preferred_element_type=jnp.float32)
        d2 = (r2[:, None] + c2[None, :]) - cross2
        tmin = _fold_min(d2)
        targ = _fold_min(jnp.where(d2 == tmin[:, None], io, K)) + k * KT
        upd = tmin < minv
        minv = jnp.where(upd, tmin, minv)
        mini = jnp.where(upd, targ, mini)
    idx_ref[...] = mini


def _c2_body(cb_ref, c2_ref):
    for k in range(NKT):
        cbt = cb_ref[pl.ds(k * KT, KT), :]
        c2_ref[0, pl.ds(k * KT, KT)] = jnp.sum(cbt * cbt, axis=1)


def _c2(cb):
    return pl.pallas_call(
        _c2_body,
        grid=(1,),
        in_specs=[pl.BlockSpec((K, D), lambda i: (0, 0))],
        out_specs=pl.BlockSpec((1, K), lambda i: (0, 0)),
        out_shape=jax.ShapeDtypeStruct((1, K), jnp.float32),
    )(cb)


def _vq_first_body(r_ref, cb_ref, idx_ref, c2_ref):
    @pl.when(pl.program_id(0) == 0)
    def _():
        _c2_body(cb_ref, c2_ref)

    _argmin_into(r_ref[...], cb_ref, c2_ref, idx_ref)


def _vq_next_body(r_ref, rows_ref, cb_ref, c2_ref, idx_ref, rout_ref):
    r = r_ref[...] - rows_ref[...]
    rout_ref[...] = r
    _argmin_into(r, cb_ref, c2_ref, idx_ref)


def _vq_last_body(r_ref, rows_ref, x_ref, cb_ref, c2_ref, idx_ref, rec01_ref):
    r = r_ref[...] - rows_ref[...]
    rec01_ref[...] = x_ref[...] - r
    _argmin_into(r, cb_ref, c2_ref, idx_ref)


def _vq_first(r, cb):
    return pl.pallas_call(
        _vq_first_body,
        grid=(NB,),
        in_specs=[
            pl.BlockSpec((TB, D), lambda i: (i, 0)),
            pl.BlockSpec((K, D), lambda i: (0, 0)),
        ],
        out_specs=pl.BlockSpec((TB,), lambda i: (i,)),
        out_shape=jax.ShapeDtypeStruct((N,), jnp.int32),
        scratch_shapes=[pltpu.VMEM((1, K), jnp.float32)],
    )(r, cb)


def _vq_next(r_prev, rows_prev, cb, c2):
    return pl.pallas_call(
        _vq_next_body,
        grid=(NB,),
        in_specs=[
            pl.BlockSpec((TB, D), lambda i: (i, 0)),
            pl.BlockSpec((TB, D), lambda i: (i, 0)),
            pl.BlockSpec((K, D), lambda i: (0, 0)),
            pl.BlockSpec((1, K), lambda i: (0, 0)),
        ],
        out_specs=[
            pl.BlockSpec((TB,), lambda i: (i,)),
            pl.BlockSpec((TB, D), lambda i: (i, 0)),
        ],
        out_shape=[
            jax.ShapeDtypeStruct((N,), jnp.int32),
            jax.ShapeDtypeStruct((N, D), jnp.float32),
        ],
    )(r_prev, rows_prev, cb, c2)


def _vq_last(r_prev, rows_prev, x, cb, c2):
    return pl.pallas_call(
        _vq_last_body,
        grid=(NB,),
        in_specs=[
            pl.BlockSpec((TB, D), lambda i: (i, 0)),
            pl.BlockSpec((TB, D), lambda i: (i, 0)),
            pl.BlockSpec((TB, D), lambda i: (i, 0)),
            pl.BlockSpec((K, D), lambda i: (0, 0)),
            pl.BlockSpec((1, K), lambda i: (0, 0)),
        ],
        out_specs=[
            pl.BlockSpec((TB,), lambda i: (i,)),
            pl.BlockSpec((TB, D), lambda i: (i, 0)),
        ],
        out_shape=[
            jax.ShapeDtypeStruct((N,), jnp.int32),
            jax.ShapeDtypeStruct((N, D), jnp.float32),
        ],
    )(r_prev, rows_prev, x, cb, c2)


def _sc_gather_body(cb_hbm, idx_hbm, out_hbm, idx_v, rows_v, sem):
    wid = lax.axis_index("s") * NC + lax.axis_index("c")
    for j in range(NCH):
        pltpu.sync_copy(idx_hbm.at[pl.ds(wid * BPW + j * CH, CH)], idx_v.at[j])
    copies = [
        pltpu.async_copy(cb_hbm.at[idx_v.at[j]], rows_v.at[j], sem)
        for j in range(NCH)
    ]
    for c in copies:
        c.wait()
    pltpu.sync_copy(rows_v, out_hbm.at[wid])


def _sc_gather_add_body(cb_hbm, idx_hbm, base_hbm, out_hbm, idx_v, rows_v,
                        base_v, sem):
    wid = lax.axis_index("s") * NC + lax.axis_index("c")
    for j in range(NCH):
        pltpu.sync_copy(idx_hbm.at[pl.ds(wid * BPW + j * CH, CH)], idx_v.at[j])
    copies = [
        pltpu.async_copy(cb_hbm.at[idx_v.at[j]], rows_v.at[j], sem)
        for j in range(NCH)
    ]
    pltpu.sync_copy(base_hbm.at[wid], base_v)
    for c in copies:
        c.wait()

    def _add_row(i, _):
        for j in range(NCH):
            for l in range(D // 16):
                s = pl.ds(l * 16, 16)
                rows_v[j, i, s] = rows_v[j, i, s] + base_v[j, i, s]
        return 0

    lax.fori_loop(0, CH, _add_row, 0)
    pltpu.sync_copy(rows_v, out_hbm.at[wid])


@functools.cache
def _sc_gather_kernel():
    return pl.kernel(
        _sc_gather_body,
        out_type=jax.ShapeDtypeStruct((NW, NCH, CH, D), jnp.float32),
        mesh=plsc.VectorSubcoreMesh(core_axis_name="c", subcore_axis_name="s"),
        scratch_types=[
            pltpu.VMEM((NCH, CH), jnp.int32),
            pltpu.VMEM((NCH, CH, D), jnp.float32),
            pltpu.SemaphoreType.DMA,
        ],
    )


@functools.cache
def _sc_gather_add_kernel():
    return pl.kernel(
        _sc_gather_add_body,
        out_type=jax.ShapeDtypeStruct((NW, NCH, CH, D), jnp.float32),
        mesh=plsc.VectorSubcoreMesh(core_axis_name="c", subcore_axis_name="s"),
        scratch_types=[
            pltpu.VMEM((NCH, CH), jnp.int32),
            pltpu.VMEM((NCH, CH, D), jnp.float32),
            pltpu.VMEM((NCH, CH, D), jnp.float32),
            pltpu.SemaphoreType.DMA,
        ],
    )


def _gather(cb, idx_flat):
    out = _sc_gather_kernel()(cb, idx_flat)
    return out.reshape(N, D)


def _gather_add(cb, idx_flat, base):
    out = _sc_gather_add_kernel()(
        cb, idx_flat, base.reshape(NW, NCH, CH, D))
    return out.reshape(N, D)


def kernel(multimodal_features, codebook_0, codebook_1, codebook_2):
    x = multimodal_features.reshape(N, D)

    idx0 = _vq_first(x, codebook_0)
    c21 = _c2(codebook_1)
    rows0 = _gather(codebook_0, idx0)

    idx1, r1 = _vq_next(x, rows0, codebook_1, c21)
    c22 = _c2(codebook_2)
    rows1 = _gather(codebook_1, idx1)

    idx2, rec01 = _vq_last(r1, rows1, x, codebook_2, c22)
    recon = _gather_add(codebook_2, idx2, rec01).reshape(B, T, D)
    semantic_ids = jnp.stack([idx0, idx1, idx2], axis=-1).reshape(B, T, 3)
    return semantic_ids, recon

# --- scband reference (transcript-rebuilt; emitter-appended) ---
"""Pipeline reference for scband-rqkmeans-tokenizer-3229815407337 (READ-ONLY COPY).

The authoritative reference and input builder live on the scoring server;
editing this copy changes nothing except your own understanding.
"""

import jax, jax.numpy as jnp
import numpy as np

NUM_LAYERS = 3
CODEBOOK_SIZE = 8192
HIDDEN_DIM = 256
BATCH = 8
NUM_TOKENS = 576


def setup_inputs(seed: int = 0) -> dict:
    key = jax.random.key(seed)
    kx, k0, k1, k2 = jax.random.split(key, 4)
    return {
        "multimodal_features": jax.random.normal(kx, (BATCH, NUM_TOKENS, HIDDEN_DIM), dtype=jnp.float32),
        "codebook_0": jax.random.normal(k0, (CODEBOOK_SIZE, HIDDEN_DIM), dtype=jnp.float32),
        "codebook_1": jax.random.normal(k1, (CODEBOOK_SIZE, HIDDEN_DIM), dtype=jnp.float32),
        "codebook_2": jax.random.normal(k2, (CODEBOOK_SIZE, HIDDEN_DIM), dtype=jnp.float32),
    }


def _cdist(residual, codebook):
    # residual: [B, T, D], codebook: [K, D] -> euclidean distances [B, T, K]
    r2 = jnp.sum(residual * residual, axis=-1, keepdims=True)  # [B, T, 1]
    c2 = jnp.sum(codebook * codebook, axis=-1)[None, None, :]  # [1, 1, K]
    cross = jnp.einsum('btd,kd->btk', residual, codebook)      # [B, T, K]
    d2 = r2 + c2 - 2.0 * cross
    return jnp.sqrt(jnp.maximum(d2, 0.0))


def reference(multimodal_features, codebook_0, codebook_1, codebook_2):
    codebooks = [codebook_0, codebook_1, codebook_2]
    residual = multimodal_features
    reconstructed = jnp.zeros_like(multimodal_features)
    ids = []
    for cb in codebooks:
        distances = _cdist(residual, cb)
        indices = jnp.argmin(distances, axis=-1)  # [B, T]
        ids.append(indices)
        selected_centroids = jnp.take(cb, indices, axis=0)  # [B, T, D]
        reconstructed = reconstructed + selected_centroids
        residual = residual - selected_centroids
    semantic_ids = jnp.stack(ids, axis=-1)  # [B, T, num_layers]
    return (semantic_ids, reconstructed)

if __name__ == "__main__":
    import jax
    _d = setup_inputs()
    print(jax.jit(kernel)(*tuple(_d.values())))

</pallas_src>

<mosaic_0001>
#map = affine_map<(d0, d1) -> (0, 0)>
#map1 = affine_map<(d0, d1) -> (0)>
#map2 = affine_map<(d0, d1) -> (0, 0, 0, 0)>
module attributes {stable_mosaic.version = 14 : i64} {
  func.func @_sc_gather_add_body(%arg0: i32, %arg1: i32, %arg2: memref<8192x256xf32, #tpu.memory_space<hbm>>, %arg3: memref<4608xi32, #tpu.memory_space<hbm>>, %arg4: memref<32x2x72x256xf32, #tpu.memory_space<hbm>>, %arg5: memref<32x2x72x256xf32, #tpu.memory_space<hbm>>, %arg6: memref<2x72xi32, #tpu.memory_space<vmem>>, %arg7: memref<2x72x256xf32, #tpu.memory_space<vmem>>, %arg8: memref<2x72x256xf32, #tpu.memory_space<vmem>>, %arg9: memref<!tpu.dma_semaphore, #tpu.memory_space<semaphore_mem>>) attributes {dimension_semantics = [#tpu.dimension_semantics<core_parallel>, #tpu.dimension_semantics<subcore_parallel>], iteration_bounds = array<i64: 2, 16>, scalar_prefetch = 0 : i64, scratch_operands = 4 : i64, tpu.core_type = #tpu.core_type<sc_vector_subcore>, window_params = [{transform_indices = #map}, {transform_indices = #map1}, {transform_indices = #map2}, {transform_indices = #map2}]} {
    %mul3A = arith.constant 2 : i32
    %mul3A_0 = arith.muli %arg1, %mul3A : i32
    %add3A = arith.addi %mul3A_0, %arg0 : i32
    %mul3A_1 = arith.constant 144 : i32
    %mul3A_2 = arith.muli %add3A, %mul3A_1 : i32
    %add3A_3 = arith.constant 0 : i32
    %add3A_4 = arith.addi %mul3A_2, %add3A_3 : i32
    %run_scoped3A = arith.constant 0 : i32
    "tpu.region"() ({
      %run_scoped3A_62 = tpu.sem_alloc : memref<!tpu.dma_semaphore, #tpu.memory_space<semaphore_mem>>
      %dma_start3A_63 = arith.constant 0 : i32
      %dma_start3A_64 = tpu.memref_slice %arg6[%run_scoped3A, %dma_start3A_63] : memref<2x72xi32, #tpu.memory_space<vmem>> -> memref<1x72xi32, #tpu.memory_space<vmem>>
      %dma_start3A_65 = tpu.memref_squeeze %dma_start3A_64 : memref<1x72xi32, #tpu.memory_space<vmem>> -> memref<72xi32, #tpu.memory_space<vmem>>
      %dma_start3A_66 = tpu.memref_slice %arg3[%add3A_4] : memref<4608xi32, #tpu.memory_space<hbm>> -> memref<72xi32, #tpu.memory_space<hbm>>
      %dma_start3A_67 = arith.constant 0 : i32
      %dma_start3A_68 = tpu.memref_slice %arg6[%run_scoped3A, %dma_start3A_67] : memref<2x72xi32, #tpu.memory_space<vmem>> -> memref<1x72xi32, #tpu.memory_space<vmem>>
      %dma_start3A_69 = tpu.memref_squeeze %dma_start3A_68 : memref<1x72xi32, #tpu.memory_space<vmem>> -> memref<72xi32, #tpu.memory_space<vmem>>
      %dma_start3A_70 = tpu.memref_slice %arg3[%add3A_4] : memref<4608xi32, #tpu.memory_space<hbm>> -> memref<72xi32, #tpu.memory_space<hbm>>
      tpu.enqueue_dma source(%dma_start3A_70 : memref<72xi32, #tpu.memory_space<hbm>>) target(%dma_start3A_69 : memref<72xi32, #tpu.memory_space<vmem>>) target_semaphore(%run_scoped3A_62 : memref<!tpu.dma_semaphore, #tpu.memory_space<semaphore_mem>>)
      %dma_wait3A_71 = arith.constant 0 : i32
      %dma_wait3A_72 = tpu.memref_slice %arg6[%run_scoped3A, %dma_wait3A_71] : memref<2x72xi32, #tpu.memory_space<vmem>> -> memref<1x72xi32, #tpu.memory_space<vmem>>
      %dma_wait3A_73 = tpu.memref_squeeze %dma_wait3A_72 : memref<1x72xi32, #tpu.memory_space<vmem>> -> memref<72xi32, #tpu.memory_space<vmem>>
      %dma_wait3A_74 = tpu.memref_slice %arg3[%add3A_4] : memref<4608xi32, #tpu.memory_space<hbm>> -> memref<72xi32, #tpu.memory_space<hbm>>
      %dma_wait3A_75 = arith.constant 0 : i32
      %dma_wait3A_76 = tpu.memref_slice %arg6[%run_scoped3A, %dma_wait3A_75] : memref<2x72xi32, #tpu.memory_space<vmem>> -> memref<1x72xi32, #tpu.memory_space<vmem>>
      %dma_wait3A_77 = tpu.memref_squeeze %dma_wait3A_76 : memref<1x72xi32, #tpu.memory_space<vmem>> -> memref<72xi32, #tpu.memory_space<vmem>>
      %dma_wait3A_78 = tpu.memref_slice %arg3[%add3A_4] : memref<4608xi32, #tpu.memory_space<hbm>> -> memref<72xi32, #tpu.memory_space<hbm>>
      tpu.wait_dma2 semaphore(%run_scoped3A_62 : memref<!tpu.dma_semaphore, #tpu.memory_space<semaphore_mem>>) src(%dma_wait3A_78 : memref<72xi32, #tpu.memory_space<hbm>>) dst(%dma_wait3A_77 : memref<72xi32, #tpu.memory_space<vmem>>)
      tpu.yield
    }) : () -> ()
    %mul3A_5 = arith.constant 144 : i32
    %mul3A_6 = arith.muli %add3A, %mul3A_5 : i32
    %add3A_7 = arith.constant 72 : i32
    %add3A_8 = arith.addi %mul3A_6, %add3A_7 : i32
    %run_scoped3A_9 = arith.constant 1 : i32
    "tpu.region"() ({
      %run_scoped3A_62 = tpu.sem_alloc : memref<!tpu.dma_semaphore, #tpu.memory_space<semaphore_mem>>
      %dma_start3A_63 = arith.constant 0 : i32
      %dma_start3A_64 = tpu.memref_slice %arg6[%run_scoped3A_9, %dma_start3A_63] : memref<2x72xi32, #tpu.memory_space<vmem>> -> memref<1x72xi32, #tpu.memory_space<vmem>>
      %dma_start3A_65 = tpu.memref_squeeze %dma_start3A_64 : memref<1x72xi32, #tpu.memory_space<vmem>> -> memref<72xi32, #tpu.memory_space<vmem>>
      %dma_start3A_66 = tpu.memref_slice %arg3[%add3A_8] : memref<4608xi32, #tpu.memory_space<hbm>> -> memref<72xi32, #tpu.memory_space<hbm>>
      %dma_start3A_67 = arith.constant 0 : i32
      %dma_start3A_68 = tpu.memref_slice %arg6[%run_scoped3A_9, %dma_start3A_67] : memref<2x72xi32, #tpu.memory_space<vmem>> -> memref<1x72xi32, #tpu.memory_space<vmem>>
      %dma_start3A_69 = tpu.memref_squeeze %dma_start3A_68 : memref<1x72xi32, #tpu.memory_space<vmem>> -> memref<72xi32, #tpu.memory_space<vmem>>
      %dma_start3A_70 = tpu.memref_slice %arg3[%add3A_8] : memref<4608xi32, #tpu.memory_space<hbm>> -> memref<72xi32, #tpu.memory_space<hbm>>
      tpu.enqueue_dma source(%dma_start3A_70 : memref<72xi32, #tpu.memory_space<hbm>>) target(%dma_start3A_69 : memref<72xi32, #tpu.memory_space<vmem>>) target_semaphore(%run_scoped3A_62 : memref<!tpu.dma_semaphore, #tpu.memory_space<semaphore_mem>>)
      %dma_wait3A_71 = arith.constant 0 : i32
      %dma_wait3A_72 = tpu.memref_slice %arg6[%run_scoped3A_9, %dma_wait3A_71] : memref<2x72xi32, #tpu.memory_space<vmem>> -> memref<1x72xi32, #tpu.memory_space<vmem>>
      %dma_wait3A_73 = tpu.memref_squeeze %dma_wait3A_72 : memref<1x72xi32, #tpu.memory_space<vmem>> -> memref<72xi32, #tpu.memory_space<vmem>>
      %dma_wait3A_74 = tpu.memref_slice %arg3[%add3A_8] : memref<4608xi32, #tpu.memory_space<hbm>> -> memref<72xi32, #tpu.memory_space<hbm>>
      %dma_wait3A_75 = arith.constant 0 : i32
      %dma_wait3A_76 = tpu.memref_slice %arg6[%run_scoped3A_9, %dma_wait3A_75] : memref<2x72xi32, #tpu.memory_space<vmem>> -> memref<1x72xi32, #tpu.memory_space<vmem>>
      %dma_wait3A_77 = tpu.memref_squeeze %dma_wait3A_76 : memref<1x72xi32, #tpu.memory_space<vmem>> -> memref<72xi32, #tpu.memory_space<vmem>>
      %dma_wait3A_78 = tpu.memref_slice %arg3[%add3A_8] : memref<4608xi32, #tpu.memory_space<hbm>> -> memref<72xi32, #tpu.memory_space<hbm>>
      tpu.wait_dma2 semaphore(%run_scoped3A_62 : memref<!tpu.dma_semaphore, #tpu.memory_space<semaphore_mem>>) src(%dma_wait3A_78 : memref<72xi32, #tpu.memory_space<hbm>>) dst(%dma_wait3A_77 : memref<72xi32, #tpu.memory_space<vmem>>)
      tpu.yield
    }) : () -> ()
    %dma_start3A = arith.constant 0 : i32
    %dma_start3A_10 = arith.constant 0 : i32
    %dma_start3A_11 = arith.constant 0 : i32
    %dma_start3A_12 = arith.constant 0 : i32
    %dma_start3A_13 = tpu.memref_slice %arg7[%dma_start3A_10, %dma_start3A_11, %dma_start3A_12] : memref<2x72x256xf32, #tpu.memory_space<vmem>> -> memref<1x72x256xf32, #tpu.memory_space<vmem>>
    %dma_start3A_14 = tpu.memref_squeeze %dma_start3A_13 : memref<1x72x256xf32, #tpu.memory_space<vmem>> -> memref<72x256xf32, #tpu.memory_space<vmem>>
    %dma_start3A_15 = arith.constant 0 : i32
    %dma_start3A_16 = tpu.memref_slice %arg6[%dma_start3A, %dma_start3A_15] : memref<2x72xi32, #tpu.memory_space<vmem>> -> memref<1x72xi32, #tpu.memory_space<vmem>>
    %dma_start3A_17 = tpu.memref_squeeze %dma_start3A_16 : memref<1x72xi32, #tpu.memory_space<vmem>> -> memref<72xi32, #tpu.memory_space<vmem>>
    %dma_start3A_18 = arith.constant 0 : i32
    %dma_start3A_19 = arith.constant 0 : i32
    %dma_start3A_20 = tpu.memref_slice %arg2[%dma_start3A_18, %dma_start3A_19] : memref<8192x256xf32, #tpu.memory_space<hbm>> -> memref<8192x256xf32, #tpu.memory_space<hbm>>
    tpu.enqueue_indirect_dma source(%dma_start3A_20 : memref<8192x256xf32, #tpu.memory_space<hbm>>) target(%dma_start3A_14 : memref<72x256xf32, #tpu.memory_space<vmem>>) offsets(%dma_start3A_17 : memref<72xi32, #tpu.memory_space<vmem>>) semaphore(%arg9 : memref<!tpu.dma_semaphore, #tpu.memory_space<semaphore_mem>>)
    %dma_start3A_21 = arith.constant 1 : i32
    %dma_start3A_22 = arith.constant 1 : i32
    %dma_start3A_23 = arith.constant 0 : i32
    %dma_start3A_24 = arith.constant 0 : i32
    %dma_start3A_25 = tpu.memref_slice %arg7[%dma_start3A_22, %dma_start3A_23, %dma_start3A_24] : memref<2x72x256xf32, #tpu.memory_space<vmem>> -> memref<1x72x256xf32, #tpu.memory_space<vmem>>
    %dma_start3A_26 = tpu.memref_squeeze %dma_start3A_25 : memref<1x72x256xf32, #tpu.memory_space<vmem>> -> memref<72x256xf32, #tpu.memory_space<vmem>>
    %dma_start3A_27 = arith.constant 0 : i32
    %dma_start3A_28 = tpu.memref_slice %arg6[%dma_start3A_21, %dma_start3A_27] : memref<2x72xi32, #tpu.memory_space<vmem>> -> memref<1x72xi32, #tpu.memory_space<vmem>>
    %dma_start3A_29 = tpu.memref_squeeze %dma_start3A_28 : memref<1x72xi32, #tpu.memory_space<vmem>> -> memref<72xi32, #tpu.memory_space<vmem>>
    %dma_start3A_30 = arith.constant 0 : i32
    %dma_start3A_31 = arith.constant 0 : i32
    %dma_start3A_32 = tpu.memref_slice %arg2[%dma_start3A_30, %dma_start3A_31] : memref<8192x256xf32, #tpu.memory_space<hbm>> -> memref<8192x256xf32, #tpu.memory_space<hbm>>
    tpu.enqueue_indirect_dma source(%dma_start3A_32 : memref<8192x256xf32, #tpu.memory_space<hbm>>) target(%dma_start3A_26 : memref<72x256xf32, #tpu.memory_space<vmem>>) offsets(%dma_start3A_29 : memref<72xi32, #tpu.memory_space<vmem>>) semaphore(%arg9 : memref<!tpu.dma_semaphore, #tpu.memory_space<semaphore_mem>>)
    "tpu.region"() ({
      %run_scoped3A_62 = tpu.sem_alloc : memref<!tpu.dma_semaphore, #tpu.memory_space<semaphore_mem>>
      %dma_start3A_63 = arith.constant 0 : i32
      %dma_start3A_64 = arith.constant 0 : i32
      %dma_start3A_65 = arith.constant 0 : i32
      %dma_start3A_66 = tpu.memref_slice %arg4[%add3A, %dma_start3A_63, %dma_start3A_64, %dma_start3A_65] : memref<32x2x72x256xf32, #tpu.memory_space<hbm>> -> memref<1x2x72x256xf32, #tpu.memory_space<hbm>>
      %dma_start3A_67 = tpu.memref_squeeze %dma_start3A_66 : memref<1x2x72x256xf32, #tpu.memory_space<hbm>> -> memref<2x72x256xf32, #tpu.memory_space<hbm>>
      %dma_start3A_68 = arith.constant 0 : i32
      %dma_start3A_69 = arith.constant 0 : i32
      %dma_start3A_70 = arith.constant 0 : i32
      %dma_start3A_71 = tpu.memref_slice %arg4[%add3A, %dma_start3A_68, %dma_start3A_69, %dma_start3A_70] : memref<32x2x72x256xf32, #tpu.memory_space<hbm>> -> memref<1x2x72x256xf32, #tpu.memory_space<hbm>>
      %dma_start3A_72 = tpu.memref_squeeze %dma_start3A_71 : memref<1x2x72x256xf32, #tpu.memory_space<hbm>> -> memref<2x72x256xf32, #tpu.memory_space<hbm>>
      tpu.enqueue_dma source(%dma_start3A_72 : memref<2x72x256xf32, #tpu.memory_space<hbm>>) target(%arg8 : memref<2x72x256xf32, #tpu.memory_space<vmem>>) target_semaphore(%run_scoped3A_62 : memref<!tpu.dma_semaphore, #tpu.memory_space<semaphore_mem>>)
      %dma_wait3A_73 = arith.constant 0 : i32
      %dma_wait3A_74 = arith.constant 0 : i32
      %dma_wait3A_75 = arith.constant 0 : i32
      %dma_wait3A_76 = tpu.memref_slice %arg4[%add3A, %dma_wait3A_73, %dma_wait3A_74, %dma_wait3A_75] : memref<32x2x72x256xf32, #tpu.memory_space<hbm>> -> memref<1x2x72x256xf32, #tpu.memory_space<hbm>>
      %dma_wait3A_77 = tpu.memref_squeeze %dma_wait3A_76 : memref<1x2x72x256xf32, #tpu.memory_space<hbm>> -> memref<2x72x256xf32, #tpu.memory_space<hbm>>
      %dma_wait3A_78 = arith.constant 0 : i32
      %dma_wait3A_79 = arith.constant 0 : i32
      %dma_wait3A_80 = arith.constant 0 : i32
      %dma_wait3A_81 = tpu.memref_slice %arg4[%add3A, %dma_wait3A_78, %dma_wait3A_79, %dma_wait3A_80] : memref<32x2x72x256xf32, #tpu.memory_space<hbm>> -> memref<1x2x72x256xf32, #tpu.memory_space<hbm>>
      %dma_wait3A_82 = tpu.memref_squeeze %dma_wait3A_81 : memref<1x2x72x256xf32, #tpu.memory_space<hbm>> -> memref<2x72x256xf32, #tpu.memory_space<hbm>>
      tpu.wait_dma2 semaphore(%run_scoped3A_62 : memref<!tpu.dma_semaphore, #tpu.memory_space<semaphore_mem>>) src(%dma_wait3A_82 : memref<2x72x256xf32, #tpu.memory_space<hbm>>) dst(%arg8 : memref<2x72x256xf32, #tpu.memory_space<vmem>>)
      tpu.yield
    }) : () -> ()
    %dma_wait3A = arith.constant 0 : i32
    %dma_wait3A_33 = arith.constant 0 : i32
    %dma_wait3A_34 = arith.constant 0 : i32
    %dma_wait3A_35 = arith.constant 0 : i32
    %dma_wait3A_36 = tpu.memref_slice %arg7[%dma_wait3A_33, %dma_wait3A_34, %dma_wait3A_35] : memref<2x72x256xf32, #tpu.memory_space<vmem>> -> memref<1x72x256xf32, #tpu.memory_space<vmem>>
    %dma_wait3A_37 = tpu.memref_squeeze %dma_wait3A_36 : memref<1x72x256xf32, #tpu.memory_space<vmem>> -> memref<72x256xf32, #tpu.memory_space<vmem>>
    %dma_wait3A_38 = arith.constant 0 : i32
    %dma_wait3A_39 = tpu.memref_slice %arg6[%dma_wait3A, %dma_wait3A_38] : memref<2x72xi32, #tpu.memory_space<vmem>> -> memref<1x72xi32, #tpu.memory_space<vmem>>
    %dma_wait3A_40 = tpu.memref_squeeze %dma_wait3A_39 : memref<1x72xi32, #tpu.memory_space<vmem>> -> memref<72xi32, #tpu.memory_space<vmem>>
    %dma_wait3A_41 = arith.constant 0 : i32
    %dma_wait3A_42 = arith.constant 0 : i32
    %dma_wait3A_43 = tpu.memref_slice %arg2[%dma_wait3A_41, %dma_wait3A_42] : memref<8192x256xf32, #tpu.memory_space<hbm>> -> memref<8192x256xf32, #tpu.memory_space<hbm>>
    tpu.wait_indirect_dma semaphore(%arg9 : memref<!tpu.dma_semaphore, #tpu.memory_space<semaphore_mem>>) src(%dma_wait3A_43 : memref<8192x256xf32, #tpu.memory_space<hbm>>) dst(%dma_wait3A_37 : memref<72x256xf32, #tpu.memory_space<vmem>>)
    %dma_wait3A_44 = arith.constant 1 : i32
    %dma_wait3A_45 = arith.constant 1 : i32
    %dma_wait3A_46 = arith.constant 0 : i32
    %dma_wait3A_47 = arith.constant 0 : i32
    %dma_wait3A_48 = tpu.memref_slice %arg7[%dma_wait3A_45, %dma_wait3A_46, %dma_wait3A_47] : memref<2x72x256xf32, #tpu.memory_space<vmem>> -> memref<1x72x256xf32, #tpu.memory_space<vmem>>
    %dma_wait3A_49 = tpu.memref_squeeze %dma_wait3A_48 : memref<1x72x256xf32, #tpu.memory_space<vmem>> -> memref<72x256xf32, #tpu.memory_space<vmem>>
    %dma_wait3A_50 = arith.constant 0 : i32
    %dma_wait3A_51 = tpu.memref_slice %arg6[%dma_wait3A_44, %dma_wait3A_50] : memref<2x72xi32, #tpu.memory_space<vmem>> -> memref<1x72xi32, #tpu.memory_space<vmem>>
    %dma_wait3A_52 = tpu.memref_squeeze %dma_wait3A_51 : memref<1x72xi32, #tpu.memory_space<vmem>> -> memref<72xi32, #tpu.memory_space<vmem>>
    %dma_wait3A_53 = arith.constant 0 : i32
    %dma_wait3A_54 = arith.constant 0 : i32
    %dma_wait3A_55 = tpu.memref_slice %arg2[%dma_wait3A_53, %dma_wait3A_54] : memref<8192x256xf32, #tpu.memory_space<hbm>> -> memref<8192x256xf32, #tpu.memory_space<hbm>>
    tpu.wait_indirect_dma semaphore(%arg9 : memref<!tpu.dma_semaphore, #tpu.memory_space<semaphore_mem>>) src(%dma_wait3A_55 : memref<8192x256xf32, #tpu.memory_space<hbm>>) dst(%dma_wait3A_49 : memref<72x256xf32, #tpu.memory_space<vmem>>)
    %scan3A = arith.constant 0 : i32
    %scan3A_56 = arith.constant 0 : i32
    %scan3A_57 = arith.constant 72 : i32
    %scan3A_58 = arith.addi %scan3A_56, %scan3A_57 : i32
    %scan3A_59 = arith.constant 1 : i32
    %scan3A_60 = scf.for %scan3A_62 = %scan3A_56 to %scan3A_58 step %scan3A_59 iter_args(%scan3A_63 = %scan3A) -> (i32)  : i32 {
      %get3A = arith.constant 0 : i32
      %get3A_64 = arith.index_cast %get3A : i32 to index
      %get3A_65 = arith.index_cast %scan3A_62 : i32 to index
      %get3A_66 = arith.constant 0 : index
      %get3A_67 = tpu.vector_load %arg7[%get3A_64, %get3A_65, %get3A_66] {strides = array<i32>} : memref<2x72x256xf32, #tpu.memory_space<vmem>>, vector<1x1x16xf32>,
      %get3A_68 = vector.shape_cast %get3A_67 : vector<1x1x16xf32> to vector<16xf32>
      %get3A_69 = arith.constant 0 : i32
      %get3A_70 = arith.index_cast %get3A_69 : i32 to index
      %get3A_71 = arith.index_cast %scan3A_62 : i32 to index
      %get3A_72 = arith.constant 0 : index
      %get3A_73 = tpu.vector_load %arg8[%get3A_70, %get3A_71, %get3A_72] {strides = array<i32>} : memref<2x72x256xf32, #tpu.memory_space<vmem>>, vector<1x1x16xf32>,
      %get3A_74 = vector.shape_cast %get3A_73 : vector<1x1x16xf32> to vector<16xf32>
      %add3A_75 = arith.addf %get3A_68, %get3A_74 : vector<16xf32>
      %swap3A = arith.constant 0 : i32
      %swap3A_76 = arith.index_cast %swap3A : i32 to index
      %swap3A_77 = arith.index_cast %scan3A_62 : i32 to index
      %swap3A_78 = arith.constant 0 : index
      %swap3A_79 = tpu.vector_load %arg7[%swap3A_76, %swap3A_77, %swap3A_78] {strides = array<i32>} : memref<2x72x256xf32, #tpu.memory_space<vmem>>, vector<1x1x16xf32>,
      %swap3A_80 = vector.shape_cast %swap3A_79 : vector<1x1x16xf32> to vector<16xf32>
      %swap3A_81 = vector.shape_cast %add3A_75 : vector<16xf32> to vector<1x1x16xf32>
      tpu.vector_store %arg7[%swap3A_76, %swap3A_77, %swap3A_78], %swap3A_81 {strides = array<i32>} : memref<2x72x256xf32, #tpu.memory_space<vmem>>, vector<1x1x16xf32>,
      %get3A_82 = arith.constant 0 : i32
      %get3A_83 = arith.index_cast %get3A_82 : i32 to index
      %get3A_84 = arith.index_cast %scan3A_62 : i32 to index
      %get3A_85 = arith.constant 16 : index
      %get3A_86 = tpu.vector_load %arg7[%get3A_83, %get3A_84, %get3A_85] {strides = array<i32>} : memref<2x72x256xf32, #tpu.memory_space<vmem>>, vector<1x1x16xf32>,
      %get3A_87 = vector.shape_cast %get3A_86 : vector<1x1x16xf32> to vector<16xf32>
      %get3A_88 = arith.constant 0 : i32
      %get3A_89 = arith.index_cast %get3A_88 : i32 to index
      %get3A_90 = arith.index_cast %scan3A_62 : i32 to index
      %get3A_91 = arith.constant 16 : index
      %get3A_92 = tpu.vector_load %arg8[%get3A_89, %get3A_90, %get3A_91] {strides = array<i32>} : memref<2x72x256xf32, #tpu.memory_space<vmem>>, vector<1x1x16xf32>,
      %get3A_93 = vector.shape_cast %get3A_92 : vector<1x1x16xf32> to vector<16xf32>
      %add3A_94 = arith.addf %get3A_87, %get3A_93 : vector<16xf32>
      %swap3A_95 = arith.constant 0 : i32
      %swap3A_96 = arith.index_cast %swap3A_95 : i32 to index
      %swap3A_97 = arith.index_cast %scan3A_62 : i32 to index
      %swap3A_98 = arith.constant 16 : index
      %swap3A_99 = tpu.vector_load %arg7[%swap3A_96, %swap3A_97, %swap3A_98] {strides = array<i32>} : memref<2x72x256xf32, #tpu.memory_space<vmem>>, vector<1x1x16xf32>,
      %swap3A_100 = vector.shape_cast %swap3A_99 : vector<1x1x16xf32> to vector<16xf32>
      %swap3A_101 = vector.shape_cast %add3A_94 : vector<16xf32> to vector<1x1x16xf32>
      tpu.vector_store %arg7[%swap3A_96, %swap3A_97, %swap3A_98], %swap3A_101 {strides = array<i32>} : memref<2x72x256xf32, #tpu.memory_space<vmem>>, vector<1x1x16xf32>,
      %get3A_102 = arith.constant 0 : i32
      %get3A_103 = arith.index_cast %get3A_102 : i32 to index
      %get3A_104 = arith.index_cast %scan3A_62 : i32 to index
      %get3A_105 = arith.constant 32 : index
      %get3A_106 = tpu.vector_load %arg7[%get3A_103, %get3A_104, %get3A_105] {strides = array<i32>} : memref<2x72x256xf32, #tpu.memory_space<vmem>>, vector<1x1x16xf32>,
      %get3A_107 = vector.shape_cast %get3A_106 : vector<1x1x16xf32> to vector<16xf32>
      %get3A_108 = arith.constant 0 : i32
      %get3A_109 = arith.index_cast %get3A_108 : i32 to index
      %get3A_110 = arith.index_cast %scan3A_62 : i32 to index
      %get3A_111 = arith.constant 32 : index
      %get3A_112 = tpu.vector_load %arg8[%get3A_109, %get3A_110, %get3A_111] {strides = array<i32>} : memref<2x72x256xf32, #tpu.memory_space<vmem>>, vector<1x1x16xf32>,
      %get3A_113 = vector.shape_cast %get3A_112 : vector<1x1x16xf32> to vector<16xf32>
      %add3A_114 = arith.addf %get3A_107, %get3A_113 : vector<16xf32>
      %swap3A_115 = arith.constant 0 : i32
      %swap3A_116 = arith.index_cast %swap3A_115 : i32 to index
      %swap3A_117 = arith.index_cast %scan3A_62 : i32 to index
      %swap3A_118 = arith.constant 32 : index
      %swap3A_119 = tpu.vector_load %arg7[%swap3A_116, %swap3A_117, %swap3A_118] {strides = array<i32>} : memref<2x72x256xf32, #tpu.memory_space<vmem>>, vector<1x1x16xf32>,
      %swap3A_120 = vector.shape_cast %swap3A_119 : vector<1x1x16xf32> to vector<16xf32>
      %swap3A_121 = vector.shape_cast %add3A_114 : vector<16xf32> to vector<1x1x16xf32>
      tpu.vector_store %arg7[%swap3A_116, %swap3A_117, %swap3A_118], %swap3A_121 {strides = array<i32>} : memref<2x72x256xf32, #tpu.memory_space<vmem>>, vector<1x1x16xf32>,
      %get3A_122 = arith.constant 0 : i32
      %get3A_123 = arith.index_cast %get3A_122 : i32 to index
      %get3A_124 = arith.index_cast %scan3A_62 : i32 to index
      %get3A_125 = arith.constant 48 : index
      %get3A_126 = tpu.vector_load %arg7[%get3A_123, %get3A_124, %get3A_125] {strides = array<i32>} : memref<2x72x256xf32, #tpu.memory_space<vmem>>, vector<1x1x16xf32>,
      %get3A_127 = vector.shape_cast %get3A_126 : vector<1x1x16xf32> to vector<16xf32>
      %get3A_128 = arith.constant 0 : i32
      %get3A_129 = arith.index_cast %get3A_128 : i32 to index
      %get3A_130 = arith.index_cast %scan3A_62 : i32 to index
      %get3A_131 = arith.constant 48 : index
      %get3A_132 = tpu.vector_load %arg8[%get3A_129, %get3A_130, %get3A_131] {strides = array<i32>} : memref<2x72x256xf32, #tpu.memory_space<vmem>>, vector<1x1x16xf32>,
      %get3A_133 = vector.shape_cast %get3A_132 : vector<1x1x16xf32> to vector<16xf32>
      %add3A_134 = arith.addf %get3A_127, %get3A_133 : vector<16xf32>
      %swap3A_135 = arith.constant 0 : i32
      %swap3A_136 = arith.index_cast %swap3A_135 : i32 to index
      %swap3A_137 = arith.index_cast %scan3A_62 : i32 to index
      %swap3A_138 = arith.constant 48 : index
      %swap3A_139 = tpu.vector_load %arg7[%swap3A_136, %swap3A_137, %swap3A_138] {strides = array<i32>} : memref<2x72x256xf32, #tpu.memory_space<vmem>>, vector<1x1x16xf32>,
      %swap3A_140 = vector.shape_cast %swap3A_139 : vector<1x1x16xf32> to vector<16xf32>
      %swap3A_141 = vector.shape_cast %add3A_134 : vector<16xf32> to vector<1x1x16xf32>
      tpu.vector_store %arg7[%swap3A_136, %swap3A_137, %swap3A_138], %swap3A_141 {strides = array<i32>} : memref<2x72x256xf32, #tpu.memory_space<vmem>>, vector<1x1x16xf32>,
      %get3A_142 = arith.constant 0 : i32
      %get3A_143 = arith.index_cast %get3A_142 : i32 to index
      %get3A_144 = arith.index_cast %scan3A_62 : i32 to index
      %get3A_145 = arith.constant 64 : index
      %get3A_146 = tpu.vector_load %arg7[%get3A_143, %get3A_144, %get3A_145] {strides = array<i32>} : memref<2x72x256xf32, #tpu.memory_space<vmem>>, vector<1x1x16xf32>,
      %get3A_147 = vector.shape_cast %get3A_146 : vector<1x1x16xf32> to vector<16xf32>
      %get3A_148 = arith.constant 0 : i32
      %get3A_149 = arith.index_cast %get3A_148 : i32 to index
      %get3A_150 = arith.index_cast %scan3A_62 : i32 to index
      %get3A_151 = arith.constant 64 : index
      %get3A_152 = tpu.vector_load %arg8[%get3A_149, %get3A_150, %get3A_151] {strides = array<i32>} : memref<2x72x256xf32, #tpu.memory_space<vmem>>, vector<1x1x16xf32>,
      %get3A_153 = vector.shape_cast %get3A_152 : vector<1x1x16xf32> to vector<16xf32>
      %add3A_154 = arith.addf %get3A_147, %get3A_153 : vector<16xf32>
      %swap3A_155 = arith.constant 0 : i32
      %swap3A_156 = arith.index_cast %swap3A_155 : i32 to index
      %swap3A_157 = arith.index_cast %scan3A_62 : i32 to index
      %swap3A_158 = arith.constant 64 : index
      %swap3A_159 = tpu.vector_load %arg7[%swap3A_156, %swap3A_157, %swap3A_158] {strides = array<i32>} : memref<2x72x256xf32, #tpu.memory_space<vmem>>, vector<1x1x16xf32>,
      %swap3A_160 = vector.shape_cast %swap3A_159 : vector<1x1x16xf32> to vector<16xf32>
      %swap3A_161 = vector.shape_cast %add3A_154 : vector<16xf32> to vector<1x1x16xf32>
      tpu.vector_store %arg7[%swap3A_156, %swap3A_157, %swap3A_158], %swap3A_161 {strides = array<i32>} : memref<2x72x256xf32, #tpu.memory_space<vmem>>, vector<1x1x16xf32>,
      %get3A_162 = arith.constant 0 : i32
      %get3A_163 = arith.index_cast %get3A_162 : i32 to index
      %get3A_164 = arith.index_cast %scan3A_62 : i32 to index
      %get3A_165 = arith.constant 80 : index
      %get3A_166 = tpu.vector_load %arg7[%get3A_163, %get3A_164, %get3A_165] {strides = array<i32>} : memref<2x72x256xf32, #tpu.memory_space<vmem>>, vector<1x1x16xf32>,
      %get3A_167 = vector.shape_cast %get3A_166 : vector<1x1x16xf32> to vector<16xf32>
      %get3A_168 = arith.constant 0 : i32
      %get3A_169 = arith.index_cast %get3A_168 : i32 to index
      %get3A_170 = arith.index_cast %scan3A_62 : i32 to index
      %get3A_171 = arith.constant 80 : index
      %get3A_172 = tpu.vector_load %arg8[%get3A_169, %get3A_170, %get3A_171] {strides = array<i32>} : memref<2x72x256xf32, #tpu.memory_space<vmem>>, vector<1x1x16xf32>,
      %get3A_173 = vector.shape_cast %get3A_172 : vector<1x1x16xf32> to vector<16xf32>
      %add3A_174 = arith.addf %get3A_167, %get3A_173 : vector<16xf32>
      %swap3A_175 = arith.constant 0 : i32
      %swap3A_176 = arith.index_cast %swap3A_175 : i32 to index
      %swap3A_177 = arith.index_cast %scan3A_62 : i32 to index
      %swap3A_178 = arith.constant 80 : index
      %swap3A_179 = tpu.vector_load %arg7[%swap3A_176, %swap3A_177, %swap3A_178] {strides = array<i32>} : memref<2x72x256xf32, #tpu.memory_space<vmem>>, vector<1x1x16xf32>,
      %swap3A_180 = vector.shape_cast %swap3A_179 : vector<1x1x16xf32> to vector<16xf32>
      %swap3A_181 = vector.shape_cast %add3A_174 : vector<16xf32> to vector<1x1x16xf32>
      tpu.vector_store %arg7[%swap3A_176, %swap3A_177, %swap3A_178], %swap3A_181 {strides = array<i32>} : memref<2x72x256xf32, #tpu.memory_space<vmem>>, vector<1x1x16xf32>,
      %get3A_182 = arith.constant 0 : i32
      %get3A_183 = arith.index_cast %get3A_182 : i32 to index
      %get3A_184 = arith.index_cast %scan3A_62 : i32 to index
      %get3A_185 = arith.constant 96 : index
      %get3A_186 = tpu.vector_load %arg7[%get3A_183, %get3A_184, %get3A_185] {strides = array<i32>} : memref<2x72x256xf32, #tpu.memory_space<vmem>>, vector<1x1x16xf32>,
      %get3A_187 = vector.shape_cast %get3A_186 : vector<1x1x16xf32> to vector<16xf32>
      %get3A_188 = arith.constant 0 : i32
      %get3A_189 = arith.index_cast %get3A_188 : i32 to index
      %get3A_190 = arith.index_cast %scan3A_62 : i32 to index
      %get3A_191 = arith.constant 96 : index
      %get3A_192 = tpu.vector_load %arg8[%get3A_189, %get3A_190, %get3A_191] {strides = array<i32>} : memref<2x72x256xf32, #tpu.memory_space<vmem>>, vector<1x1x16xf32>,
      %get3A_193 = vector.shape_cast %get3A_192 : vector<1x1x16xf32> to vector<16xf32>
      %add3A_194 = arith.addf %get3A_187, %get3A_193 : vector<16xf32>
      %swap3A_195 = arith.constant 0 : i32
      %swap3A_196 = arith.index_cast %swap3A_195 : i32 to index
      %swap3A_197 = arith.index_cast %scan3A_62 : i32 to index
      %swap3A_198 = arith.constant 96 : index
      %swap3A_199 = tpu.vector_load %arg7[%swap3A_196, %swap3A_197, %swap3A_198] {strides = array<i32>} : memref<2x72x256xf32, #tpu.memory_space<vmem>>, vector<1x1x16xf32>,
      %swap3A_200 = vector.shape_cast %swap3A_199 : vector<1x1x16xf32> to vector<16xf32>
      %swap3A_201 = vector.shape_cast %add3A_194 : vector<16xf32> to vector<1x1x16xf32>
      tpu.vector_store %arg7[%swap3A_196, %swap3A_197, %swap3A_198], %swap3A_201 {strides = array<i32>} : memref<2x72x256xf32, #tpu.memory_space<vmem>>, vector<1x1x16xf32>,
      %get3A_202 = arith.constant 0 : i32
      %get3A_203 = arith.index_cast %get3A_202 : i32 to index
      %get3A_204 = arith.index_cast %scan3A_62 : i32 to index
      %get3A_205 = arith.constant 112 : index
      %get3A_206 = tpu.vector_load %arg7[%get3A_203, %get3A_204, %get3A_205] {strides = array<i32>} : memref<2x72x256xf32, #tpu.memory_space<vmem>>, vector<1x1x16xf32>,
      %get3A_207 = vector.shape_cast %get3A_206 : vector<1x1x16xf32> to vector<16xf32>
      %get3A_208 = arith.constant 0 : i32
      %get3A_209 = arith.index_cast %get3A_208 : i32 to index
      %get3A_210 = arith.index_cast %scan3A_62 : i32 to index
      %get3A_211 = arith.constant 112 : index
      %get3A_212 = tpu.vector_load %arg8[%get3A_209, %get3A_210, %get3A_211] {strides = array<i32>} : memref<2x72x256xf32, #tpu.memory_space<vmem>>, vector<1x1x16xf32>,
      %get3A_213 = vector.shape_cast %get3A_212 : vector<1x1x16xf32> to vector<16xf32>
      %add3A_214 = arith.addf %get3A_207, %get3A_213 : vector<16xf32>
      %swap3A_215 = arith.constant 0 : i32
      %swap3A_216 = arith.index_cast %swap3A_215 : i32 to index
      %swap3A_217 = arith.index_cast %scan3A_62 : i32 to index
      %swap3A_218 = arith.constant 112 : index
      %swap3A_219 = tpu.vector_load %arg7[%swap3A_216, %swap3A_217, %swap3A_218] {strides = array<i32>} : memref<2x72x256xf32, #tpu.memory_space<vmem>>, vector<1x1x16xf32>,
      %swap3A_220 = vector.shape_cast %swap3A_219 : vector<1x1x16xf32> to vector<16xf32>
      %swap3A_221 = vector.shape_cast %add3A_214 : vector<16xf32> to vector<1x1x16xf32>
      tpu.vector_store %arg7[%swap3A_216, %swap3A_217, %swap3A_218], %swap3A_221 {strides = array<i32>} : memref<2x72x256xf32, #tpu.memory_space<vmem>>, vector<1x1x16xf32>,
      %get3A_222 = arith.constant 0 : i32
      %get3A_223 = arith.index_cast %get3A_222 : i32 to index
      %get3A_224 = arith.index_cast %scan3A_62 : i32 to index
      %get3A_225 = arith.constant 128 : index
      %get3A_226 = tpu.vector_load %arg7[%get3A_223, %get3A_224, %get3A_225] {strides = array<i32>} : memref<2x72x256xf32, #tpu.memory_space<vmem>>, vector<1x1x16xf32>,
      %get3A_227 = vector.shape_cast %get3A_226 : vector<1x1x16xf32> to vector<16xf32>
      %get3A_228 = arith.constant 0 : i32
      %get3A_229 = arith.index_cast %get3A_228 : i32 to index
      %get3A_230 = arith.index_cast %scan3A_62 : i32 to index
      %get3A_231 = arith.constant 128 : index
      %get3A_232 = tpu.vector_load %arg8[%get3A_229, %get3A_230, %get3A_231] {strides = array<i32>} : memref<2x72x256xf32, #tpu.memory_space<vmem>>, vector<1x1x16xf32>,
      %get3A_233 = vector.shape_cast %get3A_232 : vector<1x1x16xf32> to vector<16xf32>
      %add3A_234 = arith.addf %get3A_227, %get3A_233 : vector<16xf32>
      %swap3A_235 = arith.constant 0 : i32
      %swap3A_236 = arith.index_cast %swap3A_235 : i32 to index
      %swap3A_237 = arith.index_cast %scan3A_62 : i32 to index
      %swap3A_238 = arith.constant 128 : index
      %swap3A_239 = tpu.vector_load %arg7[%swap3A_236, %swap3A_237, %swap3A_238] {strides = array<i32>} : memref<2x72x256xf32, #tpu.memory_space<vmem>>, vector<1x1x16xf32>,
      %swap3A_240 = vector.shape_cast %swap3A_239 : vector<1x1x16xf32> to vector<16xf32>
      %swap3A_241 = vector.shape_cast %add3A_234 : vector<16xf32> to vector<1x1x16xf32>
      tpu.vector_store %arg7[%swap3A_236, %swap3A_237, %swap3A_238], %swap3A_241 {strides = array<i32>} : memref<2x72x256xf32, #tpu.memory_space<vmem>>, vector<1x1x16xf32>,
      %get3A_242 = arith.constant 0 : i32
      %get3A_243 = arith.index_cast %get3A_242 : i32 to index
      %get3A_244 = arith.index_cast %scan3A_62 : i32 to index
      %get3A_245 = arith.constant 144 : index
      %get3A_246 = tpu.vector_load %arg7[%get3A_243, %get3A_244, %get3A_245] {strides = array<i32>} : memref<2x72x256xf32, #tpu.memory_space<vmem>>, vector<1x1x16xf32>,
      %get3A_247 = vector.shape_cast %get3A_246 : vector<1x1x16xf32> to vector<16xf32>
      %get3A_248 = arith.constant 0 : i32
      %get3A_249 = arith.index_cast %get3A_248 : i32 to index
      %get3A_250 = arith.index_cast %scan3A_62 : i32 to index
      %get3A_251 = arith.constant 144 : index
      %get3A_252 = tpu.vector_load %arg8[%get3A_249, %get3A_250, %get3A_251] {strides = array<i32>} : memref<2x72x256xf32, #tpu.memory_space<vmem>>, vector<1x1x16xf32>,
      %get3A_253 = vector.shape_cast %get3A_252 : vector<1x1x16xf32> to vector<16xf32>
      %add3A_254 = arith.addf %get3A_247, %get3A_253 : vector<16xf32>
      %swap3A_255 = arith.constant 0 : i32
      %swap3A_256 = arith.index_cast %swap3A_255 : i32 to index
      %swap3A_257 = arith.index_cast %scan3A_62 : i32 to index
      %swap3A_258 = arith.constant 144 : index
      %swap3A_259 = tpu.vector_load %arg7[%swap3A_256, %swap3A_257, %swap3A_258] {strides = array<i32>} : memref<2x72x256xf32, #tpu.memory_space<vmem>>, vector<1x1x16xf32>,
      %swap3A_260 = vector.shape_cast %swap3A_259 : vector<1x1x16xf32> to vector<16xf32>
      %swap3A_261 = vector.shape_cast %add3A_254 : vector<16xf32> to vector<1x1x16xf32>
      tpu.vector_store %arg7[%swap3A_256, %swap3A_257, %swap3A_258], %swap3A_261 {strides = array<i32>} : memref<2x72x256xf32, #tpu.memory_space<vmem>>, vector<1x1x16xf32>,
      %get3A_262 = arith.constant 0 : i32
      %get3A_263 = arith.index_cast %get3A_262 : i32 to index
      %get3A_264 = arith.index_cast %scan3A_62 : i32 to index
      %get3A_265 = arith.constant 160 : index
      %get3A_266 = tpu.vector_load %arg7[%get3A_263, %get3A_264, %get3A_265] {strides = array<i32>} : memref<2x72x256xf32, #tpu.memory_space<vmem>>, vector<1x1x16xf32>,
      %get3A_267 = vector.shape_cast %get3A_266 : vector<1x1x16xf32> to vector<16xf32>
      %get3A_268 = arith.constant 0 : i32
      %get3A_269 = arith.index_cast %get3A_268 : i32 to index
      %get3A_270 = arith.index_cast %scan3A_62 : i32 to index
      %get3A_271 = arith.constant 160 : index
      %get3A_272 = tpu.vector_load %arg8[%get3A_269, %get3A_270, %get3A_271] {strides = array<i32>} : memref<2x72x256xf32, #tpu.memory_space<vmem>>, vector<1x1x16xf32>,
      %get3A_273 = vector.shape_cast %get3A_272 : vector<1x1x16xf32> to vector<16xf32>
      %add3A_274 = arith.addf %get3A_267, %get3A_273 : vector<16xf32>
      %swap3A_275 = arith.constant 0 : i32
      %swap3A_276 = arith.index_cast %swap3A_275 : i32 to index
      %swap3A_277 = arith.index_cast %scan3A_62 : i32 to index
      %swap3A_278 = arith.constant 160 : index
      %swap3A_279 = tpu.vector_load %arg7[%swap3A_276, %swap3A_277, %swap3A_278] {strides = array<i32>} : memref<2x72x256xf32, #tpu.memory_space<vmem>>, vector<1x1x16xf32>,
      %swap3A_280 = vector.shape_cast %swap3A_279 : vector<1x1x16xf32> to vector<16xf32>
      %swap3A_281 = vector.shape_cast %add3A_274 : vector<16xf32> to vector<1x1x16xf32>
      tpu.vector_store %arg7[%swap3A_276, %swap3A_277, %swap3A_278], %swap3A_281 {strides = array<i32>} : memref<2x72x256xf32, #tpu.memory_space<vmem>>, vector<1x1x16xf32>,
      %get3A_282 = arith.constant 0 : i32
      %get3A_283 = arith.index_cast %get3A_282 : i32 to index
      %get3A_284 = arith.index_cast %scan3A_62 : i32 to index
      %get3A_285 = arith.constant 176 : index
      %get3A_286 = tpu.vector_load %arg7[%get3A_283, %get3A_284, %get3A_285] {strides = array<i32>} : memref<2x72x256xf32, #tpu.memory_space<vmem>>, vector<1x1x16xf32>,
      %get3A_287 = vector.shape_cast %get3A_286 : vector<1x1x16xf32> to vector<16xf32>
      %get3A_288 = arith.constant 0 : i32
      %get3A_289 = arith.index_cast %get3A_288 : i32 to index
      %get3A_290 = arith.index_cast %scan3A_62 : i32 to index
      %get3A_291 = arith.constant 176 : index
      %get3A_292 = tpu.vector_load %arg8[%get3A_289, %get3A_290, %get3A_291] {strides = array<i32>} : memref<2x72x256xf32, #tpu.memory_space<vmem>>, vector<1x1x16xf32>,
      %get3A_293 = vector.shape_cast %get3A_292 : vector<1x1x16xf32> to vector<16xf32>
      %add3A_294 = arith.addf %get3A_287, %get3A_293 : vector<16xf32>
      %swap3A_295 = arith.constant 0 : i32
      %swap3A_296 = arith.index_cast %swap3A_295 : i32 to index
      %swap3A_297 = arith.index_cast %scan3A_62 : i32 to index
      %swap3A_298 = arith.constant 176 : index
      %swap3A_299 = tpu.vector_load %arg7[%swap3A_296, %swap3A_297, %swap3A_298] {strides = array<i32>} : memref<2x72x256xf32, #tpu.memory_space<vmem>>, vector<1x1x16xf32>,
      %swap3A_300 = vector.shape_cast %swap3A_299 : vector<1x1x16xf32> to vector<16xf32>
      %swap3A_301 = vector.shape_cast %add3A_294 : vector<16xf32> to vector<1x1x16xf32>
      tpu.vector_store %arg7[%swap3A_296, %swap3A_297, %swap3A_298], %swap3A_301 {strides = array<i32>} : memref<2x72x256xf32, #tpu.memory_space<vmem>>, vector<1x1x16xf32>,
      %get3A_302 = arith.constant 0 : i32
      %get3A_303 = arith.index_cast %get3A_302 : i32 to index
      %get3A_304 = arith.index_cast %scan3A_62 : i32 to index
      %get3A_305 = arith.constant 192 : index
      %get3A_306 = tpu.vector_load %arg7[%get3A_303, %get3A_304, %get3A_305] {strides = array<i32>} : memref<2x72x256xf32, #tpu.memory_space<vmem>>, vector<1x1x16xf32>,
      %get3A_307 = vector.shape_cast %get3A_306 : vector<1x1x16xf32> to vector<16xf32>
      %get3A_308 = arith.constant 0 : i32
      %get3A_309 = arith.index_cast %get3A_308 : i32 to index
      %get3A_310 = arith.index_cast %scan3A_62 : i32 to index
      %get3A_311 = arith.constant 192 : index
      %get3A_312 = tpu.vector_load %arg8[%get3A_309, %get3A_310, %get3A_311] {strides = array<i32>} : memref<2x72x256xf32, #tpu.memory_space<vmem>>, vector<1x1x16xf32>,
      %get3A_313 = vector.shape_cast %get3A_312 : vector<1x1x16xf32> to vector<16xf32>
      %add3A_314 = arith.addf %get3A_307, %get3A_313 : vector<16xf32>
      %swap3A_315 = arith.constant 0 : i32
      %swap3A_316 = arith.index_cast %swap3A_315 : i32 to index
      %swap3A_317 = arith.index_cast %scan3A_62 : i32 to index
      %swap3A_318 = arith.constant 192 : index
      %swap3A_319 = tpu.vector_load %arg7[%swap3A_316, %swap3A_317, %swap3A_318] {strides = array<i32>} : memref<2x72x256xf32, #tpu.memory_space<vmem>>, vector<1x1x16xf32>,
      %swap3A_320 = vector.shape_cast %swap3A_319 : vector<1x1x16xf32> to vector<16xf32>
      %swap3A_321 = vector.shape_cast %add3A_314 : vector<16xf32> to vector<1x1x16xf32>
      tpu.vector_store %arg7[%swap3A_316, %swap3A_317, %swap3A_318], %swap3A_321 {strides = array<i32>} : memref<2x72x256xf32, #tpu.memory_space<vmem>>, vector<1x1x16xf32>,
      %get3A_322 = arith.constant 0 : i32
      %get3A_323 = arith.index_cast %get3A_322 : i32 to index
      %get3A_324 = arith.index_cast %scan3A_62 : i32 to index
      %get3A_325 = arith.constant 208 : index
      %get3A_326 = tpu.vector_load %arg7[%get3A_323, %get3A_324, %get3A_325] {strides = array<i32>} : memref<2x72x256xf32, #tpu.memory_space<vmem>>, vector<1x1x16xf32>,
      %get3A_327 = vector.shape_cast %get3A_326 : vector<1x1x16xf32> to vector<16xf32>
      %get3A_328 = arith.constant 0 : i32
      %get3A_329 = arith.index_cast %get3A_328 : i32 to index
      %get3A_330 = arith.index_cast %scan3A_62 : i32 to index
      %get3A_331 = arith.constant 208 : index
      %get3A_332 = tpu.vector_load %arg8[%get3A_329, %get3A_330, %get3A_331] {strides = array<i32>} : memref<2x72x256xf32, #tpu.memory_space<vmem>>, vector<1x1x16xf32>,
      %get3A_333 = vector.shape_cast %get3A_332 : vector<1x1x16xf32> to vector<16xf32>
      %add3A_334 = arith.addf %get3A_327, %get3A_333 : vector<16xf32>
      %swap3A_335 = arith.constant 0 : i32
      %swap3A_336 = arith.index_cast %swap3A_335 : i32 to index
      %swap3A_337 = arith.index_cast %scan3A_62 : i32 to index
      %swap3A_338 = arith.constant 208 : index
      %swap3A_339 = tpu.vector_load %arg7[%swap3A_336, %swap3A_337, %swap3A_338] {strides = array<i32>} : memref<2x72x256xf32, #tpu.memory_space<vmem>>, vector<1x1x16xf32>,
      %swap3A_340 = vector.shape_cast %swap3A_339 : vector<1x1x16xf32> to vector<16xf32>
      %swap3A_341 = vector.shape_cast %add3A_334 : vector<16xf32> to vector<1x1x16xf32>
      tpu.vector_store %arg7[%swap3A_336, %swap3A_337, %swap3A_338], %swap3A_341 {strides = array<i32>} : memref<2x72x256xf32, #tpu.memory_space<vmem>>, vector<1x1x16xf32>,
      %get3A_342 = arith.constant 0 : i32
      %get3A_343 = arith.index_cast %get3A_342 : i32 to index
      %get3A_344 = arith.index_cast %scan3A_62 : i32 to index
      %get3A_345 = arith.constant 224 : index
      %get3A_346 = tpu.vector_load %arg7[%get3A_343, %get3A_344, %get3A_345] {strides = array<i32>} : memref<2x72x256xf32, #tpu.memory_space<vmem>>, vector<1x1x16xf32>,
      %get3A_347 = vector.shape_cast %get3A_346 : vector<1x1x16xf32> to vector<16xf32>
      %get3A_348 = arith.constant 0 : i32
      %get3A_349 = arith.index_cast %get3A_348 : i32 to index
      %get3A_350 = arith.index_cast %scan3A_62 : i32 to index
      %get3A_351 = arith.constant 224 : index
      %get3A_352 = tpu.vector_load %arg8[%get3A_349, %get3A_350, %get3A_351] {strides = array<i32>} : memref<2x72x256xf32, #tpu.memory_space<vmem>>, vector<1x1x16xf32>,
      %get3A_353 = vector.shape_cast %get3A_352 : vector<1x1x16xf32> to vector<16xf32>
      %add3A_354 = arith.addf %get3A_347, %get3A_353 : vector<16xf32>
      %swap3A_355 = arith.constant 0 : i32
      %swap3A_356 = arith.index_cast %swap3A_355 : i32 to index
      %swap3A_357 = arith.index_cast %scan3A_62 : i32 to index
      %swap3A_358 = arith.constant 224 : index
      %swap3A_359 = tpu.vector_load %arg7[%swap3A_356, %swap3A_357, %swap3A_358] {strides = array<i32>} : memref<2x72x256xf32, #tpu.memory_space<vmem>>, vector<1x1x16xf32>,
      %swap3A_360 = vector.shape_cast %swap3A_359 : vector<1x1x16xf32> to vector<16xf32>
      %swap3A_361 = vector.shape_cast %add3A_354 : vector<16xf32> to vector<1x1x16xf32>
      tpu.vector_store %arg7[%swap3A_356, %swap3A_357, %swap3A_358], %swap3A_361 {strides = array<i32>} : memref<2x72x256xf32, #tpu.memory_space<vmem>>, vector<1x1x16xf32>,
      %get3A_362 = arith.constant 0 : i32
      %get3A_363 = arith.index_cast %get3A_362 : i32 to index
      %get3A_364 = arith.index_cast %scan3A_62 : i32 to index
      %get3A_365 = arith.constant 240 : index
      %get3A_366 = tpu.vector_load %arg7[%get3A_363, %get3A_364, %get3A_365] {strides = array<i32>} : memref<2x72x256xf32, #tpu.memory_space<vmem>>, vector<1x1x16xf32>,
      %get3A_367 = vector.shape_cast %get3A_366 : vector<1x1x16xf32> to vector<16xf32>
      %get3A_368 = arith.constant 0 : i32
      %get3A_369 = arith.index_cast %get3A_368 : i32 to index
      %get3A_370 = arith.index_cast %scan3A_62 : i32 to index
      %get3A_371 = arith.constant 240 : index
      %get3A_372 = tpu.vector_load %arg8[%get3A_369, %get3A_370, %get3A_371] {strides = array<i32>} : memref<2x72x256xf32, #tpu.memory_space<vmem>>, vector<1x1x16xf32>,
      %get3A_373 = vector.shape_cast %get3A_372 : vector<1x1x16xf32> to vector<16xf32>
      %add3A_374 = arith.addf %get3A_367, %get3A_373 : vector<16xf32>
      %swap3A_375 = arith.constant 0 : i32
      %swap3A_376 = arith.index_cast %swap3A_375 : i32 to index
      %swap3A_377 = arith.index_cast %scan3A_62 : i32 to index
      %swap3A_378 = arith.constant 240 : index
      %swap3A_379 = tpu.vector_load %arg7[%swap3A_376, %swap3A_377, %swap3A_378] {strides = array<i32>} : memref<2x72x256xf32, #tpu.memory_space<vmem>>, vector<1x1x16xf32>,
      %swap3A_380 = vector.shape_cast %swap3A_379 : vector<1x1x16xf32> to vector<16xf32>
      %swap3A_381 = vector.shape_cast %add3A_374 : vector<16xf32> to vector<1x1x16xf32>
      tpu.vector_store %arg7[%swap3A_376, %swap3A_377, %swap3A_378], %swap3A_381 {strides = array<i32>} : memref<2x72x256xf32, #tpu.memory_space<vmem>>, vector<1x1x16xf32>,
      %get3A_382 = arith.constant 1 : i32
      %get3A_383 = arith.index_cast %get3A_382 : i32 to index
      %get3A_384 = arith.index_cast %scan3A_62 : i32 to index
      %get3A_385 = arith.constant 0 : index
      %get3A_386 = tpu.vector_load %arg7[%get3A_383, %get3A_384, %get3A_385] {strides = array<i32>} : memref<2x72x256xf32, #tpu.memory_space<vmem>>, vector<1x1x16xf32>,
      %get3A_387 = vector.shape_cast %get3A_386 : vector<1x1x16xf32> to vector<16xf32>
      %get3A_388 = arith.constant 1 : i32
      %get3A_389 = arith.index_cast %get3A_388 : i32 to index
      %get3A_390 = arith.index_cast %scan3A_62 : i32 to index
      %get3A_391 = arith.constant 0 : index
      %get3A_392 = tpu.vector_load %arg8[%get3A_389, %get3A_390, %get3A_391] {strides = array<i32>} : memref<2x72x256xf32, #tpu.memory_space<vmem>>, vector<1x1x16xf32>,
      %get3A_393 = vector.shape_cast %get3A_392 : vector<1x1x16xf32> to vector<16xf32>
      %add3A_394 = arith.addf %get3A_387, %get3A_393 : vector<16xf32>
      %swap3A_395 = arith.constant 1 : i32
      %swap3A_396 = arith.index_cast %swap3A_395 : i32 to index
      %swap3A_397 = arith.index_cast %scan3A_62 : i32 to index
      %swap3A_398 = arith.constant 0 : index
      %swap3A_399 = tpu.vector_load %arg7[%swap3A_396, %swap3A_397, %swap3A_398] {strides = array<i32>} : memref<2x72x256xf32, #tpu.memory_space<vmem>>, vector<1x1x16xf32>,
      %swap3A_400 = vector.shape_cast %swap3A_399 : vector<1x1x16xf32> to vector<16xf32>
      %swap3A_401 = vector.shape_cast %add3A_394 : vector<16xf32> to vector<1x1x16xf32>
      tpu.vector_store %arg7[%swap3A_396, %swap3A_397, %swap3A_398], %swap3A_401 {strides = array<i32>} : memref<2x72x256xf32, #tpu.memory_space<vmem>>, vector<1x1x16xf32>,
      %get3A_402 = arith.constant 1 : i32
      %get3A_403 = arith.index_cast %get3A_402 : i32 to index
      %get3A_404 = arith.index_cast %scan3A_62 : i32 to index
      %get3A_405 = arith.constant 16 : index
      %get3A_406 = tpu.vector_load %arg7[%get3A_403, %get3A_404, %get3A_405] {strides = array<i32>} : memref<2x72x256xf32, #tpu.memory_space<vmem>>, vector<1x1x16xf32>,
      %get3A_407 = vector.shape_cast %get3A_406 : vector<1x1x16xf32> to vector<16xf32>
      %get3A_408 = arith.constant 1 : i32
      %get3A_409 = arith.index_cast %get3A_408 : i32 to index
      %get3A_410 = arith.index_cast %scan3A_62 : i32 to index
      %get3A_411 = arith.constant 16 : index
      %get3A_412 = tpu.vector_load %arg8[%get3A_409, %get3A_410, %get3A_411] {strides = array<i32>} : memref<2x72x256xf32, #tpu.memory_space<vmem>>, vector<1x1x16xf32>,
      %get3A_413 = vector.shape_cast %get3A_412 : vector<1x1x16xf32> to vector<16xf32>
      %add3A_414 = arith.addf %get3A_407, %get3A_413 : vector<16xf32>
      %swap3A_415 = arith.constant 1 : i32
      %swap3A_416 = arith.index_cast %swap3A_415 : i32 to index
      %swap3A_417 = arith.index_cast %scan3A_62 : i32 to index
      %swap3A_418 = arith.constant 16 : index
      %swap3A_419 = tpu.vector_load %arg7[%swap3A_416, %swap3A_417, %swap3A_418] {strides = array<i32>} : memref<2x72x256xf32, #tpu.memory_space<vmem>>, vector<1x1x16xf32>,
      %swap3A_420 = vector.shape_cast %swap3A_419 : vector<1x1x16xf32> to vector<16xf32>
      %swap3A_421 = vector.shape_cast %add3A_414 : vector<16xf32> to vector<1x1x16xf32>
      tpu.vector_store %arg7[%swap3A_416, %swap3A_417, %swap3A_418], %swap3A_421 {strides = array<i32>} : memref<2x72x256xf32, #tpu.memory_space<vmem>>, vector<1x1x16xf32>,
      %get3A_422 = arith.constant 1 : i32
      %get3A_423 = arith.index_cast %get3A_422 : i32 to index
      %get3A_424 = arith.index_cast %scan3A_62 : i32 to index
      %get3A_425 = arith.constant 32 : index
      %get3A_426 = tpu.vector_load %arg7[%get3A_423, %get3A_424, %get3A_425] {strides = array<i32>} : memref<2x72x256xf32, #tpu.memory_space<vmem>>, vector<1x1x16xf32>,
      %get3A_427 = vector.shape_cast %get3A_426 : vector<1x1x16xf32> to vector<16xf32>
      %get3A_428 = arith.constant 1 : i32
      %get3A_429 = arith.index_cast %get3A_428 : i32 to index
      %get3A_430 = arith.index_cast %scan3A_62 : i32 to index
      %get3A_431 = arith.constant 32 : index
      %get3A_432 = tpu.vector_load %arg8[%get3A_429, %get3A_430, %get3A_431] {strides = array<i32>} : memref<2x72x256xf32, #tpu.memory_space<vmem>>, vector<1x1x16xf32>,
      %get3A_433 = vector.shape_cast %get3A_432 : vector<1x1x16xf32> to vector<16xf32>
      %add3A_434 = arith.addf %get3A_427, %get3A_433 : vector<16xf32>
      %swap3A_435 = arith.constant 1 : i32
      %swap3A_436 = arith.index_cast %swap3A_435 : i32 to index
      %swap3A_437 = arith.index_cast %scan3A_62 : i32 to index
      %swap3A_438 = arith.constant 32 : index
      %swap3A_439 = tpu.vector_load %arg7[%swap3A_436, %swap3A_437, %swap3A_438] {strides = array<i32>} : memref<2x72x256xf32, #tpu.memory_space<vmem>>, vector<1x1x16xf32>,
      %swap3A_440 = vector.shape_cast %swap3A_439 : vector<1x1x16xf32> to vector<16xf32>
      %swap3A_441 = vector.shape_cast %add3A_434 : vector<16xf32> to vector<1x1x16xf32>
      tpu.vector_store %arg7[%swap3A_436, %swap3A_437, %swap3A_438], %swap3A_441 {strides = array<i32>} : memref<2x72x256xf32, #tpu.memory_space<vmem>>, vector<1x1x16xf32>,
      %get3A_442 = arith.constant 1 : i32
      %get3A_443 = arith.index_cast %get3A_442 : i32 to index
      %get3A_444 = arith.index_cast %scan3A_62 : i32 to index
      %get3A_445 = arith.constant 48 : index
      %get3A_446 = tpu.vector_load %arg7[%get3A_443, %get3A_444, %get3A_445] {strides = array<i32>} : memref<2x72x256xf32, #tpu.memory_space<vmem>>, vector<1x1x16xf32>,
      %get3A_447 = vector.shape_cast %get3A_446 : vector<1x1x16xf32> to vector<16xf32>
      %get3A_448 = arith.constant 1 : i32
      %get3A_449 = arith.index_cast %get3A_448 : i32 to index
      %get3A_450 = arith.index_cast %scan3A_62 : i32 to index
      %get3A_451 = arith.constant 48 : index
      %get3A_452 = tpu.vector_load %arg8[%get3A_449, %get3A_450, %get3A_451] {strides = array<i32>} : memref<2x72x256xf32, #tpu.memory_space<vmem>>, vector<1x1x16xf32>,
      %get3A_453 = vector.shape_cast %get3A_452 : vector<1x1x16xf32> to vector<16xf32>
      %add3A_454 = arith.addf %get3A_447, %get3A_453 : vector<16xf32>
      %swap3A_455 = arith.constant 1 : i32
      %swap3A_456 = arith.index_cast %swap3A_455 : i32 to index
      %swap3A_457 = arith.index_cast %scan3A_62 : i32 to index
      %swap3A_458 = arith.constant 48 : index
      %swap3A_459 = tpu.vector_load %arg7[%swap3A_456, %swap3A_457, %swap3A_458] {strides = array<i32>} : memref<2x72x256xf32, #tpu.memory_space<vmem>>, vector<1x1x16xf32>,
      %swap3A_460 = vector.shape_cast %swap3A_459 : vector<1x1x16xf32> to vector<16xf32>
      %swap3A_461 = vector.shape_cast %add3A_454 : vector<16xf32> to vector<1x1x16xf32>
      tpu.vector_store %arg7[%swap3A_456, %swap3A_457, %swap3A_458], %swap3A_461 {strides = array<i32>} : memref<2x72x256xf32, #tpu.memory_space<vmem>>, vector<1x1x16xf32>,
      %get3A_462 = arith.constant 1 : i32
      %get3A_463 = arith.index_cast %get3A_462 : i32 to index
      %get3A_464 = arith.index_cast %scan3A_62 : i32 to index
      %get3A_465 = arith.constant 64 : index
      %get3A_466 = tpu.vector_load %arg7[%get3A_463, %get3A_464, %get3A_465] {strides = array<i32>} : memref<2x72x256xf32, #tpu.memory_space<vmem>>, vector<1x1x16xf32>,
      %get3A_467 = vector.shape_cast %get3A_466 : vector<1x1x16xf32> to vector<16xf32>
      %get3A_468 = arith.constant 1 : i32
      %get3A_469 = arith.index_cast %get3A_468 : i32 to index
      %get3A_470 = arith.index_cast %scan3A_62 : i32 to index
      %get3A_471 = arith.constant 64 : index
      %get3A_472 = tpu.vector_load %arg8[%get3A_469, %get3A_470, %get3A_471] {strides = array<i32>} : memref<2x72x256xf32, #tpu.memory_space<vmem>>, vector<1x1x16xf32>,
      %get3A_473 = vector.shape_cast %get3A_472 : vector<1x1x16xf32> to vector<16xf32>
      %add3A_474 = arith.addf %get3A_467, %get3A_473 : vector<16xf32>
      %swap3A_475 = arith.constant 1 : i32
      %swap3A_476 = arith.index_cast %swap3A_475 : i32 to index
      %swap3A_477 = arith.index_cast %scan3A_62 : i32 to index
      %swap3A_478 = arith.constant 64 : index
      %swap3A_479 = tpu.vector_load %arg7[%swap3A_476, %swap3A_477, %swap3A_478] {strides = array<i32>} : memref<2x72x256xf32, #tpu.memory_space<vmem>>, vector<1x1x16xf32>,
      %swap3A_480 = vector.shape_cast %swap3A_479 : vector<1x1x16xf32> to vector<16xf32>
      %swap3A_481 = vector.shape_cast %add3A_474 : vector<16xf32> to vector<1x1x16xf32>
      tpu.vector_store %arg7[%swap3A_476, %swap3A_477, %swap3A_478], %swap3A_481 {strides = array<i32>} : memref<2x72x256xf32, #tpu.memory_space<vmem>>, vector<1x1x16xf32>,
      %get3A_482 = arith.constant 1 : i32
      %get3A_483 = arith.index_cast %get3A_482 : i32 to index
      %get3A_484 = arith.index_cast %scan3A_62 : i32 to index
      %get3A_485 = arith.constant 80 : index
      %get3A_486 = tpu.vector_load %arg7[%get3A_483, %get3A_484, %get3A_485] {strides = array<i32>} : memref<2x72x256xf32, #tpu.memory_space<vmem>>, vector<1x1x16xf32>,
      %get3A_487 = vector.shape_cast %get3A_486 : vector<1x1x16xf32> to vector<16xf32>
      %get3A_488 = arith.constant 1 : i32
      %get3A_489 = arith.index_cast %get3A_488 : i32 to index
      %get3A_490 = arith.index_cast %scan3A_62 : i32 to index
      %get3A_491 = arith.constant 80 : index
      %get3A_492 = tpu.vector_load %arg8[%get3A_489, %get3A_490, %get3A_491] {strides = array<i32>} : memref<2x72x256xf32, #tpu.memory_space<vmem>>, vector<1x1x16xf32>,
      %get3A_493 = vector.shape_cast %get3A_492 : vector<1x1x16xf32> to vector<16xf32>
      %add3A_494 = arith.addf %get3A_487, %get3A_493 : vector<16xf32>
      %swap3A_495 = arith.constant 1 : i32
      %swap3A_496 = arith.index_cast %swap3A_495 : i32 to index
      %swap3A_497 = arith.index_cast %scan3A_62 : i32 to index
      %swap3A_498 = arith.constant 80 : index
      %swap3A_499 = tpu.vector_load %arg7[%swap3A_496, %swap3A_497, %swap3A_498] {strides = array<i32>} : memref<2x72x256xf32, #tpu.memory_space<vmem>>, vector<1x1x16xf32>,
      %swap3A_500 = vector.shape_cast %swap3A_499 : vector<1x1x16xf32> to vector<16xf32>
      %swap3A_501 = vector.shape_cast %add3A_494 : vector<16xf32> to vector<1x1x16xf32>
      tpu.vector_store %arg7[%swap3A_496, %swap3A_497, %swap3A_498], %swap3A_501 {strides = array<i32>} : memref<2x72x256xf32, #tpu.memory_space<vmem>>, vector<1x1x16xf32>,
      %get3A_502 = arith.constant 1 : i32
      %get3A_503 = arith.index_cast %get3A_502 : i32 to index
      %get3A_504 = arith.index_cast %scan3A_62 : i32 to index
      %get3A_505 = arith.constant 96 : index
      %get3A_506 = tpu.vector_load %arg7[%get3A_503, %get3A_504, %get3A_505] {strides = array<i32>} : memref<2x72x256xf32, #tpu.memory_space<vmem>>, vector<1x1x16xf32>,
      %get3A_507 = vector.shape_cast %get3A_506 : vector<1x1x16xf32> to vector<16xf32>
      %get3A_508 = arith.constant 1 : i32
      %get3A_509 = arith.index_cast %get3A_508 : i32 to index
      %get3A_510 = arith.index_cast %scan3A_62 : i32 to index
      %get3A_511 = arith.constant 96 : index
      %get3A_512 = tpu.vector_load %arg8[%get3A_509, %get3A_510, %get3A_511] {strides = array<i32>} : memref<2x72x256xf32, #tpu.memory_space<vmem>>, vector<1x1x16xf32>,
      %get3A_513 = vector.shape_cast %get3A_512 : vector<1x1x16xf32> to vector<16xf32>
      %add3A_514 = arith.addf %get3A_507, %get3A_513 : vector<16xf32>
      %swap3A_515 = arith.constant 1 : i32
      %swap3A_516 = arith.index_cast %swap3A_515 : i32 to index
      %swap3A_517 = arith.index_cast %scan3A_62 : i32 to index
      %swap3A_518 = arith.constant 96 : index
      %swap3A_519 = tpu.vector_load %arg7[%swap3A_516, %swap3A_517, %swap3A_518] {strides = array<i32>} : memref<2x72x256xf32, #tpu.memory_space<vmem>>, vector<1x1x16xf32>,
      %swap3A_520 = vector.shape_cast %swap3A_519 : vector<1x1x16xf32> to vector<16xf32>
      %swap3A_521 = vector.shape_cast %add3A_514 : vector<16xf32> to vector<1x1x16xf32>
      tpu.vector_store %arg7[%swap3A_516, %swap3A_517, %swap3A_518], %swap3A_521 {strides = array<i32>} : memref<2x72x256xf32, #tpu.memory_space<vmem>>, vector<1x1x16xf32>,
      %get3A_522 = arith.constant 1 : i32
      %get3A_523 = arith.index_cast %get3A_522 : i32 to index
      %get3A_524 = arith.index_cast %scan3A_62 : i32 to index
      %get3A_525 = arith.constant 112 : index
      %get3A_526 = tpu.vector_load %arg7[%get3A_523, %get3A_524, %get3A_525] {strides = array<i32>} : memref<2x72x256xf32, #tpu.memory_space<vmem>>, vector<1x1x16xf32>,
      %get3A_527 = vector.shape_cast %get3A_526 : vector<1x1x16xf32> to vector<16xf32>
      %get3A_528 = arith.constant 1 : i32
      %get3A_529 = arith.index_cast %get3A_528 : i32 to index
      %get3A_530 = arith.index_cast %scan3A_62 : i32 to index
      %get3A_531 = arith.constant 112 : index
      %get3A_532 = tpu.vector_load %arg8[%get3A_529, %get3A_530, %get3A_531] {strides = array<i32>} : memref<2x72x256xf32, #tpu.memory_space<vmem>>, vector<1x1x16xf32>,
      %get3A_533 = vector.shape_cast %get3A_532 : vector<1x1x16xf32> to vector<16xf32>
      %add3A_534 = arith.addf %get3A_527, %get3A_533 : vector<16xf32>
      %swap3A_535 = arith.constant 1 : i32
      %swap3A_536 = arith.index_cast %swap3A_535 : i32 to index
      %swap3A_537 = arith.index_cast %scan3A_62 : i32 to index
      %swap3A_538 = arith.constant 112 : index
      %swap3A_539 = tpu.vector_load %arg7[%swap3A_536, %swap3A_537, %swap3A_538] {strides = array<i32>} : memref<2x72x256xf32, #tpu.memory_space<vmem>>, vector<1x1x16xf32>,
      %swap3A_540 = vector.shape_cast %swap3A_539 : vector<1x1x16xf32> to vector<16xf32>
      %swap3A_541 = vector.shape_cast %add3A_534 : vector<16xf32> to vector<1x1x16xf32>
      tpu.vector_store %arg7[%swap3A_536, %swap3A_537, %swap3A_538], %swap3A_541 {strides = array<i32>} : memref<2x72x256xf32, #tpu.memory_space<vmem>>, vector<1x1x16xf32>,
      %get3A_542 = arith.constant 1 : i32
      %get3A_543 = arith.index_cast %get3A_542 : i32 to index
      %get3A_544 = arith.index_cast %scan3A_62 : i32 to index
      %get3A_545 = arith.constant 128 : index
      %get3A_546 = tpu.vector_load %arg7[%get3A_543, %get3A_544, %get3A_545] {strides = array<i32>} : memref<2x72x256xf32, #tpu.memory_space<vmem>>, vector<1x1x16xf32>,
      %get3A_547 = vector.shape_cast %get3A_546 : vector<1x1x16xf32> to vector<16xf32>
      %get3A_548 = arith.constant 1 : i32
      %get3A_549 = arith.index_cast %get3A_548 : i32 to index
      %get3A_550 = arith.index_cast %scan3A_62 : i32 to index
      %get3A_551 = arith.constant 128 : index
      %get3A_552 = tpu.vector_load %arg8[%get3A_549, %get3A_550, %get3A_551] {strides = array<i32>} : memref<2x72x256xf32, #tpu.memory_space<vmem>>, vector<1x1x16xf32>,
      %get3A_553 = vector.shape_cast %get3A_552 : vector<1x1x16xf32> to vector<16xf32>
      %add3A_554 = arith.addf %get3A_547, %get3A_553 : vector<16xf32>
      %swap3A_555 = arith.constant 1 : i32
      %swap3A_556 = arith.index_cast %swap3A_555 : i32 to index
      %swap3A_557 = arith.index_cast %scan3A_62 : i32 to index
      %swap3A_558 = arith.constant 128 : index
      %swap3A_559 = tpu.vector_load %arg7[%swap3A_556, %swap3A_557, %swap3A_558] {strides = array<i32>} : memref<2x72x256xf32, #tpu.memory_space<vmem>>, vector<1x1x16xf32>,
      %swap3A_560 = vector.shape_cast %swap3A_559 : vector<1x1x16xf32> to vector<16xf32>
      %swap3A_561 = vector.shape_cast %add3A_554 : vector<16xf32> to vector<1x1x16xf32>
      tpu.vector_store %arg7[%swap3A_556, %swap3A_557, %swap3A_558], %swap3A_561 {strides = array<i32>} : memref<2x72x256xf32, #tpu.memory_space<vmem>>, vector<1x1x16xf32>,
      %get3A_562 = arith.constant 1 : i32
      %get3A_563 = arith.index_cast %get3A_562 : i32 to index
      %get3A_564 = arith.index_cast %scan3A_62 : i32 to index
      %get3A_565 = arith.constant 144 : index
      %get3A_566 = tpu.vector_load %arg7[%get3A_563, %get3A_564, %get3A_565] {strides = array<i32>} : memref<2x72x256xf32, #tpu.memory_space<vmem>>, vector<1x1x16xf32>,
      %get3A_567 = vector.shape_cast %get3A_566 : vector<1x1x16xf32> to vector<16xf32>
      %get3A_568 = arith.constant 1 : i32
      %get3A_569 = arith.index_cast %get3A_568 : i32 to index
      %get3A_570 = arith.index_cast %scan3A_62 : i32 to index
      %get3A_571 = arith.constant 144 : index
      %get3A_572 = tpu.vector_load %arg8[%get3A_569, %get3A_570, %get3A_571] {strides = array<i32>} : memref<2x72x256xf32, #tpu.memory_space<vmem>>, vector<1x1x16xf32>,
      %get3A_573 = vector.shape_cast %get3A_572 : vector<1x1x16xf32> to vector<16xf32>
      %add3A_574 = arith.addf %get3A_567, %get3A_573 : vector<16xf32>
      %swap3A_575 = arith.constant 1 : i32
      %swap3A_576 = arith.index_cast %swap3A_575 : i32 to index
      %swap3A_577 = arith.index_cast %scan3A_62 : i32 to index
      %swap3A_578 = arith.constant 144 : index
      %swap3A_579 = tpu.vector_load %arg7[%swap3A_576, %swap3A_577, %swap3A_578] {strides = array<i32>} : memref<2x72x256xf32, #tpu.memory_space<vmem>>, vector<1x1x16xf32>,
      %swap3A_580 = vector.shape_cast %swap3A_579 : vector<1x1x16xf32> to vector<16xf32>
      %swap3A_581 = vector.shape_cast %add3A_574 : vector<16xf32> to vector<1x1x16xf32>
      tpu.vector_store %arg7[%swap3A_576, %swap3A_577, %swap3A_578], %swap3A_581 {strides = array<i32>} : memref<2x72x256xf32, #tpu.memory_space<vmem>>, vector<1x1x16xf32>,
      %get3A_582 = arith.constant 1 : i32
      %get3A_583 = arith.index_cast %get3A_582 : i32 to index
      %get3A_584 = arith.index_cast %scan3A_62 : i32 to index
      %get3A_585 = arith.constant 160 : index
      %get3A_586 = tpu.vector_load %arg7[%get3A_583, %get3A_584, %get3A_585] {strides = array<i32>} : memref<2x72x256xf32, #tpu.memory_space<vmem>>, vector<1x1x16xf32>,
      %get3A_587 = vector.shape_cast %get3A_586 : vector<1x1x16xf32> to vector<16xf32>
      %get3A_588 = arith.constant 1 : i32
      %get3A_589 = arith.index_cast %get3A_588 : i32 to index
      %get3A_590 = arith.index_cast %scan3A_62 : i32 to index
      %get3A_591 = arith.constant 160 : index
      %get3A_592 = tpu.vector_load %arg8[%get3A_589, %get3A_590, %get3A_591] {strides = array<i32>} : memref<2x72x256xf32, #tpu.memory_space<vmem>>, vector<1x1x16xf32>,
      %get3A_593 = vector.shape_cast %get3A_592 : vector<1x1x16xf32> to vector<16xf32>
      %add3A_594 = arith.addf %get3A_587, %get3A_593 : vector<16xf32>
      %swap3A_595 = arith.constant 1 : i32
      %swap3A_596 = arith.index_cast %swap3A_595 : i32 to index
      %swap3A_597 = arith.index_cast %scan3A_62 : i32 to index
      %swap3A_598 = arith.constant 160 : index
      %swap3A_599 = tpu.vector_load %arg7[%swap3A_596, %swap3A_597, %swap3A_598] {strides = array<i32>} : memref<2x72x256xf32, #tpu.memory_space<vmem>>, vector<1x1x16xf32>,
      %swap3A_600 = vector.shape_cast %swap3A_599 : vector<1x1x16xf32> to vector<16xf32>
      %swap3A_601 = vector.shape_cast %add3A_594 : vector<16xf32> to vector<1x1x16xf32>
      tpu.vector_store %arg7[%swap3A_596, %swap3A_597, %swap3A_598], %swap3A_601 {strides = array<i32>} : memref<2x72x256xf32, #tpu.memory_space<vmem>>, vector<1x1x16xf32>,
      %get3A_602 = arith.constant 1 : i32
      %get3A_603 = arith.index_cast %get3A_602 : i32 to index
      %get3A_604 = arith.index_cast %scan3A_62 : i32 to index
      %get3A_605 = arith.constant 176 : index
      %get3A_606 = tpu.vector_load %arg7[%get3A_603, %get3A_604, %get3A_605] {strides = array<i32>} : memref<2x72x256xf32, #tpu.memory_space<vmem>>, vector<1x1x16xf32>,
      %get3A_607 = vector.shape_cast %get3A_606 : vector<1x1x16xf32> to vector<16xf32>
      %get3A_608 = arith.constant 1 : i32
      %get3A_609 = arith.index_cast %get3A_608 : i32 to index
      %get3A_610 = arith.index_cast %scan3A_62 : i32 to index
      %get3A_611 = arith.constant 176 : index
      %get3A_612 = tpu.vector_load %arg8[%get3A_609, %get3A_610, %get3A_611] {strides = array<i32>} : memref<2x72x256xf32, #tpu.memory_space<vmem>>, vector<1x1x16xf32>,
      %get3A_613 = vector.shape_cast %get3A_612 : vector<1x1x16xf32> to vector<16xf32>
      %add3A_614 = arith.addf %get3A_607, %get3A_613 : vector<16xf32>
      %swap3A_615 = arith.constant 1 : i32
      %swap3A_616 = arith.index_cast %swap3A_615 : i32 to index
      %swap3A_617 = arith.index_cast %scan3A_62 : i32 to index
      %swap3A_618 = arith.constant 176 : index
      %swap3A_619 = tpu.vector_load %arg7[%swap3A_616, %swap3A_617, %swap3A_618] {strides = array<i32>} : memref<2x72x256xf32, #tpu.memory_space<vmem>>, vector<1x1x16xf32>,
      %swap3A_620 = vector.shape_cast %swap3A_619 : vector<1x1x16xf32> to vector<16xf32>
      %swap3A_621 = vector.shape_cast %add3A_614 : vector<16xf32> to vector<1x1x16xf32>
      tpu.vector_store %arg7[%swap3A_616, %swap3A_617, %swap3A_618], %swap3A_621 {strides = array<i32>} : memref<2x72x256xf32, #tpu.memory_space<vmem>>, vector<1x1x16xf32>,
      %get3A_622 = arith.constant 1 : i32
      %get3A_623 = arith.index_cast %get3A_622 : i32 to index
      %get3A_624 = arith.index_cast %scan3A_62 : i32 to index
      %get3A_625 = arith.constant 192 : index
      %get3A_626 = tpu.vector_load %arg7[%get3A_623, %get3A_624, %get3A_625] {strides = array<i32>} : memref<2x72x256xf32, #tpu.memory_space<vmem>>, vector<1x1x16xf32>,
      %get3A_627 = vector.shape_cast %get3A_626 : vector<1x1x16xf32> to vector<16xf32>
      %get3A_628 = arith.constant 1 : i32
      %get3A_629 = arith.index_cast %get3A_628 : i32 to index
      %get3A_630 = arith.index_cast %scan3A_62 : i32 to index
      %get3A_631 = arith.constant 192 : index
      %get3A_632 = tpu.vector_load %arg8[%get3A_629, %get3A_630, %get3A_631] {strides = array<i32>} : memref<2x72x256xf32, #tpu.memory_space<vmem>>, vector<1x1x16xf32>,
      %get3A_633 = vector.shape_cast %get3A_632 : vector<1x1x16xf32> to vector<16xf32>
      %add3A_634 = arith.addf %get3A_627, %get3A_633 : vector<16xf32>
      %swap3A_635 = arith.constant 1 : i32
      %swap3A_636 = arith.index_cast %swap3A_635 : i32 to index
      %swap3A_637 = arith.index_cast %scan3A_62 : i32 to index
      %swap3A_638 = arith.constant 192 : index
      %swap3A_639 = tpu.vector_load %arg7[%swap3A_636, %swap3A_637, %swap3A_638] {strides = array<i32>} : memref<2x72x256xf32, #tpu.memory_space<vmem>>, vector<1x1x16xf32>,
      %swap3A_640 = vector.shape_cast %swap3A_639 : vector<1x1x16xf32> to vector<16xf32>
      %swap3A_641 = vector.shape_cast %add3A_634 : vector<16xf32> to vector<1x1x16xf32>
      tpu.vector_store %arg7[%swap3A_636, %swap3A_637, %swap3A_638], %swap3A_641 {strides = array<i32>} : memref<2x72x256xf32, #tpu.memory_space<vmem>>, vector<1x1x16xf32>,
      %get3A_642 = arith.constant 1 : i32
      %get3A_643 = arith.index_cast %get3A_642 : i32 to index
      %get3A_644 = arith.index_cast %scan3A_62 : i32 to index
      %get3A_645 = arith.constant 208 : index
      %get3A_646 = tpu.vector_load %arg7[%get3A_643, %get3A_644, %get3A_645] {strides = array<i32>} : memref<2x72x256xf32, #tpu.memory_space<vmem>>, vector<1x1x16xf32>,
      %get3A_647 = vector.shape_cast %get3A_646 : vector<1x1x16xf32> to vector<16xf32>
      %get3A_648 = arith.constant 1 : i32
      %get3A_649 = arith.index_cast %get3A_648 : i32 to index
      %get3A_650 = arith.index_cast %scan3A_62 : i32 to index
      %get3A_651 = arith.constant 208 : index
      %get3A_652 = tpu.vector_load %arg8[%get3A_649, %get3A_650, %get3A_651] {strides = array<i32>} : memref<2x72x256xf32, #tpu.memory_space<vmem>>, vector<1x1x16xf32>,
      %get3A_653 = vector.shape_cast %get3A_652 : vector<1x1x16xf32> to vector<16xf32>
      %add3A_654 = arith.addf %get3A_647, %get3A_653 : vector<16xf32>
      %swap3A_655 = arith.constant 1 : i32
      %swap3A_656 = arith.index_cast %swap3A_655 : i32 to index
      %swap3A_657 = arith.index_cast %scan3A_62 : i32 to index
      %swap3A_658 = arith.constant 208 : index
      %swap3A_659 = tpu.vector_load %arg7[%swap3A_656, %swap3A_657, %swap3A_658] {strides = array<i32>} : memref<2x72x256xf32, #tpu.memory_space<vmem>>, vector<1x1x16xf32>,
      %swap3A_660 = vector.shape_cast %swap3A_659 : vector<1x1x16xf32> to vector<16xf32>
      %swap3A_661 = vector.shape_cast %add3A_654 : vector<16xf32> to vector<1x1x16xf32>
      tpu.vector_store %arg7[%swap3A_656, %swap3A_657, %swap3A_658], %swap3A_661 {strides = array<i32>} : memref<2x72x256xf32, #tpu.memory_space<vmem>>, vector<1x1x16xf32>,
      %get3A_662 = arith.constant 1 : i32
      %get3A_663 = arith.index_cast %get3A_662 : i32 to index
      %get3A_664 = arith.index_cast %scan3A_62 : i32 to index
      %get3A_665 = arith.constant 224 : index
      %get3A_666 = tpu.vector_load %arg7[%get3A_663, %get3A_664, %get3A_665] {strides = array<i32>} : memref<2x72x256xf32, #tpu.memory_space<vmem>>, vector<1x1x16xf32>,
      %get3A_667 = vector.shape_cast %get3A_666 : vector<1x1x16xf32> to vector<16xf32>
      %get3A_668 = arith.constant 1 : i32
      %get3A_669 = arith.index_cast %get3A_668 : i32 to index
      %get3A_670 = arith.index_cast %scan3A_62 : i32 to index
      %get3A_671 = arith.constant 224 : index
      %get3A_672 = tpu.vector_load %arg8[%get3A_669, %get3A_670, %get3A_671] {strides = array<i32>} : memref<2x72x256xf32, #tpu.memory_space<vmem>>, vector<1x1x16xf32>,
      %get3A_673 = vector.shape_cast %get3A_672 : vector<1x1x16xf32> to vector<16xf32>
      %add3A_674 = arith.addf %get3A_667, %get3A_673 : vector<16xf32>
      %swap3A_675 = arith.constant 1 : i32
      %swap3A_676 = arith.index_cast %swap3A_675 : i32 to index
      %swap3A_677 = arith.index_cast %scan3A_62 : i32 to index
      %swap3A_678 = arith.constant 224 : index
      %swap3A_679 = tpu.vector_load %arg7[%swap3A_676, %swap3A_677, %swap3A_678] {strides = array<i32>} : memref<2x72x256xf32, #tpu.memory_space<vmem>>, vector<1x1x16xf32>,
      %swap3A_680 = vector.shape_cast %swap3A_679 : vector<1x1x16xf32> to vector<16xf32>
      %swap3A_681 = vector.shape_cast %add3A_674 : vector<16xf32> to vector<1x1x16xf32>
      tpu.vector_store %arg7[%swap3A_676, %swap3A_677, %swap3A_678], %swap3A_681 {strides = array<i32>} : memref<2x72x256xf32, #tpu.memory_space<vmem>>, vector<1x1x16xf32>,
      %get3A_682 = arith.constant 1 : i32
      %get3A_683 = arith.index_cast %get3A_682 : i32 to index
      %get3A_684 = arith.index_cast %scan3A_62 : i32 to index
      %get3A_685 = arith.constant 240 : index
      %get3A_686 = tpu.vector_load %arg7[%get3A_683, %get3A_684, %get3A_685] {strides = array<i32>} : memref<2x72x256xf32, #tpu.memory_space<vmem>>, vector<1x1x16xf32>,
      %get3A_687 = vector.shape_cast %get3A_686 : vector<1x1x16xf32> to vector<16xf32>
      %get3A_688 = arith.constant 1 : i32
      %get3A_689 = arith.index_cast %get3A_688 : i32 to index
      %get3A_690 = arith.index_cast %scan3A_62 : i32 to index
      %get3A_691 = arith.constant 240 : index
      %get3A_692 = tpu.vector_load %arg8[%get3A_689, %get3A_690, %get3A_691] {strides = array<i32>} : memref<2x72x256xf32, #tpu.memory_space<vmem>>, vector<1x1x16xf32>,
      %get3A_693 = vector.shape_cast %get3A_692 : vector<1x1x16xf32> to vector<16xf32>
      %add3A_694 = arith.addf %get3A_687, %get3A_693 : vector<16xf32>
      %swap3A_695 = arith.constant 1 : i32
      %swap3A_696 = arith.index_cast %swap3A_695 : i32 to index
      %swap3A_697 = arith.index_cast %scan3A_62 : i32 to index
      %swap3A_698 = arith.constant 240 : index
      %swap3A_699 = tpu.vector_load %arg7[%swap3A_696, %swap3A_697, %swap3A_698] {strides = array<i32>} : memref<2x72x256xf32, #tpu.memory_space<vmem>>, vector<1x1x16xf32>,
      %swap3A_700 = vector.shape_cast %swap3A_699 : vector<1x1x16xf32> to vector<16xf32>
      %swap3A_701 = vector.shape_cast %add3A_694 : vector<16xf32> to vector<1x1x16xf32>
      tpu.vector_store %arg7[%swap3A_696, %swap3A_697, %swap3A_698], %swap3A_701 {strides = array<i32>} : memref<2x72x256xf32, #tpu.memory_space<vmem>>, vector<1x1x16xf32>,
      %scan3A_702 = arith.constant 0 : i32
      scf.yield %scan3A_702 : i32
    }
    %scan3A_61 = arith.constant 72 : i32
    "tpu.region"() ({
      %run_scoped3A_62 = tpu.sem_alloc : memref<!tpu.dma_semaphore, #tpu.memory_space<semaphore_mem>>
      %dma_start3A_63 = arith.constant 0 : i32
      %dma_start3A_64 = arith.constant 0 : i32
      %dma_start3A_65 = arith.constant 0 : i32
      %dma_start3A_66 = tpu.memref_slice %arg5[%add3A, %dma_start3A_63, %dma_start3A_64, %dma_start3A_65] : memref<32x2x72x256xf32, #tpu.memory_space<hbm>> -> memref<1x2x72x256xf32, #tpu.memory_space<hbm>>
      %dma_start3A_67 = tpu.memref_squeeze %dma_start3A_66 : memref<1x2x72x256xf32, #tpu.memory_space<hbm>> -> memref<2x72x256xf32, #tpu.memory_space<hbm>>
      %dma_start3A_68 = arith.constant 0 : i32
      %dma_start3A_69 = arith.constant 0 : i32
      %dma_start3A_70 = arith.constant 0 : i32
      %dma_start3A_71 = tpu.memref_slice %arg5[%add3A, %dma_start3A_68, %dma_start3A_69, %dma_start3A_70] : memref<32x2x72x256xf32, #tpu.memory_space<hbm>> -> memref<1x2x72x256xf32, #tpu.memory_space<hbm>>
      %dma_start3A_72 = tpu.memref_squeeze %dma_start3A_71 : memref<1x2x72x256xf32, #tpu.memory_space<hbm>> -> memref<2x72x256xf32, #tpu.memory_space<hbm>>
      tpu.enqueue_dma source(%arg7 : memref<2x72x256xf32, #tpu.memory_space<vmem>>) target(%dma_start3A_72 : memref<2x72x256xf32, #tpu.memory_space<hbm>>) target_semaphore(%run_scoped3A_62 : memref<!tpu.dma_semaphore, #tpu.memory_space<semaphore_mem>>)
      %dma_wait3A_73 = arith.constant 0 : i32
      %dma_wait3A_74 = arith.constant 0 : i32
      %dma_wait3A_75 = arith.constant 0 : i32
      %dma_wait3A_76 = tpu.memref_slice %arg5[%add3A, %dma_wait3A_73, %dma_wait3A_74, %dma_wait3A_75] : memref<32x2x72x256xf32, #tpu.memory_space<hbm>> -> memref<1x2x72x256xf32, #tpu.memory_space<hbm>>
      %dma_wait3A_77 = tpu.memref_squeeze %dma_wait3A_76 : memref<1x2x72x256xf32, #tpu.memory_space<hbm>> -> memref<2x72x256xf32, #tpu.memory_space<hbm>>
      %dma_wait3A_78 = arith.constant 0 : i32
      %dma_wait3A_79 = arith.constant 0 : i32
      %dma_wait3A_80 = arith.constant 0 : i32
      %dma_wait3A_81 = tpu.memref_slice %arg5[%add3A, %dma_wait3A_78, %dma_wait3A_79, %dma_wait3A_80] : memref<32x2x72x256xf32, #tpu.memory_space<hbm>> -> memref<1x2x72x256xf32, #tpu.memory_space<hbm>>
      %dma_wait3A_82 = tpu.memref_squeeze %dma_wait3A_81 : memref<1x2x72x256xf32, #tpu.memory_space<hbm>> -> memref<2x72x256xf32, #tpu.memory_space<hbm>>
      tpu.wait_dma2 semaphore(%run_scoped3A_62 : memref<!tpu.dma_semaphore, #tpu.memory_space<semaphore_mem>>) src(%arg7 : memref<2x72x256xf32, #tpu.memory_space<vmem>>) dst(%dma_wait3A_82 : memref<2x72x256xf32, #tpu.memory_space<hbm>>)
      tpu.yield
    }) : () -> ()
    return
  }
}

#map = affine_map<(d0, d1) -> (0, 0)>
#map1 = affine_map<(d0, d1) -> (0)>
#map2 = affine_map<(d0, d1) -> (0, 0, 0, 0)>
module attributes {stable_mosaic.version = 14 : i64} {
  func.func @_sc_gather_body(%arg0: i32, %arg1: i32, %arg2: memref<8192x256xf32, #tpu.memory_space<hbm>>, %arg3: memref<4608xi32, #tpu.memory_space<hbm>>, %arg4: memref<32x2x72x256xf32, #tpu.memory_space<hbm>>, %arg5: memref<2x72xi32, #tpu.memory_space<vmem>>, %arg6: memref<2x72x256xf32, #tpu.memory_space<vmem>>, %arg7: memref<!tpu.dma_semaphore, #tpu.memory_space<semaphore_mem>>) attributes {dimension_semantics = [#tpu.dimension_semantics<core_parallel>, #tpu.dimension_semantics<subcore_parallel>], iteration_bounds = array<i64: 2, 16>, scalar_prefetch = 0 : i64, scratch_operands = 3 : i64, tpu.core_type = #tpu.core_type<sc_vector_subcore>, window_params = [{transform_indices = #map}, {transform_indices = #map1}, {transform_indices = #map2}]} {
    %mul3A = arith.constant 2 : i32
    %mul3A_0 = arith.muli %arg1, %mul3A : i32
    %add3A = arith.addi %mul3A_0, %arg0 : i32
    %mul3A_1 = arith.constant 144 : i32
    %mul3A_2 = arith.muli %add3A, %mul3A_1 : i32
    %add3A_3 = arith.constant 0 : i32
    %add3A_4 = arith.addi %mul3A_2, %add3A_3 : i32
    %run_scoped3A = arith.constant 0 : i32
    "tpu.region"() ({
      %run_scoped3A_56 = tpu.sem_alloc : memref<!tpu.dma_semaphore, #tpu.memory_space<semaphore_mem>>
      %dma_start3A_57 = arith.constant 0 : i32
      %dma_start3A_58 = tpu.memref_slice %arg5[%run_scoped3A, %dma_start3A_57] : memref<2x72xi32, #tpu.memory_space<vmem>> -> memref<1x72xi32, #tpu.memory_space<vmem>>
      %dma_start3A_59 = tpu.memref_squeeze %dma_start3A_58 : memref<1x72xi32, #tpu.memory_space<vmem>> -> memref<72xi32, #tpu.memory_space<vmem>>
      %dma_start3A_60 = tpu.memref_slice %arg3[%add3A_4] : memref<4608xi32, #tpu.memory_space<hbm>> -> memref<72xi32, #tpu.memory_space<hbm>>
      %dma_start3A_61 = arith.constant 0 : i32
      %dma_start3A_62 = tpu.memref_slice %arg5[%run_scoped3A, %dma_start3A_61] : memref<2x72xi32, #tpu.memory_space<vmem>> -> memref<1x72xi32, #tpu.memory_space<vmem>>
      %dma_start3A_63 = tpu.memref_squeeze %dma_start3A_62 : memref<1x72xi32, #tpu.memory_space<vmem>> -> memref<72xi32, #tpu.memory_space<vmem>>
      %dma_start3A_64 = tpu.memref_slice %arg3[%add3A_4] : memref<4608xi32, #tpu.memory_space<hbm>> -> memref<72xi32, #tpu.memory_space<hbm>>
      tpu.enqueue_dma source(%dma_start3A_64 : memref<72xi32, #tpu.memory_space<hbm>>) target(%dma_start3A_63 : memref<72xi32, #tpu.memory_space<vmem>>) target_semaphore(%run_scoped3A_56 : memref<!tpu.dma_semaphore, #tpu.memory_space<semaphore_mem>>)
      %dma_wait3A_65 = arith.constant 0 : i32
      %dma_wait3A_66 = tpu.memref_slice %arg5[%run_scoped3A, %dma_wait3A_65] : memref<2x72xi32, #tpu.memory_space<vmem>> -> memref<1x72xi32, #tpu.memory_space<vmem>>
      %dma_wait3A_67 = tpu.memref_squeeze %dma_wait3A_66 : memref<1x72xi32, #tpu.memory_space<vmem>> -> memref<72xi32, #tpu.memory_space<vmem>>
      %dma_wait3A_68 = tpu.memref_slice %arg3[%add3A_4] : memref<4608xi32, #tpu.memory_space<hbm>> -> memref<72xi32, #tpu.memory_space<hbm>>
      %dma_wait3A_69 = arith.constant 0 : i32
      %dma_wait3A_70 = tpu.memref_slice %arg5[%run_scoped3A, %dma_wait3A_69] : memref<2x72xi32, #tpu.memory_space<vmem>> -> memref<1x72xi32, #tpu.memory_space<vmem>>
      %dma_wait3A_71 = tpu.memref_squeeze %dma_wait3A_70 : memref<1x72xi32, #tpu.memory_space<vmem>> -> memref<72xi32, #tpu.memory_space<vmem>>
      %dma_wait3A_72 = tpu.memref_slice %arg3[%add3A_4] : memref<4608xi32, #tpu.memory_space<hbm>> -> memref<72xi32, #tpu.memory_space<hbm>>
      tpu.wait_dma2 semaphore(%run_scoped3A_56 : memref<!tpu.dma_semaphore, #tpu.memory_space<semaphore_mem>>) src(%dma_wait3A_72 : memref<72xi32, #tpu.memory_space<hbm>>) dst(%dma_wait3A_71 : memref<72xi32, #tpu.memory_space<vmem>>)
      tpu.yield
    }) : () -> ()
    %mul3A_5 = arith.constant 144 : i32
    %mul3A_6 = arith.muli %add3A, %mul3A_5 : i32
    %add3A_7 = arith.constant 72 : i32
    %add3A_8 = arith.addi %mul3A_6, %add3A_7 : i32
    %run_scoped3A_9 = arith.constant 1 : i32
    "tpu.region"() ({
      %run_scoped3A_56 = tpu.sem_alloc : memref<!tpu.dma_semaphore, #tpu.memory_space<semaphore_mem>>
      %dma_start3A_57 = arith.constant 0 : i32
      %dma_start3A_58 = tpu.memref_slice %arg5[%run_scoped3A_9, %dma_start3A_57] : memref<2x72xi32, #tpu.memory_space<vmem>> -> memref<1x72xi32, #tpu.memory_space<vmem>>
      %dma_start3A_59 = tpu.memref_squeeze %dma_start3A_58 : memref<1x72xi32, #tpu.memory_space<vmem>> -> memref<72xi32, #tpu.memory_space<vmem>>
      %dma_start3A_60 = tpu.memref_slice %arg3[%add3A_8] : memref<4608xi32, #tpu.memory_space<hbm>> -> memref<72xi32, #tpu.memory_space<hbm>>
      %dma_start3A_61 = arith.constant 0 : i32
      %dma_start3A_62 = tpu.memref_slice %arg5[%run_scoped3A_9, %dma_start3A_61] : memref<2x72xi32, #tpu.memory_space<vmem>> -> memref<1x72xi32, #tpu.memory_space<vmem>>
      %dma_start3A_63 = tpu.memref_squeeze %dma_start3A_62 : memref<1x72xi32, #tpu.memory_space<vmem>> -> memref<72xi32, #tpu.memory_space<vmem>>
      %dma_start3A_64 = tpu.memref_slice %arg3[%add3A_8] : memref<4608xi32, #tpu.memory_space<hbm>> -> memref<72xi32, #tpu.memory_space<hbm>>
      tpu.enqueue_dma source(%dma_start3A_64 : memref<72xi32, #tpu.memory_space<hbm>>) target(%dma_start3A_63 : memref<72xi32, #tpu.memory_space<vmem>>) target_semaphore(%run_scoped3A_56 : memref<!tpu.dma_semaphore, #tpu.memory_space<semaphore_mem>>)
      %dma_wait3A_65 = arith.constant 0 : i32
      %dma_wait3A_66 = tpu.memref_slice %arg5[%run_scoped3A_9, %dma_wait3A_65] : memref<2x72xi32, #tpu.memory_space<vmem>> -> memref<1x72xi32, #tpu.memory_space<vmem>>
      %dma_wait3A_67 = tpu.memref_squeeze %dma_wait3A_66 : memref<1x72xi32, #tpu.memory_space<vmem>> -> memref<72xi32, #tpu.memory_space<vmem>>
      %dma_wait3A_68 = tpu.memref_slice %arg3[%add3A_8] : memref<4608xi32, #tpu.memory_space<hbm>> -> memref<72xi32, #tpu.memory_space<hbm>>
      %dma_wait3A_69 = arith.constant 0 : i32
      %dma_wait3A_70 = tpu.memref_slice %arg5[%run_scoped3A_9, %dma_wait3A_69] : memref<2x72xi32, #tpu.memory_space<vmem>> -> memref<1x72xi32, #tpu.memory_space<vmem>>
      %dma_wait3A_71 = tpu.memref_squeeze %dma_wait3A_70 : memref<1x72xi32, #tpu.memory_space<vmem>> -> memref<72xi32, #tpu.memory_space<vmem>>
      %dma_wait3A_72 = tpu.memref_slice %arg3[%add3A_8] : memref<4608xi32, #tpu.memory_space<hbm>> -> memref<72xi32, #tpu.memory_space<hbm>>
      tpu.wait_dma2 semaphore(%run_scoped3A_56 : memref<!tpu.dma_semaphore, #tpu.memory_space<semaphore_mem>>) src(%dma_wait3A_72 : memref<72xi32, #tpu.memory_space<hbm>>) dst(%dma_wait3A_71 : memref<72xi32, #tpu.memory_space<vmem>>)
      tpu.yield
    }) : () -> ()
    %dma_start3A = arith.constant 0 : i32
    %dma_start3A_10 = arith.constant 0 : i32
    %dma_start3A_11 = arith.constant 0 : i32
    %dma_start3A_12 = arith.constant 0 : i32
    %dma_start3A_13 = tpu.memref_slice %arg6[%dma_start3A_10, %dma_start3A_11, %dma_start3A_12] : memref<2x72x256xf32, #tpu.memory_space<vmem>> -> memref<1x72x256xf32, #tpu.memory_space<vmem>>
    %dma_start3A_14 = tpu.memref_squeeze %dma_start3A_13 : memref<1x72x256xf32, #tpu.memory_space<vmem>> -> memref<72x256xf32, #tpu.memory_space<vmem>>
    %dma_start3A_15 = arith.constant 0 : i32
    %dma_start3A_16 = tpu.memref_slice %arg5[%dma_start3A, %dma_start3A_15] : memref<2x72xi32, #tpu.memory_space<vmem>> -> memref<1x72xi32, #tpu.memory_space<vmem>>
    %dma_start3A_17 = tpu.memref_squeeze %dma_start3A_16 : memref<1x72xi32, #tpu.memory_space<vmem>> -> memref<72xi32, #tpu.memory_space<vmem>>
    %dma_start3A_18 = arith.constant 0 : i32
    %dma_start3A_19 = arith.constant 0 : i32
    %dma_start3A_20 = tpu.memref_slice %arg2[%dma_start3A_18, %dma_start3A_19] : memref<8192x256xf32, #tpu.memory_space<hbm>> -> memref<8192x256xf32, #tpu.memory_space<hbm>>
    tpu.enqueue_indirect_dma source(%dma_start3A_20 : memref<8192x256xf32, #tpu.memory_space<hbm>>) target(%dma_start3A_14 : memref<72x256xf32, #tpu.memory_space<vmem>>) offsets(%dma_start3A_17 : memref<72xi32, #tpu.memory_space<vmem>>) semaphore(%arg7 : memref<!tpu.dma_semaphore, #tpu.memory_space<semaphore_mem>>)
    %dma_start3A_21 = arith.constant 1 : i32
    %dma_start3A_22 = arith.constant 1 : i32
    %dma_start3A_23 = arith.constant 0 : i32
    %dma_start3A_24 = arith.constant 0 : i32
    %dma_start3A_25 = tpu.memref_slice %arg6[%dma_start3A_22, %dma_start3A_23, %dma_start3A_24] : memref<2x72x256xf32, #tpu.memory_space<vmem>> -> memref<1x72x256xf32, #tpu.memory_space<vmem>>
    %dma_start3A_26 = tpu.memref_squeeze %dma_start3A_25 : memref<1x72x256xf32, #tpu.memory_space<vmem>> -> memref<72x256xf32, #tpu.memory_space<vmem>>
    %dma_start3A_27 = arith.constant 0 : i32
    %dma_start3A_28 = tpu.memref_slice %arg5[%dma_start3A_21, %dma_start3A_27] : memref<2x72xi32, #tpu.memory_space<vmem>> -> memref<1x72xi32, #tpu.memory_space<vmem>>
    %dma_start3A_29 = tpu.memref_squeeze %dma_start3A_28 : memref<1x72xi32, #tpu.memory_space<vmem>> -> memref<72xi32, #tpu.memory_space<vmem>>
    %dma_start3A_30 = arith.constant 0 : i32
    %dma_start3A_31 = arith.constant 0 : i32
    %dma_start3A_32 = tpu.memref_slice %arg2[%dma_start3A_30, %dma_start3A_31] : memref<8192x256xf32, #tpu.memory_space<hbm>> -> memref<8192x256xf32, #tpu.memory_space<hbm>>
    tpu.enqueue_indirect_dma source(%dma_start3A_32 : memref<8192x256xf32, #tpu.memory_space<hbm>>) target(%dma_start3A_26 : memref<72x256xf32, #tpu.memory_space<vmem>>) offsets(%dma_start3A_29 : memref<72xi32, #tpu.memory_space<vmem>>) semaphore(%arg7 : memref<!tpu.dma_semaphore, #tpu.memory_space<semaphore_mem>>)
    %dma_wait3A = arith.constant 0 : i32
    %dma_wait3A_33 = arith.constant 0 : i32
    %dma_wait3A_34 = arith.constant 0 : i32
    %dma_wait3A_35 = arith.constant 0 : i32
    %dma_wait3A_36 = tpu.memref_slice %arg6[%dma_wait3A_33, %dma_wait3A_34, %dma_wait3A_35] : memref<2x72x256xf32, #tpu.memory_space<vmem>> -> memref<1x72x256xf32, #tpu.memory_space<vmem>>
    %dma_wait3A_37 = tpu.memref_squeeze %dma_wait3A_36 : memref<1x72x256xf32, #tpu.memory_space<vmem>> -> memref<72x256xf32, #tpu.memory_space<vmem>>
    %dma_wait3A_38 = arith.constant 0 : i32
    %dma_wait3A_39 = tpu.memref_slice %arg5[%dma_wait3A, %dma_wait3A_38] : memref<2x72xi32, #tpu.memory_space<vmem>> -> memref<1x72xi32, #tpu.memory_space<vmem>>
    %dma_wait3A_40 = tpu.memref_squeeze %dma_wait3A_39 : memref<1x72xi32, #tpu.memory_space<vmem>> -> memref<72xi32, #tpu.memory_space<vmem>>
    %dma_wait3A_41 = arith.constant 0 : i32
    %dma_wait3A_42 = arith.constant 0 : i32
    %dma_wait3A_43 = tpu.memref_slice %arg2[%dma_wait3A_41, %dma_wait3A_42] : memref<8192x256xf32, #tpu.memory_space<hbm>> -> memref<8192x256xf32, #tpu.memory_space<hbm>>
    tpu.wait_indirect_dma semaphore(%arg7 : memref<!tpu.dma_semaphore, #tpu.memory_space<semaphore_mem>>) src(%dma_wait3A_43 : memref<8192x256xf32, #tpu.memory_space<hbm>>) dst(%dma_wait3A_37 : memref<72x256xf32, #tpu.memory_space<vmem>>)
    %dma_wait3A_44 = arith.constant 1 : i32
    %dma_wait3A_45 = arith.constant 1 : i32
    %dma_wait3A_46 = arith.constant 0 : i32
    %dma_wait3A_47 = arith.constant 0 : i32
    %dma_wait3A_48 = tpu.memref_slice %arg6[%dma_wait3A_45, %dma_wait3A_46, %dma_wait3A_47] : memref<2x72x256xf32, #tpu.memory_space<vmem>> -> memref<1x72x256xf32, #tpu.memory_space<vmem>>
    %dma_wait3A_49 = tpu.memref_squeeze %dma_wait3A_48 : memref<1x72x256xf32, #tpu.memory_space<vmem>> -> memref<72x256xf32, #tpu.memory_space<vmem>>
    %dma_wait3A_50 = arith.constant 0 : i32
    %dma_wait3A_51 = tpu.memref_slice %arg5[%dma_wait3A_44, %dma_wait3A_50] : memref<2x72xi32, #tpu.memory_space<vmem>> -> memref<1x72xi32, #tpu.memory_space<vmem>>
    %dma_wait3A_52 = tpu.memref_squeeze %dma_wait3A_51 : memref<1x72xi32, #tpu.memory_space<vmem>> -> memref<72xi32, #tpu.memory_space<vmem>>
    %dma_wait3A_53 = arith.constant 0 : i32
    %dma_wait3A_54 = arith.constant 0 : i32
    %dma_wait3A_55 = tpu.memref_slice %arg2[%dma_wait3A_53, %dma_wait3A_54] : memref<8192x256xf32, #tpu.memory_space<hbm>> -> memref<8192x256xf32, #tpu.memory_space<hbm>>
    tpu.wait_indirect_dma semaphore(%arg7 : memref<!tpu.dma_semaphore, #tpu.memory_space<semaphore_mem>>) src(%dma_wait3A_55 : memref<8192x256xf32, #tpu.memory_space<hbm>>) dst(%dma_wait3A_49 : memref<72x256xf32, #tpu.memory_space<vmem>>)
    "tpu.region"() ({
      %run_scoped3A_56 = tpu.sem_alloc : memref<!tpu.dma_semaphore, #tpu.memory_space<semaphore_mem>>
      %dma_start3A_57 = arith.constant 0 : i32
      %dma_start3A_58 = arith.constant 0 : i32
      %dma_start3A_59 = arith.constant 0 : i32
      %dma_start3A_60 = tpu.memref_slice %arg4[%add3A, %dma_start3A_57, %dma_start3A_58, %dma_start3A_59] : memref<32x2x72x256xf32, #tpu.memory_space<hbm>> -> memref<1x2x72x256xf32, #tpu.memory_space<hbm>>
      %dma_start3A_61 = tpu.memref_squeeze %dma_start3A_60 : memref<1x2x72x256xf32, #tpu.memory_space<hbm>> -> memref<2x72x256xf32, #tpu.memory_space<hbm>>
      %dma_start3A_62 = arith.constant 0 : i32
      %dma_start3A_63 = arith.constant 0 : i32
      %dma_start3A_64 = arith.constant 0 : i32
      %dma_start3A_65 = tpu.memref_slice %arg4[%add3A, %dma_start3A_62, %dma_start3A_63, %dma_start3A_64] : memref<32x2x72x256xf32, #tpu.memory_space<hbm>> -> memref<1x2x72x256xf32, #tpu.memory_space<hbm>>
      %dma_start3A_66 = tpu.memref_squeeze %dma_start3A_65 : memref<1x2x72x256xf32, #tpu.memory_space<hbm>> -> memref<2x72x256xf32, #tpu.memory_space<hbm>>
      tpu.enqueue_dma source(%arg6 : memref<2x72x256xf32, #tpu.memory_space<vmem>>) target(%dma_start3A_66 : memref<2x72x256xf32, #tpu.memory_space<hbm>>) target_semaphore(%run_scoped3A_56 : memref<!tpu.dma_semaphore, #tpu.memory_space<semaphore_mem>>)
      %dma_wait3A_67 = arith.constant 0 : i32
      %dma_wait3A_68 = arith.constant 0 : i32
      %dma_wait3A_69 = arith.constant 0 : i32
      %dma_wait3A_70 = tpu.memref_slice %arg4[%add3A, %dma_wait3A_67, %dma_wait3A_68, %dma_wait3A_69] : memref<32x2x72x256xf32, #tpu.memory_space<hbm>> -> memref<1x2x72x256xf32, #tpu.memory_space<hbm>>
      %dma_wait3A_71 = tpu.memref_squeeze %dma_wait3A_70 : memref<1x2x72x256xf32, #tpu.memory_space<hbm>> -> memref<2x72x256xf32, #tpu.memory_space<hbm>>
      %dma_wait3A_72 = arith.constant 0 : i32
      %dma_wait3A_73 = arith.constant 0 : i32
      %dma_wait3A_74 = arith.constant 0 : i32
      %dma_wait3A_75 = tpu.memref_slice %arg4[%add3A, %dma_wait3A_72, %dma_wait3A_73, %dma_wait3A_74] : memref<32x2x72x256xf32, #tpu.memory_space<hbm>> -> memref<1x2x72x256xf32, #tpu.memory_space<hbm>>
      %dma_wait3A_76 = tpu.memref_squeeze %dma_wait3A_75 : memref<1x2x72x256xf32, #tpu.memory_space<hbm>> -> memref<2x72x256xf32, #tpu.memory_space<hbm>>
      tpu.wait_dma2 semaphore(%run_scoped3A_56 : memref<!tpu.dma_semaphore, #tpu.memory_space<semaphore_mem>>) src(%arg6 : memref<2x72x256xf32, #tpu.memory_space<vmem>>) dst(%dma_wait3A_76 : memref<2x72x256xf32, #tpu.memory_space<hbm>>)
      tpu.yield
    }) : () -> ()
    return
  }
}

#map = affine_map<(d0, d1) -> (0, 0)>
#map1 = affine_map<(d0, d1) -> (0)>
#map2 = affine_map<(d0, d1) -> (0, 0, 0, 0)>
module attributes {stable_mosaic.version = 14 : i64} {
  func.func @_sc_gather_body(%arg0: i32, %arg1: i32, %arg2: memref<8192x256xf32, #tpu.memory_space<hbm>>, %arg3: memref<4608xi32, #tpu.memory_space<hbm>>, %arg4: memref<32x2x72x256xf32, #tpu.memory_space<hbm>>, %arg5: memref<2x72xi32, #tpu.memory_space<vmem>>, %arg6: memref<2x72x256xf32, #tpu.memory_space<vmem>>, %arg7: memref<!tpu.dma_semaphore, #tpu.memory_space<semaphore_mem>>) attributes {dimension_semantics = [#tpu.dimension_semantics<core_parallel>, #tpu.dimension_semantics<subcore_parallel>], iteration_bounds = array<i64: 2, 16>, scalar_prefetch = 0 : i64, scratch_operands = 3 : i64, tpu.core_type = #tpu.core_type<sc_vector_subcore>, window_params = [{transform_indices = #map}, {transform_indices = #map1}, {transform_indices = #map2}]} {
    %mul3A = arith.constant 2 : i32
    %mul3A_0 = arith.muli %arg1, %mul3A : i32
    %add3A = arith.addi %mul3A_0, %arg0 : i32
    %mul3A_1 = arith.constant 144 : i32
    %mul3A_2 = arith.muli %add3A, %mul3A_1 : i32
    %add3A_3 = arith.constant 0 : i32
    %add3A_4 = arith.addi %mul3A_2, %add3A_3 : i32
    %run_scoped3A = arith.constant 0 : i32
    "tpu.region"() ({
      %run_scoped3A_56 = tpu.sem_alloc : memref<!tpu.dma_semaphore, #tpu.memory_space<semaphore_mem>>
      %dma_start3A_57 = arith.constant 0 : i32
      %dma_start3A_58 = tpu.memref_slice %arg5[%run_scoped3A, %dma_start3A_57] : memref<2x72xi32, #tpu.memory_space<vmem>> -> memref<1x72xi32, #tpu.memory_space<vmem>>
      %dma_start3A_59 = tpu.memref_squeeze %dma_start3A_58 : memref<1x72xi32, #tpu.memory_space<vmem>> -> memref<72xi32, #tpu.memory_space<vmem>>
      %dma_start3A_60 = tpu.memref_slice %arg3[%add3A_4] : memref<4608xi32, #tpu.memory_space<hbm>> -> memref<72xi32, #tpu.memory_space<hbm>>
      %dma_start3A_61 = arith.constant 0 : i32
      %dma_start3A_62 = tpu.memref_slice %arg5[%run_scoped3A, %dma_start3A_61] : memref<2x72xi32, #tpu.memory_space<vmem>> -> memref<1x72xi32, #tpu.memory_space<vmem>>
      %dma_start3A_63 = tpu.memref_squeeze %dma_start3A_62 : memref<1x72xi32, #tpu.memory_space<vmem>> -> memref<72xi32, #tpu.memory_space<vmem>>
      %dma_start3A_64 = tpu.memref_slice %arg3[%add3A_4] : memref<4608xi32, #tpu.memory_space<hbm>> -> memref<72xi32, #tpu.memory_space<hbm>>
      tpu.enqueue_dma source(%dma_start3A_64 : memref<72xi32, #tpu.memory_space<hbm>>) target(%dma_start3A_63 : memref<72xi32, #tpu.memory_space<vmem>>) target_semaphore(%run_scoped3A_56 : memref<!tpu.dma_semaphore, #tpu.memory_space<semaphore_mem>>)
      %dma_wait3A_65 = arith.constant 0 : i32
      %dma_wait3A_66 = tpu.memref_slice %arg5[%run_scoped3A, %dma_wait3A_65] : memref<2x72xi32, #tpu.memory_space<vmem>> -> memref<1x72xi32, #tpu.memory_space<vmem>>
      %dma_wait3A_67 = tpu.memref_squeeze %dma_wait3A_66 : memref<1x72xi32, #tpu.memory_space<vmem>> -> memref<72xi32, #tpu.memory_space<vmem>>
      %dma_wait3A_68 = tpu.memref_slice %arg3[%add3A_4] : memref<4608xi32, #tpu.memory_space<hbm>> -> memref<72xi32, #tpu.memory_space<hbm>>
      %dma_wait3A_69 = arith.constant 0 : i32
      %dma_wait3A_70 = tpu.memref_slice %arg5[%run_scoped3A, %dma_wait3A_69] : memref<2x72xi32, #tpu.memory_space<vmem>> -> memref<1x72xi32, #tpu.memory_space<vmem>>
      %dma_wait3A_71 = tpu.memref_squeeze %dma_wait3A_70 : memref<1x72xi32, #tpu.memory_space<vmem>> -> memref<72xi32, #tpu.memory_space<vmem>>
      %dma_wait3A_72 = tpu.memref_slice %arg3[%add3A_4] : memref<4608xi32, #tpu.memory_space<hbm>> -> memref<72xi32, #tpu.memory_space<hbm>>
      tpu.wait_dma2 semaphore(%run_scoped3A_56 : memref<!tpu.dma_semaphore, #tpu.memory_space<semaphore_mem>>) src(%dma_wait3A_72 : memref<72xi32, #tpu.memory_space<hbm>>) dst(%dma_wait3A_71 : memref<72xi32, #tpu.memory_space<vmem>>)
      tpu.yield
    }) : () -> ()
    %mul3A_5 = arith.constant 144 : i32
    %mul3A_6 = arith.muli %add3A, %mul3A_5 : i32
    %add3A_7 = arith.constant 72 : i32
    %add3A_8 = arith.addi %mul3A_6, %add3A_7 : i32
    %run_scoped3A_9 = arith.constant 1 : i32
    "tpu.region"() ({
      %run_scoped3A_56 = tpu.sem_alloc : memref<!tpu.dma_semaphore, #tpu.memory_space<semaphore_mem>>
      %dma_start3A_57 = arith.constant 0 : i32
      %dma_start3A_58 = tpu.memref_slice %arg5[%run_scoped3A_9, %dma_start3A_57] : memref<2x72xi32, #tpu.memory_space<vmem>> -> memref<1x72xi32, #tpu.memory_space<vmem>>
      %dma_start3A_59 = tpu.memref_squeeze %dma_start3A_58 : memref<1x72xi32, #tpu.memory_space<vmem>> -> memref<72xi32, #tpu.memory_space<vmem>>
      %dma_start3A_60 = tpu.memref_slice %arg3[%add3A_8] : memref<4608xi32, #tpu.memory_space<hbm>> -> memref<72xi32, #tpu.memory_space<hbm>>
      %dma_start3A_61 = arith.constant 0 : i32
      %dma_start3A_62 = tpu.memref_slice %arg5[%run_scoped3A_9, %dma_start3A_61] : memref<2x72xi32, #tpu.memory_space<vmem>> -> memref<1x72xi32, #tpu.memory_space<vmem>>
      %dma_start3A_63 = tpu.memref_squeeze %dma_start3A_62 : memref<1x72xi32, #tpu.memory_space<vmem>> -> memref<72xi32, #tpu.memory_space<vmem>>
      %dma_start3A_64 = tpu.memref_slice %arg3[%add3A_8] : memref<4608xi32, #tpu.memory_space<hbm>> -> memref<72xi32, #tpu.memory_space<hbm>>
      tpu.enqueue_dma source(%dma_start3A_64 : memref<72xi32, #tpu.memory_space<hbm>>) target(%dma_start3A_63 : memref<72xi32, #tpu.memory_space<vmem>>) target_semaphore(%run_scoped3A_56 : memref<!tpu.dma_semaphore, #tpu.memory_space<semaphore_mem>>)
      %dma_wait3A_65 = arith.constant 0 : i32
      %dma_wait3A_66 = tpu.memref_slice %arg5[%run_scoped3A_9, %dma_wait3A_65] : memref<2x72xi32, #tpu.memory_space<vmem>> -> memref<1x72xi32, #tpu.memory_space<vmem>>
      %dma_wait3A_67 = tpu.memref_squeeze %dma_wait3A_66 : memref<1x72xi32, #tpu.memory_space<vmem>> -> memref<72xi32, #tpu.memory_space<vmem>>
      %dma_wait3A_68 = tpu.memref_slice %arg3[%add3A_8] : memref<4608xi32, #tpu.memory_space<hbm>> -> memref<72xi32, #tpu.memory_space<hbm>>
      %dma_wait3A_69 = arith.constant 0 : i32
      %dma_wait3A_70 = tpu.memref_slice %arg5[%run_scoped3A_9, %dma_wait3A_69] : memref<2x72xi32, #tpu.memory_space<vmem>> -> memref<1x72xi32, #tpu.memory_space<vmem>>
      %dma_wait3A_71 = tpu.memref_squeeze %dma_wait3A_70 : memref<1x72xi32, #tpu.memory_space<vmem>> -> memref<72xi32, #tpu.memory_space<vmem>>
      %dma_wait3A_72 = tpu.memref_slice %arg3[%add3A_8] : memref<4608xi32, #tpu.memory_space<hbm>> -> memref<72xi32, #tpu.memory_space<hbm>>
      tpu.wait_dma2 semaphore(%run_scoped3A_56 : memref<!tpu.dma_semaphore, #tpu.memory_space<semaphore_mem>>) src(%dma_wait3A_72 : memref<72xi32, #tpu.memory_space<hbm>>) dst(%dma_wait3A_71 : memref<72xi32, #tpu.memory_space<vmem>>)
      tpu.yield
    }) : () -> ()
    %dma_start3A = arith.constant 0 : i32
    %dma_start3A_10 = arith.constant 0 : i32
    %dma_start3A_11 = arith.constant 0 : i32
    %dma_start3A_12 = arith.constant 0 : i32
    %dma_start3A_13 = tpu.memref_slice %arg6[%dma_start3A_10, %dma_start3A_11, %dma_start3A_12] : memref<2x72x256xf32, #tpu.memory_space<vmem>> -> memref<1x72x256xf32, #tpu.memory_space<vmem>>
    %dma_start3A_14 = tpu.memref_squeeze %dma_start3A_13 : memref<1x72x256xf32, #tpu.memory_space<vmem>> -> memref<72x256xf32, #tpu.memory_space<vmem>>
    %dma_start3A_15 = arith.constant 0 : i32
    %dma_start3A_16 = tpu.memref_slice %arg5[%dma_start3A, %dma_start3A_15] : memref<2x72xi32, #tpu.memory_space<vmem>> -> memref<1x72xi32, #tpu.memory_space<vmem>>
    %dma_start3A_17 = tpu.memref_squeeze %dma_start3A_16 : memref<1x72xi32, #tpu.memory_space<vmem>> -> memref<72xi32, #tpu.memory_space<vmem>>
    %dma_start3A_18 = arith.constant 0 : i32
    %dma_start3A_19 = arith.constant 0 : i32
    %dma_start3A_20 = tpu.memref_slice %arg2[%dma_start3A_18, %dma_start3A_19] : memref<8192x256xf32, #tpu.memory_space<hbm>> -> memref<8192x256xf32, #tpu.memory_space<hbm>>
    tpu.enqueue_indirect_dma source(%dma_start3A_20 : memref<8192x256xf32, #tpu.memory_space<hbm>>) target(%dma_start3A_14 : memref<72x256xf32, #tpu.memory_space<vmem>>) offsets(%dma_start3A_17 : memref<72xi32, #tpu.memory_space<vmem>>) semaphore(%arg7 : memref<!tpu.dma_semaphore, #tpu.memory_space<semaphore_mem>>)
    %dma_start3A_21 = arith.constant 1 : i32
    %dma_start3A_22 = arith.constant 1 : i32
    %dma_start3A_23 = arith.constant 0 : i32
    %dma_start3A_24 = arith.constant 0 : i32
    %dma_start3A_25 = tpu.memref_slice %arg6[%dma_start3A_22, %dma_start3A_23, %dma_start3A_24] : memref<2x72x256xf32, #tpu.memory_space<vmem>> -> memref<1x72x256xf32, #tpu.memory_space<vmem>>
    %dma_start3A_26 = tpu.memref_squeeze %dma_start3A_25 : memref<1x72x256xf32, #tpu.memory_space<vmem>> -> memref<72x256xf32, #tpu.memory_space<vmem>>
    %dma_start3A_27 = arith.constant 0 : i32
    %dma_start3A_28 = tpu.memref_slice %arg5[%dma_start3A_21, %dma_start3A_27] : memref<2x72xi32, #tpu.memory_space<vmem>> -> memref<1x72xi32, #tpu.memory_space<vmem>>
    %dma_start3A_29 = tpu.memref_squeeze %dma_start3A_28 : memref<1x72xi32, #tpu.memory_space<vmem>> -> memref<72xi32, #tpu.memory_space<vmem>>
    %dma_start3A_30 = arith.constant 0 : i32
    %dma_start3A_31 = arith.constant 0 : i32
    %dma_start3A_32 = tpu.memref_slice %arg2[%dma_start3A_30, %dma_start3A_31] : memref<8192x256xf32, #tpu.memory_space<hbm>> -> memref<8192x256xf32, #tpu.memory_space<hbm>>
    tpu.enqueue_indirect_dma source(%dma_start3A_32 : memref<8192x256xf32, #tpu.memory_space<hbm>>) target(%dma_start3A_26 : memref<72x256xf32, #tpu.memory_space<vmem>>) offsets(%dma_start3A_29 : memref<72xi32, #tpu.memory_space<vmem>>) semaphore(%arg7 : memref<!tpu.dma_semaphore, #tpu.memory_space<semaphore_mem>>)
    %dma_wait3A = arith.constant 0 : i32
    %dma_wait3A_33 = arith.constant 0 : i32
    %dma_wait3A_34 = arith.constant 0 : i32
    %dma_wait3A_35 = arith.constant 0 : i32
    %dma_wait3A_36 = tpu.memref_slice %arg6[%dma_wait3A_33, %dma_wait3A_34, %dma_wait3A_35] : memref<2x72x256xf32, #tpu.memory_space<vmem>> -> memref<1x72x256xf32, #tpu.memory_space<vmem>>
    %dma_wait3A_37 = tpu.memref_squeeze %dma_wait3A_36 : memref<1x72x256xf32, #tpu.memory_space<vmem>> -> memref<72x256xf32, #tpu.memory_space<vmem>>
    %dma_wait3A_38 = arith.constant 0 : i32
    %dma_wait3A_39 = tpu.memref_slice %arg5[%dma_wait3A, %dma_wait3A_38] : memref<2x72xi32, #tpu.memory_space<vmem>> -> memref<1x72xi32, #tpu.memory_space<vmem>>
    %dma_wait3A_40 = tpu.memref_squeeze %dma_wait3A_39 : memref<1x72xi32, #tpu.memory_space<vmem>> -> memref<72xi32, #tpu.memory_space<vmem>>
    %dma_wait3A_41 = arith.constant 0 : i32
    %dma_wait3A_42 = arith.constant 0 : i32
    %dma_wait3A_43 = tpu.memref_slice %arg2[%dma_wait3A_41, %dma_wait3A_42] : memref<8192x256xf32, #tpu.memory_space<hbm>> -> memref<8192x256xf32, #tpu.memory_space<hbm>>
    tpu.wait_indirect_dma semaphore(%arg7 : memref<!tpu.dma_semaphore, #tpu.memory_space<semaphore_mem>>) src(%dma_wait3A_43 : memref<8192x256xf32, #tpu.memory_space<hbm>>) dst(%dma_wait3A_37 : memref<72x256xf32, #tpu.memory_space<vmem>>)
    %dma_wait3A_44 = arith.constant 1 : i32
    %dma_wait3A_45 = arith.constant 1 : i32
    %dma_wait3A_46 = arith.constant 0 : i32
    %dma_wait3A_47 = arith.constant 0 : i32
    %dma_wait3A_48 = tpu.memref_slice %arg6[%dma_wait3A_45, %dma_wait3A_46, %dma_wait3A_47] : memref<2x72x256xf32, #tpu.memory_space<vmem>> -> memref<1x72x256xf32, #tpu.memory_space<vmem>>
    %dma_wait3A_49 = tpu.memref_squeeze %dma_wait3A_48 : memref<1x72x256xf32, #tpu.memory_space<vmem>> -> memref<72x256xf32, #tpu.memory_space<vmem>>
    %dma_wait3A_50 = arith.constant 0 : i32
    %dma_wait3A_51 = tpu.memref_slice %arg5[%dma_wait3A_44, %dma_wait3A_50] : memref<2x72xi32, #tpu.memory_space<vmem>> -> memref<1x72xi32, #tpu.memory_space<vmem>>
    %dma_wait3A_52 = tpu.memref_squeeze %dma_wait3A_51 : memref<1x72xi32, #tpu.memory_space<vmem>> -> memref<72xi32, #tpu.memory_space<vmem>>
    %dma_wait3A_53 = arith.constant 0 : i32
    %dma_wait3A_54 = arith.constant 0 : i32
    %dma_wait3A_55 = tpu.memref_slice %arg2[%dma_wait3A_53, %dma_wait3A_54] : memref<8192x256xf32, #tpu.memory_space<hbm>> -> memref<8192x256xf32, #tpu.memory_space<hbm>>
    tpu.wait_indirect_dma semaphore(%arg7 : memref<!tpu.dma_semaphore, #tpu.memory_space<semaphore_mem>>) src(%dma_wait3A_55 : memref<8192x256xf32, #tpu.memory_space<hbm>>) dst(%dma_wait3A_49 : memref<72x256xf32, #tpu.memory_space<vmem>>)
    "tpu.region"() ({
      %run_scoped3A_56 = tpu.sem_alloc : memref<!tpu.dma_semaphore, #tpu.memory_space<semaphore_mem>>
      %dma_start3A_57 = arith.constant 0 : i32
      %dma_start3A_58 = arith.constant 0 : i32
      %dma_start3A_59 = arith.constant 0 : i32
      %dma_start3A_60 = tpu.memref_slice %arg4[%add3A, %dma_start3A_57, %dma_start3A_58, %dma_start3A_59] : memref<32x2x72x256xf32, #tpu.memory_space<hbm>> -> memref<1x2x72x256xf32, #tpu.memory_space<hbm>>
      %dma_start3A_61 = tpu.memref_squeeze %dma_start3A_60 : memref<1x2x72x256xf32, #tpu.memory_space<hbm>> -> memref<2x72x256xf32, #tpu.memory_space<hbm>>
      %dma_start3A_62 = arith.constant 0 : i32
      %dma_start3A_63 = arith.constant 0 : i32
      %dma_start3A_64 = arith.constant 0 : i32
      %dma_start3A_65 = tpu.memref_slice %arg4[%add3A, %dma_start3A_62, %dma_start3A_63, %dma_start3A_64] : memref<32x2x72x256xf32, #tpu.memory_space<hbm>> -> memref<1x2x72x256xf32, #tpu.memory_space<hbm>>
      %dma_start3A_66 = tpu.memref_squeeze %dma_start3A_65 : memref<1x2x72x256xf32, #tpu.memory_space<hbm>> -> memref<2x72x256xf32, #tpu.memory_space<hbm>>
      tpu.enqueue_dma source(%arg6 : memref<2x72x256xf32, #tpu.memory_space<vmem>>) target(%dma_start3A_66 : memref<2x72x256xf32, #tpu.memory_space<hbm>>) target_semaphore(%run_scoped3A_56 : memref<!tpu.dma_semaphore, #tpu.memory_space<semaphore_mem>>)
      %dma_wait3A_67 = arith.constant 0 : i32
      %dma_wait3A_68 = arith.constant 0 : i32
      %dma_wait3A_69 = arith.constant 0 : i32
      %dma_wait3A_70 = tpu.memref_slice %arg4[%add3A, %dma_wait3A_67, %dma_wait3A_68, %dma_wait3A_69] : memref<32x2x72x256xf32, #tpu.memory_space<hbm>> -> memref<1x2x72x256xf32, #tpu.memory_space<hbm>>
      %dma_wait3A_71 = tpu.memref_squeeze %dma_wait3A_70 : memref<1x2x72x256xf32, #tpu.memory_space<hbm>> -> memref<2x72x256xf32, #tpu.memory_space<hbm>>
      %dma_wait3A_72 = arith.constant 0 : i32
      %dma_wait3A_73 = arith.constant 0 : i32
      %dma_wait3A_74 = arith.constant 0 : i32
      %dma_wait3A_75 = tpu.memref_slice %arg4[%add3A, %dma_wait3A_72, %dma_wait3A_73, %dma_wait3A_74] : memref<32x2x72x256xf32, #tpu.memory_space<hbm>> -> memref<1x2x72x256xf32, #tpu.memory_space<hbm>>
      %dma_wait3A_76 = tpu.memref_squeeze %dma_wait3A_75 : memref<1x2x72x256xf32, #tpu.memory_space<hbm>> -> memref<2x72x256xf32, #tpu.memory_space<hbm>>
      tpu.wait_dma2 semaphore(%run_scoped3A_56 : memref<!tpu.dma_semaphore, #tpu.memory_space<semaphore_mem>>) src(%arg6 : memref<2x72x256xf32, #tpu.memory_space<vmem>>) dst(%dma_wait3A_76 : memref<2x72x256xf32, #tpu.memory_space<hbm>>)
      tpu.yield
    }) : () -> ()
    return
  }
}

module attributes {stable_mosaic.version = 14 : i64} {
  func.func @_c2_body(%arg0: i32, %arg1: memref<8192x256xf32, #tpu.memory_space<vmem>>, %arg2: memref<1x8192xf32, #tpu.memory_space<vmem>>) attributes {dimension_semantics = [#tpu.dimension_semantics<arbitrary>], iteration_bounds = array<i64: 1>, scalar_prefetch = 0 : i64, scratch_operands = 0 : i64, tpu.core_type = #tpu.core_type<tc>, window_params = [{pipeline_mode = #tpu.pipeline_mode<synchronous>, transform_indices = @transform_0, window_bounds = array<i64: 8192, 256>}, {pipeline_mode = #tpu.pipeline_mode<synchronous>, transform_indices = @transform_1, window_bounds = array<i64: 1, 8192>}]} {
    %get3A = arith.constant 0 : index
    %get3A_0 = arith.constant 0 : index
    %get3A_1 = vector.load %arg1[%get3A, %get3A_0] : memref<8192x256xf32, #tpu.memory_space<vmem>>, vector<2048x256xf32>
    %mul3A = arith.mulf %get3A_1, %get3A_1 : vector<2048x256xf32>
    %reduce_sum3A = arith.constant dense<0.000000e+00> : vector<2048xf32>
    %reduce_sum3A_2 = vector.multi_reduction <add>, %mul3A, %reduce_sum3A [1] : vector<2048x256xf32> to vector<2048xf32>
    %swap3A = arith.constant 0 : index
    %swap3A_3 = arith.constant 0 : index
    %swap3A_4 = vector.load %arg2[%swap3A, %swap3A_3] : memref<1x8192xf32, #tpu.memory_space<vmem>>, vector<1x2048xf32>
    %swap3A_5 = vector.shape_cast %swap3A_4 : vector<1x2048xf32> to vector<2048xf32>
    %swap3A_6 = vector.shape_cast %reduce_sum3A_2 : vector<2048xf32> to vector<1x2048xf32>
    tpu.vector_store %arg2[%swap3A, %swap3A_3], %swap3A_6 {strides = array<i32>} : memref<1x8192xf32, #tpu.memory_space<vmem>>, vector<1x2048xf32>,
    %get3A_7 = arith.constant 2048 : index
    %get3A_8 = arith.constant 0 : index
    %get3A_9 = vector.load %arg1[%get3A_7, %get3A_8] : memref<8192x256xf32, #tpu.memory_space<vmem>>, vector<2048x256xf32>
    %mul3A_10 = arith.mulf %get3A_9, %get3A_9 : vector<2048x256xf32>
    %reduce_sum3A_11 = arith.constant dense<0.000000e+00> : vector<2048xf32>
    %reduce_sum3A_12 = vector.multi_reduction <add>, %mul3A_10, %reduce_sum3A_11 [1] : vector<2048x256xf32> to vector<2048xf32>
    %swap3A_13 = arith.constant 0 : index
    %swap3A_14 = arith.constant 2048 : index
    %swap3A_15 = vector.load %arg2[%swap3A_13, %swap3A_14] : memref<1x8192xf32, #tpu.memory_space<vmem>>, vector<1x2048xf32>
    %swap3A_16 = vector.shape_cast %swap3A_15 : vector<1x2048xf32> to vector<2048xf32>
    %swap3A_17 = vector.shape_cast %reduce_sum3A_12 : vector<2048xf32> to vector<1x2048xf32>
    tpu.vector_store %arg2[%swap3A_13, %swap3A_14], %swap3A_17 {strides = array<i32>} : memref<1x8192xf32, #tpu.memory_space<vmem>>, vector<1x2048xf32>,
    %get3A_18 = arith.constant 4096 : index
    %get3A_19 = arith.constant 0 : index
    %get3A_20 = vector.load %arg1[%get3A_18, %get3A_19] : memref<8192x256xf32, #tpu.memory_space<vmem>>, vector<2048x256xf32>
    %mul3A_21 = arith.mulf %get3A_20, %get3A_20 : vector<2048x256xf32>
    %reduce_sum3A_22 = arith.constant dense<0.000000e+00> : vector<2048xf32>
    %reduce_sum3A_23 = vector.multi_reduction <add>, %mul3A_21, %reduce_sum3A_22 [1] : vector<2048x256xf32> to vector<2048xf32>
    %swap3A_24 = arith.constant 0 : index
    %swap3A_25 = arith.constant 4096 : index
    %swap3A_26 = vector.load %arg2[%swap3A_24, %swap3A_25] : memref<1x8192xf32, #tpu.memory_space<vmem>>, vector<1x2048xf32>
    %swap3A_27 = vector.shape_cast %swap3A_26 : vector<1x2048xf32> to vector<2048xf32>
    %swap3A_28 = vector.shape_cast %reduce_sum3A_23 : vector<2048xf32> to vector<1x2048xf32>
    tpu.vector_store %arg2[%swap3A_24, %swap3A_25], %swap3A_28 {strides = array<i32>} : memref<1x8192xf32, #tpu.memory_space<vmem>>, vector<1x2048xf32>,
    %get3A_29 = arith.constant 6144 : index
    %get3A_30 = arith.constant 0 : index
    %get3A_31 = vector.load %arg1[%get3A_29, %get3A_30] : memref<8192x256xf32, #tpu.memory_space<vmem>>, vector<2048x256xf32>
    %mul3A_32 = arith.mulf %get3A_31, %get3A_31 : vector<2048x256xf32>
    %reduce_sum3A_33 = arith.constant dense<0.000000e+00> : vector<2048xf32>
    %reduce_sum3A_34 = vector.multi_reduction <add>, %mul3A_32, %reduce_sum3A_33 [1] : vector<2048x256xf32> to vector<2048xf32>
    %swap3A_35 = arith.constant 0 : index
    %swap3A_36 = arith.constant 6144 : index
    %swap3A_37 = vector.load %arg2[%swap3A_35, %swap3A_36] : memref<1x8192xf32, #tpu.memory_space<vmem>>, vector<1x2048xf32>
    %swap3A_38 = vector.shape_cast %swap3A_37 : vector<1x2048xf32> to vector<2048xf32>
    %swap3A_39 = vector.shape_cast %reduce_sum3A_34 : vector<2048xf32> to vector<1x2048xf32>
    tpu.vector_store %arg2[%swap3A_35, %swap3A_36], %swap3A_39 {strides = array<i32>} : memref<1x8192xf32, #tpu.memory_space<vmem>>, vector<1x2048xf32>,
    return
  }
  func.func @transform_0(%arg0: i32) -> (i32, i32) {
    %c0_i32 = arith.constant 0 : i32
    %c0_i32_0 = arith.constant 0 : i32
    %c0_i32_1 = arith.constant 0 : i32
    return %c0_i32, %c0_i32_0 : i32, i32
  }
  func.func @transform_1(%arg0: i32) -> (i32, i32) {
    %c0_i32 = arith.constant 0 : i32
    %c0_i32_0 = arith.constant 0 : i32
    %c0_i32_1 = arith.constant 0 : i32
    return %c0_i32, %c0_i32_0 : i32, i32
  }
}

module attributes {stable_mosaic.version = 14 : i64} {
  func.func @_vq_next_body(%arg0: i32, %arg1: memref<512x256xf32, #tpu.memory_space<vmem>>, %arg2: memref<512x256xf32, #tpu.memory_space<vmem>>, %arg3: memref<8192x256xf32, #tpu.memory_space<vmem>>, %arg4: memref<1x8192xf32, #tpu.memory_space<vmem>>, %arg5: memref<512xi32, #tpu.memory_space<vmem>>, %arg6: memref<512x256xf32, #tpu.memory_space<vmem>>) attributes {dimension_semantics = [#tpu.dimension_semantics<arbitrary>], iteration_bounds = array<i64: 9>, scalar_prefetch = 0 : i64, scratch_operands = 0 : i64, tpu.core_type = #tpu.core_type<tc>, window_params = [{transform_indices = @transform_0, window_bounds = array<i64: 512, 256>}, {transform_indices = @transform_1, window_bounds = array<i64: 512, 256>}, {pipeline_mode = #tpu.pipeline_mode<synchronous>, transform_indices = @transform_2, window_bounds = array<i64: 8192, 256>}, {pipeline_mode = #tpu.pipeline_mode<synchronous>, transform_indices = @transform_3, window_bounds = array<i64: 1, 8192>}, {transform_indices = @transform_4, window_bounds = array<i64: 512>}, {transform_indices = @transform_5, window_bounds = array<i64: 512, 256>}]} {
    %get3A = arith.constant 0 : index
    %get3A_0 = arith.constant 0 : index
    %get3A_1 = vector.load %arg1[%get3A, %get3A_0] : memref<512x256xf32, #tpu.memory_space<vmem>>, vector<512x256xf32>
    %get3A_2 = arith.constant 0 : index
    %get3A_3 = arith.constant 0 : index
    %get3A_4 = vector.load %arg2[%get3A_2, %get3A_3] : memref<512x256xf32, #tpu.memory_space<vmem>>, vector<512x256xf32>
    %sub3A = arith.subf %get3A_1, %get3A_4 : vector<512x256xf32>
    %swap3A = arith.constant 0 : index
    %swap3A_5 = arith.constant 0 : index
    %swap3A_6 = vector.load %arg6[%swap3A, %swap3A_5] : memref<512x256xf32, #tpu.memory_space<vmem>>, vector<512x256xf32>
    tpu.vector_store %arg6[%swap3A, %swap3A_5], %sub3A {strides = array<i32>} : memref<512x256xf32, #tpu.memory_space<vmem>>, vector<512x256xf32>,
    %mul3A = arith.mulf %sub3A, %sub3A : vector<512x256xf32>
    %reduce_sum3A = arith.constant dense<0.000000e+00> : vector<512xf32>
    %reduce_sum3A_7 = vector.multi_reduction <add>, %mul3A, %reduce_sum3A [1] : vector<512x256xf32> to vector<512xf32>
    %add3A = arith.addf %sub3A, %sub3A : vector<512x256xf32>
    %broadcast_in_dim3A = arith.constant 0x7F800000 : f32
    %broadcast_in_dim3A_8 = vector.broadcast %broadcast_in_dim3A : f32 to vector<512xf32>
    %broadcast_in_dim3A_9 = arith.constant 0 : i32
    %broadcast_in_dim3A_10 = vector.broadcast %broadcast_in_dim3A_9 : i32 to vector<512xi32>
    %iota3A = tpu.iota {dimensions = array<i32: 1>} : vector<512x2048xi32>
    %get3A_11 = arith.constant 0 : index
    %get3A_12 = arith.constant 0 : index
    %get3A_13 = vector.load %arg3[%get3A_11, %get3A_12] : memref<8192x256xf32, #tpu.memory_space<vmem>>, vector<2048x256xf32>
    %get3A_14 = arith.constant 0 : index
    %get3A_15 = arith.constant 0 : index
    %get3A_16 = vector.load %arg4[%get3A_14, %get3A_15] : memref<1x8192xf32, #tpu.memory_space<vmem>>, vector<1x2048xf32>
    %get3A_17 = vector.shape_cast %get3A_16 : vector<1x2048xf32> to vector<2048xf32>
    %dot_general3A = arith.constant dense<0.000000e+00> : vector<512x2048xf32>
    %dot_general3A_18 = tpu.matmul %add3A, %get3A_13, %dot_general3A {dimension_numbers = #tpu.dot_dimension_numbers<[1], [1], [0], [0], [0, 0, 1, 0], [], []>, transpose_lhs_hint = false} : vector<512x256xf32>, vector<2048x256xf32>, vector<512x2048xf32> -> vector<512x2048xf32>
    %broadcast_in_dim3A_19 = vector.shape_cast %reduce_sum3A_7 : vector<512xf32> to vector<512x1xf32>
    %broadcast_in_dim3A_20 = vector.shape_cast %get3A_17 : vector<2048xf32> to vector<1x2048xf32>
    %add3A_21 = vector.broadcast %broadcast_in_dim3A_19 : vector<512x1xf32> to vector<512x2048xf32>
    %add3A_22 = vector.broadcast %broadcast_in_dim3A_20 : vector<1x2048xf32> to vector<512x2048xf32>
    %add3A_23 = arith.addf %add3A_21, %add3A_22 : vector<512x2048xf32>
    %sub3A_24 = arith.subf %add3A_23, %dot_general3A_18 : vector<512x2048xf32>
    %slice3A = vector.extract_strided_slice %sub3A_24 {offsets = [0, 0], sizes = [512, 1024], strides = [1, 1]} : vector<512x2048xf32> to vector<512x1024xf32>
    %slice3A_25 = vector.extract_strided_slice %sub3A_24 {offsets = [0, 1024], sizes = [512, 1024], strides = [1, 1]} : vector<512x2048xf32> to vector<512x1024xf32>
    %min3A = arith.minimumf %slice3A, %slice3A_25 : vector<512x1024xf32>
    %slice3A_26 = vector.extract_strided_slice %min3A {offsets = [0, 0], sizes = [512, 512], strides = [1, 1]} : vector<512x1024xf32> to vector<512x512xf32>
    %slice3A_27 = vector.extract_strided_slice %min3A {offsets = [0, 512], sizes = [512, 512], strides = [1, 1]} : vector<512x1024xf32> to vector<512x512xf32>
    %min3A_28 = arith.minimumf %slice3A_26, %slice3A_27 : vector<512x512xf32>
    %slice3A_29 = vector.extract_strided_slice %min3A_28 {offsets = [0, 0], sizes = [512, 256], strides = [1, 1]} : vector<512x512xf32> to vector<512x256xf32>
    %slice3A_30 = vector.extract_strided_slice %min3A_28 {offsets = [0, 256], sizes = [512, 256], strides = [1, 1]} : vector<512x512xf32> to vector<512x256xf32>
    %min3A_31 = arith.minimumf %slice3A_29, %slice3A_30 : vector<512x256xf32>
    %slice3A_32 = vector.extract_strided_slice %min3A_31 {offsets = [0, 0], sizes = [512, 128], strides = [1, 1]} : vector<512x256xf32> to vector<512x128xf32>
    %slice3A_33 = vector.extract_strided_slice %min3A_31 {offsets = [0, 128], sizes = [512, 128], strides = [1, 1]} : vector<512x256xf32> to vector<512x128xf32>
    %min3A_34 = arith.minimumf %slice3A_32, %slice3A_33 : vector<512x128xf32>
    %reduce_min3A = arith.constant dense<0x7F800000> : vector<512xf32>
    %reduce_min3A_35 = vector.multi_reduction <minimumf>, %min3A_34, %reduce_min3A [1] : vector<512x128xf32> to vector<512xf32>
    %broadcast_in_dim3A_36 = vector.shape_cast %reduce_min3A_35 : vector<512xf32> to vector<512x1xf32>
    %eq3A = vector.broadcast %broadcast_in_dim3A_36 : vector<512x1xf32> to vector<512x2048xf32>
    %eq3A_37 = arith.cmpf oeq, %sub3A_24, %eq3A : vector<512x2048xf32>
    %jit3A = arith.constant 8192 : i32
    %broadcast_in_dim3A_38 = vector.broadcast %jit3A : i32 to vector<512x2048xi32>
    %select_n3A = arith.select %eq3A_37, %iota3A, %broadcast_in_dim3A_38 : vector<512x2048xi1>, vector<512x2048xi32>
    %slice3A_39 = vector.extract_strided_slice %select_n3A {offsets = [0, 0], sizes = [512, 1024], strides = [1, 1]} : vector<512x2048xi32> to vector<512x1024xi32>
    %slice3A_40 = vector.extract_strided_slice %select_n3A {offsets = [0, 1024], sizes = [512, 1024], strides = [1, 1]} : vector<512x2048xi32> to vector<512x1024xi32>
    %min3A_41 = arith.minsi %slice3A_39, %slice3A_40 : vector<512x1024xi32>
    %slice3A_42 = vector.extract_strided_slice %min3A_41 {offsets = [0, 0], sizes = [512, 512], strides = [1, 1]} : vector<512x1024xi32> to vector<512x512xi32>
    %slice3A_43 = vector.extract_strided_slice %min3A_41 {offsets = [0, 512], sizes = [512, 512], strides = [1, 1]} : vector<512x1024xi32> to vector<512x512xi32>
    %min3A_44 = arith.minsi %slice3A_42, %slice3A_43 : vector<512x512xi32>
    %slice3A_45 = vector.extract_strided_slice %min3A_44 {offsets = [0, 0], sizes = [512, 256], strides = [1, 1]} : vector<512x512xi32> to vector<512x256xi32>
    %slice3A_46 = vector.extract_strided_slice %min3A_44 {offsets = [0, 256], sizes = [512, 256], strides = [1, 1]} : vector<512x512xi32> to vector<512x256xi32>
    %min3A_47 = arith.minsi %slice3A_45, %slice3A_46 : vector<512x256xi32>
    %slice3A_48 = vector.extract_strided_slice %min3A_47 {offsets = [0, 0], sizes = [512, 128], strides = [1, 1]} : vector<512x256xi32> to vector<512x128xi32>
    %slice3A_49 = vector.extract_strided_slice %min3A_47 {offsets = [0, 128], sizes = [512, 128], strides = [1, 1]} : vector<512x256xi32> to vector<512x128xi32>
    %min3A_50 = arith.minsi %slice3A_48, %slice3A_49 : vector<512x128xi32>
    %reduce_min3A_51 = arith.constant dense<2147483647> : vector<512xi32>
    %reduce_min3A_52 = vector.multi_reduction <minsi>, %min3A_50, %reduce_min3A_51 [1] : vector<512x128xi32> to vector<512xi32>
    %add3A_53 = arith.constant 0 : i32
    %add3A_54 = vector.broadcast %add3A_53 : i32 to vector<512xi32>
    %add3A_55 = arith.addi %reduce_min3A_52, %add3A_54 : vector<512xi32>
    %lt3A = arith.cmpf olt, %reduce_min3A_35, %broadcast_in_dim3A_8 : vector<512xf32>
    %select_n3A_56 = arith.select %lt3A, %reduce_min3A_35, %broadcast_in_dim3A_8 : vector<512xi1>, vector<512xf32>
    %select_n3A_57 = arith.select %lt3A, %add3A_55, %broadcast_in_dim3A_10 : vector<512xi1>, vector<512xi32>
    %get3A_58 = arith.constant 2048 : index
    %get3A_59 = arith.constant 0 : index
    %get3A_60 = vector.load %arg3[%get3A_58, %get3A_59] : memref<8192x256xf32, #tpu.memory_space<vmem>>, vector<2048x256xf32>
    %get3A_61 = arith.constant 0 : index
    %get3A_62 = arith.constant 2048 : index
    %get3A_63 = vector.load %arg4[%get3A_61, %get3A_62] : memref<1x8192xf32, #tpu.memory_space<vmem>>, vector<1x2048xf32>
    %get3A_64 = vector.shape_cast %get3A_63 : vector<1x2048xf32> to vector<2048xf32>
    %dot_general3A_65 = arith.constant dense<0.000000e+00> : vector<512x2048xf32>
    %dot_general3A_66 = tpu.matmul %add3A, %get3A_60, %dot_general3A_65 {dimension_numbers = #tpu.dot_dimension_numbers<[1], [1], [0], [0], [0, 0, 1, 0], [], []>, transpose_lhs_hint = false} : vector<512x256xf32>, vector<2048x256xf32>, vector<512x2048xf32> -> vector<512x2048xf32>
    %broadcast_in_dim3A_67 = vector.shape_cast %reduce_sum3A_7 : vector<512xf32> to vector<512x1xf32>
    %broadcast_in_dim3A_68 = vector.shape_cast %get3A_64 : vector<2048xf32> to vector<1x2048xf32>
    %add3A_69 = vector.broadcast %broadcast_in_dim3A_67 : vector<512x1xf32> to vector<512x2048xf32>
    %add3A_70 = vector.broadcast %broadcast_in_dim3A_68 : vector<1x2048xf32> to vector<512x2048xf32>
    %add3A_71 = arith.addf %add3A_69, %add3A_70 : vector<512x2048xf32>
    %sub3A_72 = arith.subf %add3A_71, %dot_general3A_66 : vector<512x2048xf32>
    %slice3A_73 = vector.extract_strided_slice %sub3A_72 {offsets = [0, 0], sizes = [512, 1024], strides = [1, 1]} : vector<512x2048xf32> to vector<512x1024xf32>
    %slice3A_74 = vector.extract_strided_slice %sub3A_72 {offsets = [0, 1024], sizes = [512, 1024], strides = [1, 1]} : vector<512x2048xf32> to vector<512x1024xf32>
    %min3A_75 = arith.minimumf %slice3A_73, %slice3A_74 : vector<512x1024xf32>
    %slice3A_76 = vector.extract_strided_slice %min3A_75 {offsets = [0, 0], sizes = [512, 512], strides = [1, 1]} : vector<512x1024xf32> to vector<512x512xf32>
    %slice3A_77 = vector.extract_strided_slice %min3A_75 {offsets = [0, 512], sizes = [512, 512], strides = [1, 1]} : vector<512x1024xf32> to vector<512x512xf32>
    %min3A_78 = arith.minimumf %slice3A_76, %slice3A_77 : vector<512x512xf32>
    %slice3A_79 = vector.extract_strided_slice %min3A_78 {offsets = [0, 0], sizes = [512, 256], strides = [1, 1]} : vector<512x512xf32> to vector<512x256xf32>
    %slice3A_80 = vector.extract_strided_slice %min3A_78 {offsets = [0, 256], sizes = [512, 256], strides = [1, 1]} : vector<512x512xf32> to vector<512x256xf32>
    %min3A_81 = arith.minimumf %slice3A_79, %slice3A_80 : vector<512x256xf32>
    %slice3A_82 = vector.extract_strided_slice %min3A_81 {offsets = [0, 0], sizes = [512, 128], strides = [1, 1]} : vector<512x256xf32> to vector<512x128xf32>
    %slice3A_83 = vector.extract_strided_slice %min3A_81 {offsets = [0, 128], sizes = [512, 128], strides = [1, 1]} : vector<512x256xf32> to vector<512x128xf32>
    %min3A_84 = arith.minimumf %slice3A_82, %slice3A_83 : vector<512x128xf32>
    %reduce_min3A_85 = arith.constant dense<0x7F800000> : vector<512xf32>
    %reduce_min3A_86 = vector.multi_reduction <minimumf>, %min3A_84, %reduce_min3A_85 [1] : vector<512x128xf32> to vector<512xf32>
    %broadcast_in_dim3A_87 = vector.shape_cast %reduce_min3A_86 : vector<512xf32> to vector<512x1xf32>
    %eq3A_88 = vector.broadcast %broadcast_in_dim3A_87 : vector<512x1xf32> to vector<512x2048xf32>
    %eq3A_89 = arith.cmpf oeq, %sub3A_72, %eq3A_88 : vector<512x2048xf32>
    %jit3A_90 = arith.constant 8192 : i32
    %broadcast_in_dim3A_91 = vector.broadcast %jit3A_90 : i32 to vector<512x2048xi32>
    %select_n3A_92 = arith.select %eq3A_89, %iota3A, %broadcast_in_dim3A_91 : vector<512x2048xi1>, vector<512x2048xi32>
    %slice3A_93 = vector.extract_strided_slice %select_n3A_92 {offsets = [0, 0], sizes = [512, 1024], strides = [1, 1]} : vector<512x2048xi32> to vector<512x1024xi32>
    %slice3A_94 = vector.extract_strided_slice %select_n3A_92 {offsets = [0, 1024], sizes = [512, 1024], strides = [1, 1]} : vector<512x2048xi32> to vector<512x1024xi32>
    %min3A_95 = arith.minsi %slice3A_93, %slice3A_94 : vector<512x1024xi32>
    %slice3A_96 = vector.extract_strided_slice %min3A_95 {offsets = [0, 0], sizes = [512, 512], strides = [1, 1]} : vector<512x1024xi32> to vector<512x512xi32>
    %slice3A_97 = vector.extract_strided_slice %min3A_95 {offsets = [0, 512], sizes = [512, 512], strides = [1, 1]} : vector<512x1024xi32> to vector<512x512xi32>
    %min3A_98 = arith.minsi %slice3A_96, %slice3A_97 : vector<512x512xi32>
    %slice3A_99 = vector.extract_strided_slice %min3A_98 {offsets = [0, 0], sizes = [512, 256], strides = [1, 1]} : vector<512x512xi32> to vector<512x256xi32>
    %slice3A_100 = vector.extract_strided_slice %min3A_98 {offsets = [0, 256], sizes = [512, 256], strides = [1, 1]} : vector<512x512xi32> to vector<512x256xi32>
    %min3A_101 = arith.minsi %slice3A_99, %slice3A_100 : vector<512x256xi32>
    %slice3A_102 = vector.extract_strided_slice %min3A_101 {offsets = [0, 0], sizes = [512, 128], strides = [1, 1]} : vector<512x256xi32> to vector<512x128xi32>
    %slice3A_103 = vector.extract_strided_slice %min3A_101 {offsets = [0, 128], sizes = [512, 128], strides = [1, 1]} : vector<512x256xi32> to vector<512x128xi32>
    %min3A_104 = arith.minsi %slice3A_102, %slice3A_103 : vector<512x128xi32>
    %reduce_min3A_105 = arith.constant dense<2147483647> : vector<512xi32>
    %reduce_min3A_106 = vector.multi_reduction <minsi>, %min3A_104, %reduce_min3A_105 [1] : vector<512x128xi32> to vector<512xi32>
    %add3A_107 = arith.constant 2048 : i32
    %add3A_108 = vector.broadcast %add3A_107 : i32 to vector<512xi32>
    %add3A_109 = arith.addi %reduce_min3A_106, %add3A_108 : vector<512xi32>
    %lt3A_110 = arith.cmpf olt, %reduce_min3A_86, %select_n3A_56 : vector<512xf32>
    %select_n3A_111 = arith.select %lt3A_110, %reduce_min3A_86, %select_n3A_56 : vector<512xi1>, vector<512xf32>
    %select_n3A_112 = arith.select %lt3A_110, %add3A_109, %select_n3A_57 : vector<512xi1>, vector<512xi32>
    %get3A_113 = arith.constant 4096 : index
    %get3A_114 = arith.constant 0 : index
    %get3A_115 = vector.load %arg3[%get3A_113, %get3A_114] : memref<8192x256xf32, #tpu.memory_space<vmem>>, vector<2048x256xf32>
    %get3A_116 = arith.constant 0 : index
    %get3A_117 = arith.constant 4096 : index
    %get3A_118 = vector.load %arg4[%get3A_116, %get3A_117] : memref<1x8192xf32, #tpu.memory_space<vmem>>, vector<1x2048xf32>
    %get3A_119 = vector.shape_cast %get3A_118 : vector<1x2048xf32> to vector<2048xf32>
    %dot_general3A_120 = arith.constant dense<0.000000e+00> : vector<512x2048xf32>
    %dot_general3A_121 = tpu.matmul %add3A, %get3A_115, %dot_general3A_120 {dimension_numbers = #tpu.dot_dimension_numbers<[1], [1], [0], [0], [0, 0, 1, 0], [], []>, transpose_lhs_hint = false} : vector<512x256xf32>, vector<2048x256xf32>, vector<512x2048xf32> -> vector<512x2048xf32>
    %broadcast_in_dim3A_122 = vector.shape_cast %reduce_sum3A_7 : vector<512xf32> to vector<512x1xf32>
    %broadcast_in_dim3A_123 = vector.shape_cast %get3A_119 : vector<2048xf32> to vector<1x2048xf32>
    %add3A_124 = vector.broadcast %broadcast_in_dim3A_122 : vector<512x1xf32> to vector<512x2048xf32>
    %add3A_125 = vector.broadcast %broadcast_in_dim3A_123 : vector<1x2048xf32> to vector<512x2048xf32>
    %add3A_126 = arith.addf %add3A_124, %add3A_125 : vector<512x2048xf32>
    %sub3A_127 = arith.subf %add3A_126, %dot_general3A_121 : vector<512x2048xf32>
    %slice3A_128 = vector.extract_strided_slice %sub3A_127 {offsets = [0, 0], sizes = [512, 1024], strides = [1, 1]} : vector<512x2048xf32> to vector<512x1024xf32>
    %slice3A_129 = vector.extract_strided_slice %sub3A_127 {offsets = [0, 1024], sizes = [512, 1024], strides = [1, 1]} : vector<512x2048xf32> to vector<512x1024xf32>
    %min3A_130 = arith.minimumf %slice3A_128, %slice3A_129 : vector<512x1024xf32>
    %slice3A_131 = vector.extract_strided_slice %min3A_130 {offsets = [0, 0], sizes = [512, 512], strides = [1, 1]} : vector<512x1024xf32> to vector<512x512xf32>
    %slice3A_132 = vector.extract_strided_slice %min3A_130 {offsets = [0, 512], sizes = [512, 512], strides = [1, 1]} : vector<512x1024xf32> to vector<512x512xf32>
    %min3A_133 = arith.minimumf %slice3A_131, %slice3A_132 : vector<512x512xf32>
    %slice3A_134 = vector.extract_strided_slice %min3A_133 {offsets = [0, 0], sizes = [512, 256], strides = [1, 1]} : vector<512x512xf32> to vector<512x256xf32>
    %slice3A_135 = vector.extract_strided_slice %min3A_133 {offsets = [0, 256], sizes = [512, 256], strides = [1, 1]} : vector<512x512xf32> to vector<512x256xf32>
    %min3A_136 = arith.minimumf %slice3A_134, %slice3A_135 : vector<512x256xf32>
    %slice3A_137 = vector.extract_strided_slice %min3A_136 {offsets = [0, 0], sizes = [512, 128], strides = [1, 1]} : vector<512x256xf32> to vector<512x128xf32>
    %slice3A_138 = vector.extract_strided_slice %min3A_136 {offsets = [0, 128], sizes = [512, 128], strides = [1, 1]} : vector<512x256xf32> to vector<512x128xf32>
    %min3A_139 = arith.minimumf %slice3A_137, %slice3A_138 : vector<512x128xf32>
    %reduce_min3A_140 = arith.constant dense<0x7F800000> : vector<512xf32>
    %reduce_min3A_141 = vector.multi_reduction <minimumf>, %min3A_139, %reduce_min3A_140 [1] : vector<512x128xf32> to vector<512xf32>
    %broadcast_in_dim3A_142 = vector.shape_cast %reduce_min3A_141 : vector<512xf32> to vector<512x1xf32>
    %eq3A_143 = vector.broadcast %broadcast_in_dim3A_142 : vector<512x1xf32> to vector<512x2048xf32>
    %eq3A_144 = arith.cmpf oeq, %sub3A_127, %eq3A_143 : vector<512x2048xf32>
    %jit3A_145 = arith.constant 8192 : i32
    %broadcast_in_dim3A_146 = vector.broadcast %jit3A_145 : i32 to vector<512x2048xi32>
    %select_n3A_147 = arith.select %eq3A_144, %iota3A, %broadcast_in_dim3A_146 : vector<512x2048xi1>, vector<512x2048xi32>
    %slice3A_148 = vector.extract_strided_slice %select_n3A_147 {offsets = [0, 0], sizes = [512, 1024], strides = [1, 1]} : vector<512x2048xi32> to vector<512x1024xi32>
    %slice3A_149 = vector.extract_strided_slice %select_n3A_147 {offsets = [0, 1024], sizes = [512, 1024], strides = [1, 1]} : vector<512x2048xi32> to vector<512x1024xi32>
    %min3A_150 = arith.minsi %slice3A_148, %slice3A_149 : vector<512x1024xi32>
    %slice3A_151 = vector.extract_strided_slice %min3A_150 {offsets = [0, 0], sizes = [512, 512], strides = [1, 1]} : vector<512x1024xi32> to vector<512x512xi32>
    %slice3A_152 = vector.extract_strided_slice %min3A_150 {offsets = [0, 512], sizes = [512, 512], strides = [1, 1]} : vector<512x1024xi32> to vector<512x512xi32>
    %min3A_153 = arith.minsi %slice3A_151, %slice3A_152 : vector<512x512xi32>
    %slice3A_154 = vector.extract_strided_slice %min3A_153 {offsets = [0, 0], sizes = [512, 256], strides = [1, 1]} : vector<512x512xi32> to vector<512x256xi32>
    %slice3A_155 = vector.extract_strided_slice %min3A_153 {offsets = [0, 256], sizes = [512, 256], strides = [1, 1]} : vector<512x512xi32> to vector<512x256xi32>
    %min3A_156 = arith.minsi %slice3A_154, %slice3A_155 : vector<512x256xi32>
    %slice3A_157 = vector.extract_strided_slice %min3A_156 {offsets = [0, 0], sizes = [512, 128], strides = [1, 1]} : vector<512x256xi32> to vector<512x128xi32>
    %slice3A_158 = vector.extract_strided_slice %min3A_156 {offsets = [0, 128], sizes = [512, 128], strides = [1, 1]} : vector<512x256xi32> to vector<512x128xi32>
    %min3A_159 = arith.minsi %slice3A_157, %slice3A_158 : vector<512x128xi32>
    %reduce_min3A_160 = arith.constant dense<2147483647> : vector<512xi32>
    %reduce_min3A_161 = vector.multi_reduction <minsi>, %min3A_159, %reduce_min3A_160 [1] : vector<512x128xi32> to vector<512xi32>
    %add3A_162 = arith.constant 4096 : i32
    %add3A_163 = vector.broadcast %add3A_162 : i32 to vector<512xi32>
    %add3A_164 = arith.addi %reduce_min3A_161, %add3A_163 : vector<512xi32>
    %lt3A_165 = arith.cmpf olt, %reduce_min3A_141, %select_n3A_111 : vector<512xf32>
    %select_n3A_166 = arith.select %lt3A_165, %reduce_min3A_141, %select_n3A_111 : vector<512xi1>, vector<512xf32>
    %select_n3A_167 = arith.select %lt3A_165, %add3A_164, %select_n3A_112 : vector<512xi1>, vector<512xi32>
    %get3A_168 = arith.constant 6144 : index
    %get3A_169 = arith.constant 0 : index
    %get3A_170 = vector.load %arg3[%get3A_168, %get3A_169] : memref<8192x256xf32, #tpu.memory_space<vmem>>, vector<2048x256xf32>
    %get3A_171 = arith.constant 0 : index
    %get3A_172 = arith.constant 6144 : index
    %get3A_173 = vector.load %arg4[%get3A_171, %get3A_172] : memref<1x8192xf32, #tpu.memory_space<vmem>>, vector<1x2048xf32>
    %get3A_174 = vector.shape_cast %get3A_173 : vector<1x2048xf32> to vector<2048xf32>
    %dot_general3A_175 = arith.constant dense<0.000000e+00> : vector<512x2048xf32>
    %dot_general3A_176 = tpu.matmul %add3A, %get3A_170, %dot_general3A_175 {dimension_numbers = #tpu.dot_dimension_numbers<[1], [1], [0], [0], [0, 0, 1, 0], [], []>, transpose_lhs_hint = false} : vector<512x256xf32>, vector<2048x256xf32>, vector<512x2048xf32> -> vector<512x2048xf32>
    %broadcast_in_dim3A_177 = vector.shape_cast %reduce_sum3A_7 : vector<512xf32> to vector<512x1xf32>
    %broadcast_in_dim3A_178 = vector.shape_cast %get3A_174 : vector<2048xf32> to vector<1x2048xf32>
    %add3A_179 = vector.broadcast %broadcast_in_dim3A_177 : vector<512x1xf32> to vector<512x2048xf32>
    %add3A_180 = vector.broadcast %broadcast_in_dim3A_178 : vector<1x2048xf32> to vector<512x2048xf32>
    %add3A_181 = arith.addf %add3A_179, %add3A_180 : vector<512x2048xf32>
    %sub3A_182 = arith.subf %add3A_181, %dot_general3A_176 : vector<512x2048xf32>
    %slice3A_183 = vector.extract_strided_slice %sub3A_182 {offsets = [0, 0], sizes = [512, 1024], strides = [1, 1]} : vector<512x2048xf32> to vector<512x1024xf32>
    %slice3A_184 = vector.extract_strided_slice %sub3A_182 {offsets = [0, 1024], sizes = [512, 1024], strides = [1, 1]} : vector<512x2048xf32> to vector<512x1024xf32>
    %min3A_185 = arith.minimumf %slice3A_183, %slice3A_184 : vector<512x1024xf32>
    %slice3A_186 = vector.extract_strided_slice %min3A_185 {offsets = [0, 0], sizes = [512, 512], strides = [1, 1]} : vector<512x1024xf32> to vector<512x512xf32>
    %slice3A_187 = vector.extract_strided_slice %min3A_185 {offsets = [0, 512], sizes = [512, 512], strides = [1, 1]} : vector<512x1024xf32> to vector<512x512xf32>
    %min3A_188 = arith.minimumf %slice3A_186, %slice3A_187 : vector<512x512xf32>
    %slice3A_189 = vector.extract_strided_slice %min3A_188 {offsets = [0, 0], sizes = [512, 256], strides = [1, 1]} : vector<512x512xf32> to vector<512x256xf32>
    %slice3A_190 = vector.extract_strided_slice %min3A_188 {offsets = [0, 256], sizes = [512, 256], strides = [1, 1]} : vector<512x512xf32> to vector<512x256xf32>
    %min3A_191 = arith.minimumf %slice3A_189, %slice3A_190 : vector<512x256xf32>
    %slice3A_192 = vector.extract_strided_slice %min3A_191 {offsets = [0, 0], sizes = [512, 128], strides = [1, 1]} : vector<512x256xf32> to vector<512x128xf32>
    %slice3A_193 = vector.extract_strided_slice %min3A_191 {offsets = [0, 128], sizes = [512, 128], strides = [1, 1]} : vector<512x256xf32> to vector<512x128xf32>
    %min3A_194 = arith.minimumf %slice3A_192, %slice3A_193 : vector<512x128xf32>
    %reduce_min3A_195 = arith.constant dense<0x7F800000> : vector<512xf32>
    %reduce_min3A_196 = vector.multi_reduction <minimumf>, %min3A_194, %reduce_min3A_195 [1] : vector<512x128xf32> to vector<512xf32>
    %broadcast_in_dim3A_197 = vector.shape_cast %reduce_min3A_196 : vector<512xf32> to vector<512x1xf32>
    %eq3A_198 = vector.broadcast %broadcast_in_dim3A_197 : vector<512x1xf32> to vector<512x2048xf32>
    %eq3A_199 = arith.cmpf oeq, %sub3A_182, %eq3A_198 : vector<512x2048xf32>
    %jit3A_200 = arith.constant 8192 : i32
    %broadcast_in_dim3A_201 = vector.broadcast %jit3A_200 : i32 to vector<512x2048xi32>
    %select_n3A_202 = arith.select %eq3A_199, %iota3A, %broadcast_in_dim3A_201 : vector<512x2048xi1>, vector<512x2048xi32>
    %slice3A_203 = vector.extract_strided_slice %select_n3A_202 {offsets = [0, 0], sizes = [512, 1024], strides = [1, 1]} : vector<512x2048xi32> to vector<512x1024xi32>
    %slice3A_204 = vector.extract_strided_slice %select_n3A_202 {offsets = [0, 1024], sizes = [512, 1024], strides = [1, 1]} : vector<512x2048xi32> to vector<512x1024xi32>
    %min3A_205 = arith.minsi %slice3A_203, %slice3A_204 : vector<512x1024xi32>
    %slice3A_206 = vector.extract_strided_slice %min3A_205 {offsets = [0, 0], sizes = [512, 512], strides = [1, 1]} : vector<512x1024xi32> to vector<512x512xi32>
    %slice3A_207 = vector.extract_strided_slice %min3A_205 {offsets = [0, 512], sizes = [512, 512], strides = [1, 1]} : vector<512x1024xi32> to vector<512x512xi32>
    %min3A_208 = arith.minsi %slice3A_206, %slice3A_207 : vector<512x512xi32>
    %slice3A_209 = vector.extract_strided_slice %min3A_208 {offsets = [0, 0], sizes = [512, 256], strides = [1, 1]} : vector<512x512xi32> to vector<512x256xi32>
    %slice3A_210 = vector.extract_strided_slice %min3A_208 {offsets = [0, 256], sizes = [512, 256], strides = [1, 1]} : vector<512x512xi32> to vector<512x256xi32>
    %min3A_211 = arith.minsi %slice3A_209, %slice3A_210 : vector<512x256xi32>
    %slice3A_212 = vector.extract_strided_slice %min3A_211 {offsets = [0, 0], sizes = [512, 128], strides = [1, 1]} : vector<512x256xi32> to vector<512x128xi32>
    %slice3A_213 = vector.extract_strided_slice %min3A_211 {offsets = [0, 128], sizes = [512, 128], strides = [1, 1]} : vector<512x256xi32> to vector<512x128xi32>
    %min3A_214 = arith.minsi %slice3A_212, %slice3A_213 : vector<512x128xi32>
    %reduce_min3A_215 = arith.constant dense<2147483647> : vector<512xi32>
    %reduce_min3A_216 = vector.multi_reduction <minsi>, %min3A_214, %reduce_min3A_215 [1] : vector<512x128xi32> to vector<512xi32>
    %add3A_217 = arith.constant 6144 : i32
    %add3A_218 = vector.broadcast %add3A_217 : i32 to vector<512xi32>
    %add3A_219 = arith.addi %reduce_min3A_216, %add3A_218 : vector<512xi32>
    %lt3A_220 = arith.cmpf olt, %reduce_min3A_196, %select_n3A_166 : vector<512xf32>
    %select_n3A_221 = arith.select %lt3A_220, %add3A_219, %select_n3A_167 : vector<512xi1>, vector<512xi32>
    %swap3A_222 = arith.constant 0 : index
    %swap3A_223 = vector.load %arg5[%swap3A_222] : memref<512xi32, #tpu.memory_space<vmem>>, vector<512xi32>
    tpu.vector_store %arg5[%swap3A_222], %select_n3A_221 {strides = array<i32>} : memref<512xi32, #tpu.memory_space<vmem>>, vector<512xi32>,
    return
  }
  func.func @transform_0(%arg0: i32) -> (i32, i32) {
    %c0_i32 = arith.constant 0 : i32
    %c0_i32_0 = arith.constant 0 : i32
    return %arg0, %c0_i32 : i32, i32
  }
  func.func @transform_1(%arg0: i32) -> (i32, i32) {
    %c0_i32 = arith.constant 0 : i32
    %c0_i32_0 = arith.constant 0 : i32
    return %arg0, %c0_i32 : i32, i32
  }
  func.func @transform_2(%arg0: i32) -> (i32, i32) {
    %c0_i32 = arith.constant 0 : i32
    %c0_i32_0 = arith.constant 0 : i32
    %c0_i32_1 = arith.constant 0 : i32
    return %c0_i32, %c0_i32_0 : i32, i32
  }
  func.func @transform_3(%arg0: i32) -> (i32, i32) {
    %c0_i32 = arith.constant 0 : i32
    %c0_i32_0 = arith.constant 0 : i32
    %c0_i32_1 = arith.constant 0 : i32
    return %c0_i32, %c0_i32_0 : i32, i32
  }
  func.func @transform_4(%arg0: i32) -> i32 {
    %c0_i32 = arith.constant 0 : i32
    return %arg0 : i32
  }
  func.func @transform_5(%arg0: i32) -> (i32, i32) {
    %c0_i32 = arith.constant 0 : i32
    %c0_i32_0 = arith.constant 0 : i32
    return %arg0, %c0_i32 : i32, i32
  }
}

module attributes {stable_mosaic.version = 14 : i64} {
  func.func @_vq_first_body(%arg0: i32, %arg1: memref<512x256xf32, #tpu.memory_space<vmem>>, %arg2: memref<8192x256xf32, #tpu.memory_space<vmem>>, %arg3: memref<512xi32, #tpu.memory_space<vmem>>, %arg4: memref<1x8192xf32, #tpu.memory_space<vmem>>) attributes {dimension_semantics = [#tpu.dimension_semantics<arbitrary>], iteration_bounds = array<i64: 9>, scalar_prefetch = 0 : i64, scratch_operands = 1 : i64, tpu.core_type = #tpu.core_type<tc>, window_params = [{transform_indices = @transform_0, window_bounds = array<i64: 512, 256>}, {pipeline_mode = #tpu.pipeline_mode<synchronous>, transform_indices = @transform_1, window_bounds = array<i64: 8192, 256>}, {transform_indices = @transform_2, window_bounds = array<i64: 512>}]} {
    %eq3A = arith.constant 0 : i32
    %eq3A_0 = arith.cmpi eq, %arg0, %eq3A : i32
    %convert_element_type3A = arith.extui %eq3A_0 : i1 to i32
    %cond3A = arith.constant 0 : i32
    %cond3A_1 = arith.cmpi ne, %convert_element_type3A, %cond3A : i32
    scf.if %cond3A_1 {
      %get3A_220 = arith.constant 0 : index
      %get3A_221 = arith.constant 0 : index
      %get3A_222 = vector.load %arg2[%get3A_220, %get3A_221] : memref<8192x256xf32, #tpu.memory_space<vmem>>, vector<2048x256xf32>
      %mul3A_223 = arith.mulf %get3A_222, %get3A_222 : vector<2048x256xf32>
      %reduce_sum3A_224 = arith.constant dense<0.000000e+00> : vector<2048xf32>
      %reduce_sum3A_225 = vector.multi_reduction <add>, %mul3A_223, %reduce_sum3A_224 [1] : vector<2048x256xf32> to vector<2048xf32>
      %swap3A_226 = arith.constant 0 : index
      %swap3A_227 = arith.constant 0 : index
      %swap3A_228 = vector.load %arg4[%swap3A_226, %swap3A_227] : memref<1x8192xf32, #tpu.memory_space<vmem>>, vector<1x2048xf32>
      %swap3A_229 = vector.shape_cast %swap3A_228 : vector<1x2048xf32> to vector<2048xf32>
      %swap3A_230 = vector.shape_cast %reduce_sum3A_225 : vector<2048xf32> to vector<1x2048xf32>
      tpu.vector_store %arg4[%swap3A_226, %swap3A_227], %swap3A_230 {strides = array<i32>} : memref<1x8192xf32, #tpu.memory_space<vmem>>, vector<1x2048xf32>,
      %get3A_231 = arith.constant 2048 : index
      %get3A_232 = arith.constant 0 : index
      %get3A_233 = vector.load %arg2[%get3A_231, %get3A_232] : memref<8192x256xf32, #tpu.memory_space<vmem>>, vector<2048x256xf32>
      %mul3A_234 = arith.mulf %get3A_233, %get3A_233 : vector<2048x256xf32>
      %reduce_sum3A_235 = arith.constant dense<0.000000e+00> : vector<2048xf32>
      %reduce_sum3A_236 = vector.multi_reduction <add>, %mul3A_234, %reduce_sum3A_235 [1] : vector<2048x256xf32> to vector<2048xf32>
      %swap3A_237 = arith.constant 0 : index
      %swap3A_238 = arith.constant 2048 : index
      %swap3A_239 = vector.load %arg4[%swap3A_237, %swap3A_238] : memref<1x8192xf32, #tpu.memory_space<vmem>>, vector<1x2048xf32>
      %swap3A_240 = vector.shape_cast %swap3A_239 : vector<1x2048xf32> to vector<2048xf32>
      %swap3A_241 = vector.shape_cast %reduce_sum3A_236 : vector<2048xf32> to vector<1x2048xf32>
      tpu.vector_store %arg4[%swap3A_237, %swap3A_238], %swap3A_241 {strides = array<i32>} : memref<1x8192xf32, #tpu.memory_space<vmem>>, vector<1x2048xf32>,
      %get3A_242 = arith.constant 4096 : index
      %get3A_243 = arith.constant 0 : index
      %get3A_244 = vector.load %arg2[%get3A_242, %get3A_243] : memref<8192x256xf32, #tpu.memory_space<vmem>>, vector<2048x256xf32>
      %mul3A_245 = arith.mulf %get3A_244, %get3A_244 : vector<2048x256xf32>
      %reduce_sum3A_246 = arith.constant dense<0.000000e+00> : vector<2048xf32>
      %reduce_sum3A_247 = vector.multi_reduction <add>, %mul3A_245, %reduce_sum3A_246 [1] : vector<2048x256xf32> to vector<2048xf32>
      %swap3A_248 = arith.constant 0 : index
      %swap3A_249 = arith.constant 4096 : index
      %swap3A_250 = vector.load %arg4[%swap3A_248, %swap3A_249] : memref<1x8192xf32, #tpu.memory_space<vmem>>, vector<1x2048xf32>
      %swap3A_251 = vector.shape_cast %swap3A_250 : vector<1x2048xf32> to vector<2048xf32>
      %swap3A_252 = vector.shape_cast %reduce_sum3A_247 : vector<2048xf32> to vector<1x2048xf32>
      tpu.vector_store %arg4[%swap3A_248, %swap3A_249], %swap3A_252 {strides = array<i32>} : memref<1x8192xf32, #tpu.memory_space<vmem>>, vector<1x2048xf32>,
      %get3A_253 = arith.constant 6144 : index
      %get3A_254 = arith.constant 0 : index
      %get3A_255 = vector.load %arg2[%get3A_253, %get3A_254] : memref<8192x256xf32, #tpu.memory_space<vmem>>, vector<2048x256xf32>
      %mul3A_256 = arith.mulf %get3A_255, %get3A_255 : vector<2048x256xf32>
      %reduce_sum3A_257 = arith.constant dense<0.000000e+00> : vector<2048xf32>
      %reduce_sum3A_258 = vector.multi_reduction <add>, %mul3A_256, %reduce_sum3A_257 [1] : vector<2048x256xf32> to vector<2048xf32>
      %swap3A_259 = arith.constant 0 : index
      %swap3A_260 = arith.constant 6144 : index
      %swap3A_261 = vector.load %arg4[%swap3A_259, %swap3A_260] : memref<1x8192xf32, #tpu.memory_space<vmem>>, vector<1x2048xf32>
      %swap3A_262 = vector.shape_cast %swap3A_261 : vector<1x2048xf32> to vector<2048xf32>
      %swap3A_263 = vector.shape_cast %reduce_sum3A_258 : vector<2048xf32> to vector<1x2048xf32>
      tpu.vector_store %arg4[%swap3A_259, %swap3A_260], %swap3A_263 {strides = array<i32>} : memref<1x8192xf32, #tpu.memory_space<vmem>>, vector<1x2048xf32>,
    } else {
    }
    %get3A = arith.constant 0 : index
    %get3A_2 = arith.constant 0 : index
    %get3A_3 = vector.load %arg1[%get3A, %get3A_2] : memref<512x256xf32, #tpu.memory_space<vmem>>, vector<512x256xf32>
    %mul3A = arith.mulf %get3A_3, %get3A_3 : vector<512x256xf32>
    %reduce_sum3A = arith.constant dense<0.000000e+00> : vector<512xf32>
    %reduce_sum3A_4 = vector.multi_reduction <add>, %mul3A, %reduce_sum3A [1] : vector<512x256xf32> to vector<512xf32>
    %add3A = arith.addf %get3A_3, %get3A_3 : vector<512x256xf32>
    %broadcast_in_dim3A = arith.constant 0x7F800000 : f32
    %broadcast_in_dim3A_5 = vector.broadcast %broadcast_in_dim3A : f32 to vector<512xf32>
    %broadcast_in_dim3A_6 = arith.constant 0 : i32
    %broadcast_in_dim3A_7 = vector.broadcast %broadcast_in_dim3A_6 : i32 to vector<512xi32>
    %iota3A = tpu.iota {dimensions = array<i32: 1>} : vector<512x2048xi32>
    %get3A_8 = arith.constant 0 : index
    %get3A_9 = arith.constant 0 : index
    %get3A_10 = vector.load %arg2[%get3A_8, %get3A_9] : memref<8192x256xf32, #tpu.memory_space<vmem>>, vector<2048x256xf32>
    %get3A_11 = arith.constant 0 : index
    %get3A_12 = arith.constant 0 : index
    %get3A_13 = vector.load %arg4[%get3A_11, %get3A_12] : memref<1x8192xf32, #tpu.memory_space<vmem>>, vector<1x2048xf32>
    %get3A_14 = vector.shape_cast %get3A_13 : vector<1x2048xf32> to vector<2048xf32>
    %dot_general3A = arith.constant dense<0.000000e+00> : vector<512x2048xf32>
    %dot_general3A_15 = tpu.matmul %add3A, %get3A_10, %dot_general3A {dimension_numbers = #tpu.dot_dimension_numbers<[1], [1], [0], [0], [0, 0, 1, 0], [], []>, transpose_lhs_hint = false} : vector<512x256xf32>, vector<2048x256xf32>, vector<512x2048xf32> -> vector<512x2048xf32>
    %broadcast_in_dim3A_16 = vector.shape_cast %reduce_sum3A_4 : vector<512xf32> to vector<512x1xf32>
    %broadcast_in_dim3A_17 = vector.shape_cast %get3A_14 : vector<2048xf32> to vector<1x2048xf32>
    %add3A_18 = vector.broadcast %broadcast_in_dim3A_16 : vector<512x1xf32> to vector<512x2048xf32>
    %add3A_19 = vector.broadcast %broadcast_in_dim3A_17 : vector<1x2048xf32> to vector<512x2048xf32>
    %add3A_20 = arith.addf %add3A_18, %add3A_19 : vector<512x2048xf32>
    %sub3A = arith.subf %add3A_20, %dot_general3A_15 : vector<512x2048xf32>
    %slice3A = vector.extract_strided_slice %sub3A {offsets = [0, 0], sizes = [512, 1024], strides = [1, 1]} : vector<512x2048xf32> to vector<512x1024xf32>
    %slice3A_21 = vector.extract_strided_slice %sub3A {offsets = [0, 1024], sizes = [512, 1024], strides = [1, 1]} : vector<512x2048xf32> to vector<512x1024xf32>
    %min3A = arith.minimumf %slice3A, %slice3A_21 : vector<512x1024xf32>
    %slice3A_22 = vector.extract_strided_slice %min3A {offsets = [0, 0], sizes = [512, 512], strides = [1, 1]} : vector<512x1024xf32> to vector<512x512xf32>
    %slice3A_23 = vector.extract_strided_slice %min3A {offsets = [0, 512], sizes = [512, 512], strides = [1, 1]} : vector<512x1024xf32> to vector<512x512xf32>
    %min3A_24 = arith.minimumf %slice3A_22, %slice3A_23 : vector<512x512xf32>
    %slice3A_25 = vector.extract_strided_slice %min3A_24 {offsets = [0, 0], sizes = [512, 256], strides = [1, 1]} : vector<512x512xf32> to vector<512x256xf32>
    %slice3A_26 = vector.extract_strided_slice %min3A_24 {offsets = [0, 256], sizes = [512, 256], strides = [1, 1]} : vector<512x512xf32> to vector<512x256xf32>
    %min3A_27 = arith.minimumf %slice3A_25, %slice3A_26 : vector<512x256xf32>
    %slice3A_28 = vector.extract_strided_slice %min3A_27 {offsets = [0, 0], sizes = [512, 128], strides = [1, 1]} : vector<512x256xf32> to vector<512x128xf32>
    %slice3A_29 = vector.extract_strided_slice %min3A_27 {offsets = [0, 128], sizes = [512, 128], strides = [1, 1]} : vector<512x256xf32> to vector<512x128xf32>
    %min3A_30 = arith.minimumf %slice3A_28, %slice3A_29 : vector<512x128xf32>
    %reduce_min3A = arith.constant dense<0x7F800000> : vector<512xf32>
    %reduce_min3A_31 = vector.multi_reduction <minimumf>, %min3A_30, %reduce_min3A [1] : vector<512x128xf32> to vector<512xf32>
    %broadcast_in_dim3A_32 = vector.shape_cast %reduce_min3A_31 : vector<512xf32> to vector<512x1xf32>
    %eq3A_33 = vector.broadcast %broadcast_in_dim3A_32 : vector<512x1xf32> to vector<512x2048xf32>
    %eq3A_34 = arith.cmpf oeq, %sub3A, %eq3A_33 : vector<512x2048xf32>
    %jit3A = arith.constant 8192 : i32
    %broadcast_in_dim3A_35 = vector.broadcast %jit3A : i32 to vector<512x2048xi32>
    %select_n3A = arith.select %eq3A_34, %iota3A, %broadcast_in_dim3A_35 : vector<512x2048xi1>, vector<512x2048xi32>
    %slice3A_36 = vector.extract_strided_slice %select_n3A {offsets = [0, 0], sizes = [512, 1024], strides = [1, 1]} : vector<512x2048xi32> to vector<512x1024xi32>
    %slice3A_37 = vector.extract_strided_slice %select_n3A {offsets = [0, 1024], sizes = [512, 1024], strides = [1, 1]} : vector<512x2048xi32> to vector<512x1024xi32>
    %min3A_38 = arith.minsi %slice3A_36, %slice3A_37 : vector<512x1024xi32>
    %slice3A_39 = vector.extract_strided_slice %min3A_38 {offsets = [0, 0], sizes = [512, 512], strides = [1, 1]} : vector<512x1024xi32> to vector<512x512xi32>
    %slice3A_40 = vector.extract_strided_slice %min3A_38 {offsets = [0, 512], sizes = [512, 512], strides = [1, 1]} : vector<512x1024xi32> to vector<512x512xi32>
    %min3A_41 = arith.minsi %slice3A_39, %slice3A_40 : vector<512x512xi32>
    %slice3A_42 = vector.extract_strided_slice %min3A_41 {offsets = [0, 0], sizes = [512, 256], strides = [1, 1]} : vector<512x512xi32> to vector<512x256xi32>
    %slice3A_43 = vector.extract_strided_slice %min3A_41 {offsets = [0, 256], sizes = [512, 256], strides = [1, 1]} : vector<512x512xi32> to vector<512x256xi32>
    %min3A_44 = arith.minsi %slice3A_42, %slice3A_43 : vector<512x256xi32>
    %slice3A_45 = vector.extract_strided_slice %min3A_44 {offsets = [0, 0], sizes = [512, 128], strides = [1, 1]} : vector<512x256xi32> to vector<512x128xi32>
    %slice3A_46 = vector.extract_strided_slice %min3A_44 {offsets = [0, 128], sizes = [512, 128], strides = [1, 1]} : vector<512x256xi32> to vector<512x128xi32>
    %min3A_47 = arith.minsi %slice3A_45, %slice3A_46 : vector<512x128xi32>
    %reduce_min3A_48 = arith.constant dense<2147483647> : vector<512xi32>
    %reduce_min3A_49 = vector.multi_reduction <minsi>, %min3A_47, %reduce_min3A_48 [1] : vector<512x128xi32> to vector<512xi32>
    %add3A_50 = arith.constant 0 : i32
    %add3A_51 = vector.broadcast %add3A_50 : i32 to vector<512xi32>
    %add3A_52 = arith.addi %reduce_min3A_49, %add3A_51 : vector<512xi32>
    %lt3A = arith.cmpf olt, %reduce_min3A_31, %broadcast_in_dim3A_5 : vector<512xf32>
    %select_n3A_53 = arith.select %lt3A, %reduce_min3A_31, %broadcast_in_dim3A_5 : vector<512xi1>, vector<512xf32>
    %select_n3A_54 = arith.select %lt3A, %add3A_52, %broadcast_in_dim3A_7 : vector<512xi1>, vector<512xi32>
    %get3A_55 = arith.constant 2048 : index
    %get3A_56 = arith.constant 0 : index
    %get3A_57 = vector.load %arg2[%get3A_55, %get3A_56] : memref<8192x256xf32, #tpu.memory_space<vmem>>, vector<2048x256xf32>
    %get3A_58 = arith.constant 0 : index
    %get3A_59 = arith.constant 2048 : index
    %get3A_60 = vector.load %arg4[%get3A_58, %get3A_59] : memref<1x8192xf32, #tpu.memory_space<vmem>>, vector<1x2048xf32>
    %get3A_61 = vector.shape_cast %get3A_60 : vector<1x2048xf32> to vector<2048xf32>
    %dot_general3A_62 = arith.constant dense<0.000000e+00> : vector<512x2048xf32>
    %dot_general3A_63 = tpu.matmul %add3A, %get3A_57, %dot_general3A_62 {dimension_numbers = #tpu.dot_dimension_numbers<[1], [1], [0], [0], [0, 0, 1, 0], [], []>, transpose_lhs_hint = false} : vector<512x256xf32>, vector<2048x256xf32>, vector<512x2048xf32> -> vector<512x2048xf32>
    %broadcast_in_dim3A_64 = vector.shape_cast %reduce_sum3A_4 : vector<512xf32> to vector<512x1xf32>
    %broadcast_in_dim3A_65 = vector.shape_cast %get3A_61 : vector<2048xf32> to vector<1x2048xf32>
    %add3A_66 = vector.broadcast %broadcast_in_dim3A_64 : vector<512x1xf32> to vector<512x2048xf32>
    %add3A_67 = vector.broadcast %broadcast_in_dim3A_65 : vector<1x2048xf32> to vector<512x2048xf32>
    %add3A_68 = arith.addf %add3A_66, %add3A_67 : vector<512x2048xf32>
    %sub3A_69 = arith.subf %add3A_68, %dot_general3A_63 : vector<512x2048xf32>
    %slice3A_70 = vector.extract_strided_slice %sub3A_69 {offsets = [0, 0], sizes = [512, 1024], strides = [1, 1]} : vector<512x2048xf32> to vector<512x1024xf32>
    %slice3A_71 = vector.extract_strided_slice %sub3A_69 {offsets = [0, 1024], sizes = [512, 1024], strides = [1, 1]} : vector<512x2048xf32> to vector<512x1024xf32>
    %min3A_72 = arith.minimumf %slice3A_70, %slice3A_71 : vector<512x1024xf32>
    %slice3A_73 = vector.extract_strided_slice %min3A_72 {offsets = [0, 0], sizes = [512, 512], strides = [1, 1]} : vector<512x1024xf32> to vector<512x512xf32>
    %slice3A_74 = vector.extract_strided_slice %min3A_72 {offsets = [0, 512], sizes = [512, 512], strides = [1, 1]} : vector<512x1024xf32> to vector<512x512xf32>
    %min3A_75 = arith.minimumf %slice3A_73, %slice3A_74 : vector<512x512xf32>
    %slice3A_76 = vector.extract_strided_slice %min3A_75 {offsets = [0, 0], sizes = [512, 256], strides = [1, 1]} : vector<512x512xf32> to vector<512x256xf32>
    %slice3A_77 = vector.extract_strided_slice %min3A_75 {offsets = [0, 256], sizes = [512, 256], strides = [1, 1]} : vector<512x512xf32> to vector<512x256xf32>
    %min3A_78 = arith.minimumf %slice3A_76, %slice3A_77 : vector<512x256xf32>
    %slice3A_79 = vector.extract_strided_slice %min3A_78 {offsets = [0, 0], sizes = [512, 128], strides = [1, 1]} : vector<512x256xf32> to vector<512x128xf32>
    %slice3A_80 = vector.extract_strided_slice %min3A_78 {offsets = [0, 128], sizes = [512, 128], strides = [1, 1]} : vector<512x256xf32> to vector<512x128xf32>
    %min3A_81 = arith.minimumf %slice3A_79, %slice3A_80 : vector<512x128xf32>
    %reduce_min3A_82 = arith.constant dense<0x7F800000> : vector<512xf32>
    %reduce_min3A_83 = vector.multi_reduction <minimumf>, %min3A_81, %reduce_min3A_82 [1] : vector<512x128xf32> to vector<512xf32>
    %broadcast_in_dim3A_84 = vector.shape_cast %reduce_min3A_83 : vector<512xf32> to vector<512x1xf32>
    %eq3A_85 = vector.broadcast %broadcast_in_dim3A_84 : vector<512x1xf32> to vector<512x2048xf32>
    %eq3A_86 = arith.cmpf oeq, %sub3A_69, %eq3A_85 : vector<512x2048xf32>
    %jit3A_87 = arith.constant 8192 : i32
    %broadcast_in_dim3A_88 = vector.broadcast %jit3A_87 : i32 to vector<512x2048xi32>
    %select_n3A_89 = arith.select %eq3A_86, %iota3A, %broadcast_in_dim3A_88 : vector<512x2048xi1>, vector<512x2048xi32>
    %slice3A_90 = vector.extract_strided_slice %select_n3A_89 {offsets = [0, 0], sizes = [512, 1024], strides = [1, 1]} : vector<512x2048xi32> to vector<512x1024xi32>
    %slice3A_91 = vector.extract_strided_slice %select_n3A_89 {offsets = [0, 1024], sizes = [512, 1024], strides = [1, 1]} : vector<512x2048xi32> to vector<512x1024xi32>
    %min3A_92 = arith.minsi %slice3A_90, %slice3A_91 : vector<512x1024xi32>
    %slice3A_93 = vector.extract_strided_slice %min3A_92 {offsets = [0, 0], sizes = [512, 512], strides = [1, 1]} : vector<512x1024xi32> to vector<512x512xi32>
    %slice3A_94 = vector.extract_strided_slice %min3A_92 {offsets = [0, 512], sizes = [512, 512], strides = [1, 1]} : vector<512x1024xi32> to vector<512x512xi32>
    %min3A_95 = arith.minsi %slice3A_93, %slice3A_94 : vector<512x512xi32>
    %slice3A_96 = vector.extract_strided_slice %min3A_95 {offsets = [0, 0], sizes = [512, 256], strides = [1, 1]} : vector<512x512xi32> to vector<512x256xi32>
    %slice3A_97 = vector.extract_strided_slice %min3A_95 {offsets = [0, 256], sizes = [512, 256], strides = [1, 1]} : vector<512x512xi32> to vector<512x256xi32>
    %min3A_98 = arith.minsi %slice3A_96, %slice3A_97 : vector<512x256xi32>
    %slice3A_99 = vector.extract_strided_slice %min3A_98 {offsets = [0, 0], sizes = [512, 128], strides = [1, 1]} : vector<512x256xi32> to vector<512x128xi32>
    %slice3A_100 = vector.extract_strided_slice %min3A_98 {offsets = [0, 128], sizes = [512, 128], strides = [1, 1]} : vector<512x256xi32> to vector<512x128xi32>
    %min3A_101 = arith.minsi %slice3A_99, %slice3A_100 : vector<512x128xi32>
    %reduce_min3A_102 = arith.constant dense<2147483647> : vector<512xi32>
    %reduce_min3A_103 = vector.multi_reduction <minsi>, %min3A_101, %reduce_min3A_102 [1] : vector<512x128xi32> to vector<512xi32>
    %add3A_104 = arith.constant 2048 : i32
    %add3A_105 = vector.broadcast %add3A_104 : i32 to vector<512xi32>
    %add3A_106 = arith.addi %reduce_min3A_103, %add3A_105 : vector<512xi32>
    %lt3A_107 = arith.cmpf olt, %reduce_min3A_83, %select_n3A_53 : vector<512xf32>
    %select_n3A_108 = arith.select %lt3A_107, %reduce_min3A_83, %select_n3A_53 : vector<512xi1>, vector<512xf32>
    %select_n3A_109 = arith.select %lt3A_107, %add3A_106, %select_n3A_54 : vector<512xi1>, vector<512xi32>
    %get3A_110 = arith.constant 4096 : index
    %get3A_111 = arith.constant 0 : index
    %get3A_112 = vector.load %arg2[%get3A_110, %get3A_111] : memref<8192x256xf32, #tpu.memory_space<vmem>>, vector<2048x256xf32>
    %get3A_113 = arith.constant 0 : index
    %get3A_114 = arith.constant 4096 : index
    %get3A_115 = vector.load %arg4[%get3A_113, %get3A_114] : memref<1x8192xf32, #tpu.memory_space<vmem>>, vector<1x2048xf32>
    %get3A_116 = vector.shape_cast %get3A_115 : vector<1x2048xf32> to vector<2048xf32>
    %dot_general3A_117 = arith.constant dense<0.000000e+00> : vector<512x2048xf32>
    %dot_general3A_118 = tpu.matmul %add3A, %get3A_112, %dot_general3A_117 {dimension_numbers = #tpu.dot_dimension_numbers<[1], [1], [0], [0], [0, 0, 1, 0], [], []>, transpose_lhs_hint = false} : vector<512x256xf32>, vector<2048x256xf32>, vector<512x2048xf32> -> vector<512x2048xf32>
    %broadcast_in_dim3A_119 = vector.shape_cast %reduce_sum3A_4 : vector<512xf32> to vector<512x1xf32>
    %broadcast_in_dim3A_120 = vector.shape_cast %get3A_116 : vector<2048xf32> to vector<1x2048xf32>
    %add3A_121 = vector.broadcast %broadcast_in_dim3A_119 : vector<512x1xf32> to vector<512x2048xf32>
    %add3A_122 = vector.broadcast %broadcast_in_dim3A_120 : vector<1x2048xf32> to vector<512x2048xf32>
    %add3A_123 = arith.addf %add3A_121, %add3A_122 : vector<512x2048xf32>
    %sub3A_124 = arith.subf %add3A_123, %dot_general3A_118 : vector<512x2048xf32>
    %slice3A_125 = vector.extract_strided_slice %sub3A_124 {offsets = [0, 0], sizes = [512, 1024], strides = [1, 1]} : vector<512x2048xf32> to vector<512x1024xf32>
    %slice3A_126 = vector.extract_strided_slice %sub3A_124 {offsets = [0, 1024], sizes = [512, 1024], strides = [1, 1]} : vector<512x2048xf32> to vector<512x1024xf32>
    %min3A_127 = arith.minimumf %slice3A_125, %slice3A_126 : vector<512x1024xf32>
    %slice3A_128 = vector.extract_strided_slice %min3A_127 {offsets = [0, 0], sizes = [512, 512], strides = [1, 1]} : vector<512x1024xf32> to vector<512x512xf32>
    %slice3A_129 = vector.extract_strided_slice %min3A_127 {offsets = [0, 512], sizes = [512, 512], strides = [1, 1]} : vector<512x1024xf32> to vector<512x512xf32>
    %min3A_130 = arith.minimumf %slice3A_128, %slice3A_129 : vector<512x512xf32>
    %slice3A_131 = vector.extract_strided_slice %min3A_130 {offsets = [0, 0], sizes = [512, 256], strides = [1, 1]} : vector<512x512xf32> to vector<512x256xf32>
    %slice3A_132 = vector.extract_strided_slice %min3A_130 {offsets = [0, 256], sizes = [512, 256], strides = [1, 1]} : vector<512x512xf32> to vector<512x256xf32>
    %min3A_133 = arith.minimumf %slice3A_131, %slice3A_132 : vector<512x256xf32>
    %slice3A_134 = vector.extract_strided_slice %min3A_133 {offsets = [0, 0], sizes = [512, 128], strides = [1, 1]} : vector<512x256xf32> to vector<512x128xf32>
    %slice3A_135 = vector.extract_strided_slice %min3A_133 {offsets = [0, 128], sizes = [512, 128], strides = [1, 1]} : vector<512x256xf32> to vector<512x128xf32>
    %min3A_136 = arith.minimumf %slice3A_134, %slice3A_135 : vector<512x128xf32>
    %reduce_min3A_137 = arith.constant dense<0x7F800000> : vector<512xf32>
    %reduce_min3A_138 = vector.multi_reduction <minimumf>, %min3A_136, %reduce_min3A_137 [1] : vector<512x128xf32> to vector<512xf32>
    %broadcast_in_dim3A_139 = vector.shape_cast %reduce_min3A_138 : vector<512xf32> to vector<512x1xf32>
    %eq3A_140 = vector.broadcast %broadcast_in_dim3A_139 : vector<512x1xf32> to vector<512x2048xf32>
    %eq3A_141 = arith.cmpf oeq, %sub3A_124, %eq3A_140 : vector<512x2048xf32>
    %jit3A_142 = arith.constant 8192 : i32
    %broadcast_in_dim3A_143 = vector.broadcast %jit3A_142 : i32 to vector<512x2048xi32>
    %select_n3A_144 = arith.select %eq3A_141, %iota3A, %broadcast_in_dim3A_143 : vector<512x2048xi1>, vector<512x2048xi32>
    %slice3A_145 = vector.extract_strided_slice %select_n3A_144 {offsets = [0, 0], sizes = [512, 1024], strides = [1, 1]} : vector<512x2048xi32> to vector<512x1024xi32>
    %slice3A_146 = vector.extract_strided_slice %select_n3A_144 {offsets = [0, 1024], sizes = [512, 1024], strides = [1, 1]} : vector<512x2048xi32> to vector<512x1024xi32>
    %min3A_147 = arith.minsi %slice3A_145, %slice3A_146 : vector<512x1024xi32>
    %slice3A_148 = vector.extract_strided_slice %min3A_147 {offsets = [0, 0], sizes = [512, 512], strides = [1, 1]} : vector<512x1024xi32> to vector<512x512xi32>
    %slice3A_149 = vector.extract_strided_slice %min3A_147 {offsets = [0, 512], sizes = [512, 512], strides = [1, 1]} : vector<512x1024xi32> to vector<512x512xi32>
    %min3A_150 = arith.minsi %slice3A_148, %slice3A_149 : vector<512x512xi32>
    %slice3A_151 = vector.extract_strided_slice %min3A_150 {offsets = [0, 0], sizes = [512, 256], strides = [1, 1]} : vector<512x512xi32> to vector<512x256xi32>
    %slice3A_152 = vector.extract_strided_slice %min3A_150 {offsets = [0, 256], sizes = [512, 256], strides = [1, 1]} : vector<512x512xi32> to vector<512x256xi32>
    %min3A_153 = arith.minsi %slice3A_151, %slice3A_152 : vector<512x256xi32>
    %slice3A_154 = vector.extract_strided_slice %min3A_153 {offsets = [0, 0], sizes = [512, 128], strides = [1, 1]} : vector<512x256xi32> to vector<512x128xi32>
    %slice3A_155 = vector.extract_strided_slice %min3A_153 {offsets = [0, 128], sizes = [512, 128], strides = [1, 1]} : vector<512x256xi32> to vector<512x128xi32>
    %min3A_156 = arith.minsi %slice3A_154, %slice3A_155 : vector<512x128xi32>
    %reduce_min3A_157 = arith.constant dense<2147483647> : vector<512xi32>
    %reduce_min3A_158 = vector.multi_reduction <minsi>, %min3A_156, %reduce_min3A_157 [1] : vector<512x128xi32> to vector<512xi32>
    %add3A_159 = arith.constant 4096 : i32
    %add3A_160 = vector.broadcast %add3A_159 : i32 to vector<512xi32>
    %add3A_161 = arith.addi %reduce_min3A_158, %add3A_160 : vector<512xi32>
    %lt3A_162 = arith.cmpf olt, %reduce_min3A_138, %select_n3A_108 : vector<512xf32>
    %select_n3A_163 = arith.select %lt3A_162, %reduce_min3A_138, %select_n3A_108 : vector<512xi1>, vector<512xf32>
    %select_n3A_164 = arith.select %lt3A_162, %add3A_161, %select_n3A_109 : vector<512xi1>, vector<512xi32>
    %get3A_165 = arith.constant 6144 : index
    %get3A_166 = arith.constant 0 : index
    %get3A_167 = vector.load %arg2[%get3A_165, %get3A_166] : memref<8192x256xf32, #tpu.memory_space<vmem>>, vector<2048x256xf32>
    %get3A_168 = arith.constant 0 : index
    %get3A_169 = arith.constant 6144 : index
    %get3A_170 = vector.load %arg4[%get3A_168, %get3A_169] : memref<1x8192xf32, #tpu.memory_space<vmem>>, vector<1x2048xf32>
    %get3A_171 = vector.shape_cast %get3A_170 : vector<1x2048xf32> to vector<2048xf32>
    %dot_general3A_172 = arith.constant dense<0.000000e+00> : vector<512x2048xf32>
    %dot_general3A_173 = tpu.matmul %add3A, %get3A_167, %dot_general3A_172 {dimension_numbers = #tpu.dot_dimension_numbers<[1], [1], [0], [0], [0, 0, 1, 0], [], []>, transpose_lhs_hint = false} : vector<512x256xf32>, vector<2048x256xf32>, vector<512x2048xf32> -> vector<512x2048xf32>
    %broadcast_in_dim3A_174 = vector.shape_cast %reduce_sum3A_4 : vector<512xf32> to vector<512x1xf32>
    %broadcast_in_dim3A_175 = vector.shape_cast %get3A_171 : vector<2048xf32> to vector<1x2048xf32>
    %add3A_176 = vector.broadcast %broadcast_in_dim3A_174 : vector<512x1xf32> to vector<512x2048xf32>
    %add3A_177 = vector.broadcast %broadcast_in_dim3A_175 : vector<1x2048xf32> to vector<512x2048xf32>
    %add3A_178 = arith.addf %add3A_176, %add3A_177 : vector<512x2048xf32>
    %sub3A_179 = arith.subf %add3A_178, %dot_general3A_173 : vector<512x2048xf32>
    %slice3A_180 = vector.extract_strided_slice %sub3A_179 {offsets = [0, 0], sizes = [512, 1024], strides = [1, 1]} : vector<512x2048xf32> to vector<512x1024xf32>
    %slice3A_181 = vector.extract_strided_slice %sub3A_179 {offsets = [0, 1024], sizes = [512, 1024], strides = [1, 1]} : vector<512x2048xf32> to vector<512x1024xf32>
    %min3A_182 = arith.minimumf %slice3A_180, %slice3A_181 : vector<512x1024xf32>
    %slice3A_183 = vector.extract_strided_slice %min3A_182 {offsets = [0, 0], sizes = [512, 512], strides = [1, 1]} : vector<512x1024xf32> to vector<512x512xf32>
    %slice3A_184 = vector.extract_strided_slice %min3A_182 {offsets = [0, 512], sizes = [512, 512], strides = [1, 1]} : vector<512x1024xf32> to vector<512x512xf32>
    %min3A_185 = arith.minimumf %slice3A_183, %slice3A_184 : vector<512x512xf32>
    %slice3A_186 = vector.extract_strided_slice %min3A_185 {offsets = [0, 0], sizes = [512, 256], strides = [1, 1]} : vector<512x512xf32> to vector<512x256xf32>
    %slice3A_187 = vector.extract_strided_slice %min3A_185 {offsets = [0, 256], sizes = [512, 256], strides = [1, 1]} : vector<512x512xf32> to vector<512x256xf32>
    %min3A_188 = arith.minimumf %slice3A_186, %slice3A_187 : vector<512x256xf32>
    %slice3A_189 = vector.extract_strided_slice %min3A_188 {offsets = [0, 0], sizes = [512, 128], strides = [1, 1]} : vector<512x256xf32> to vector<512x128xf32>
    %slice3A_190 = vector.extract_strided_slice %min3A_188 {offsets = [0, 128], sizes = [512, 128], strides = [1, 1]} : vector<512x256xf32> to vector<512x128xf32>
    %min3A_191 = arith.minimumf %slice3A_189, %slice3A_190 : vector<512x128xf32>
    %reduce_min3A_192 = arith.constant dense<0x7F800000> : vector<512xf32>
    %reduce_min3A_193 = vector.multi_reduction <minimumf>, %min3A_191, %reduce_min3A_192 [1] : vector<512x128xf32> to vector<512xf32>
    %broadcast_in_dim3A_194 = vector.shape_cast %reduce_min3A_193 : vector<512xf32> to vector<512x1xf32>
    %eq3A_195 = vector.broadcast %broadcast_in_dim3A_194 : vector<512x1xf32> to vector<512x2048xf32>
    %eq3A_196 = arith.cmpf oeq, %sub3A_179, %eq3A_195 : vector<512x2048xf32>
    %jit3A_197 = arith.constant 8192 : i32
    %broadcast_in_dim3A_198 = vector.broadcast %jit3A_197 : i32 to vector<512x2048xi32>
    %select_n3A_199 = arith.select %eq3A_196, %iota3A, %broadcast_in_dim3A_198 : vector<512x2048xi1>, vector<512x2048xi32>
    %slice3A_200 = vector.extract_strided_slice %select_n3A_199 {offsets = [0, 0], sizes = [512, 1024], strides = [1, 1]} : vector<512x2048xi32> to vector<512x1024xi32>
    %slice3A_201 = vector.extract_strided_slice %select_n3A_199 {offsets = [0, 1024], sizes = [512, 1024], strides = [1, 1]} : vector<512x2048xi32> to vector<512x1024xi32>
    %min3A_202 = arith.minsi %slice3A_200, %slice3A_201 : vector<512x1024xi32>
    %slice3A_203 = vector.extract_strided_slice %min3A_202 {offsets = [0, 0], sizes = [512, 512], strides = [1, 1]} : vector<512x1024xi32> to vector<512x512xi32>
    %slice3A_204 = vector.extract_strided_slice %min3A_202 {offsets = [0, 512], sizes = [512, 512], strides = [1, 1]} : vector<512x1024xi32> to vector<512x512xi32>
    %min3A_205 = arith.minsi %slice3A_203, %slice3A_204 : vector<512x512xi32>
    %slice3A_206 = vector.extract_strided_slice %min3A_205 {offsets = [0, 0], sizes = [512, 256], strides = [1, 1]} : vector<512x512xi32> to vector<512x256xi32>
    %slice3A_207 = vector.extract_strided_slice %min3A_205 {offsets = [0, 256], sizes = [512, 256], strides = [1, 1]} : vector<512x512xi32> to vector<512x256xi32>
    %min3A_208 = arith.minsi %slice3A_206, %slice3A_207 : vector<512x256xi32>
    %slice3A_209 = vector.extract_strided_slice %min3A_208 {offsets = [0, 0], sizes = [512, 128], strides = [1, 1]} : vector<512x256xi32> to vector<512x128xi32>
    %slice3A_210 = vector.extract_strided_slice %min3A_208 {offsets = [0, 128], sizes = [512, 128], strides = [1, 1]} : vector<512x256xi32> to vector<512x128xi32>
    %min3A_211 = arith.minsi %slice3A_209, %slice3A_210 : vector<512x128xi32>
    %reduce_min3A_212 = arith.constant dense<2147483647> : vector<512xi32>
    %reduce_min3A_213 = vector.multi_reduction <minsi>, %min3A_211, %reduce_min3A_212 [1] : vector<512x128xi32> to vector<512xi32>
    %add3A_214 = arith.constant 6144 : i32
    %add3A_215 = vector.broadcast %add3A_214 : i32 to vector<512xi32>
    %add3A_216 = arith.addi %reduce_min3A_213, %add3A_215 : vector<512xi32>
    %lt3A_217 = arith.cmpf olt, %reduce_min3A_193, %select_n3A_163 : vector<512xf32>
    %select_n3A_218 = arith.select %lt3A_217, %add3A_216, %select_n3A_164 : vector<512xi1>, vector<512xi32>
    %swap3A = arith.constant 0 : index
    %swap3A_219 = vector.load %arg3[%swap3A] : memref<512xi32, #tpu.memory_space<vmem>>, vector<512xi32>
    tpu.vector_store %arg3[%swap3A], %select_n3A_218 {strides = array<i32>} : memref<512xi32, #tpu.memory_space<vmem>>, vector<512xi32>,
    return
  }
  func.func @transform_0(%arg0: i32) -> (i32, i32) {
    %c0_i32 = arith.constant 0 : i32
    %c0_i32_0 = arith.constant 0 : i32
    return %arg0, %c0_i32 : i32, i32
  }
  func.func @transform_1(%arg0: i32) -> (i32, i32) {
    %c0_i32 = arith.constant 0 : i32
    %c0_i32_0 = arith.constant 0 : i32
    %c0_i32_1 = arith.constant 0 : i32
    return %c0_i32, %c0_i32_0 : i32, i32
  }
  func.func @transform_2(%arg0: i32) -> i32 {
    %c0_i32 = arith.constant 0 : i32
    return %arg0 : i32
  }
}

module attributes {stable_mosaic.version = 14 : i64} {
  func.func @_vq_last_body(%arg0: i32, %arg1: memref<512x256xf32, #tpu.memory_space<vmem>>, %arg2: memref<512x256xf32, #tpu.memory_space<vmem>>, %arg3: memref<512x256xf32, #tpu.memory_space<vmem>>, %arg4: memref<8192x256xf32, #tpu.memory_space<vmem>>, %arg5: memref<1x8192xf32, #tpu.memory_space<vmem>>, %arg6: memref<512xi32, #tpu.memory_space<vmem>>, %arg7: memref<512x256xf32, #tpu.memory_space<vmem>>) attributes {dimension_semantics = [#tpu.dimension_semantics<arbitrary>], iteration_bounds = array<i64: 9>, scalar_prefetch = 0 : i64, scratch_operands = 0 : i64, tpu.core_type = #tpu.core_type<tc>, window_params = [{transform_indices = @transform_0, window_bounds = array<i64: 512, 256>}, {transform_indices = @transform_1, window_bounds = array<i64: 512, 256>}, {transform_indices = @transform_2, window_bounds = array<i64: 512, 256>}, {pipeline_mode = #tpu.pipeline_mode<synchronous>, transform_indices = @transform_3, window_bounds = array<i64: 8192, 256>}, {pipeline_mode = #tpu.pipeline_mode<synchronous>, transform_indices = @transform_4, window_bounds = array<i64: 1, 8192>}, {transform_indices = @transform_5, window_bounds = array<i64: 512>}, {transform_indices = @transform_6, window_bounds = array<i64: 512, 256>}]} {
    %get3A = arith.constant 0 : index
    %get3A_0 = arith.constant 0 : index
    %get3A_1 = vector.load %arg1[%get3A, %get3A_0] : memref<512x256xf32, #tpu.memory_space<vmem>>, vector<512x256xf32>
    %get3A_2 = arith.constant 0 : index
    %get3A_3 = arith.constant 0 : index
    %get3A_4 = vector.load %arg2[%get3A_2, %get3A_3] : memref<512x256xf32, #tpu.memory_space<vmem>>, vector<512x256xf32>
    %sub3A = arith.subf %get3A_1, %get3A_4 : vector<512x256xf32>
    %get3A_5 = arith.constant 0 : index
    %get3A_6 = arith.constant 0 : index
    %get3A_7 = vector.load %arg3[%get3A_5, %get3A_6] : memref<512x256xf32, #tpu.memory_space<vmem>>, vector<512x256xf32>
    %sub3A_8 = arith.subf %get3A_7, %sub3A : vector<512x256xf32>
    %swap3A = arith.constant 0 : index
    %swap3A_9 = arith.constant 0 : index
    %swap3A_10 = vector.load %arg7[%swap3A, %swap3A_9] : memref<512x256xf32, #tpu.memory_space<vmem>>, vector<512x256xf32>
    tpu.vector_store %arg7[%swap3A, %swap3A_9], %sub3A_8 {strides = array<i32>} : memref<512x256xf32, #tpu.memory_space<vmem>>, vector<512x256xf32>,
    %mul3A = arith.mulf %sub3A, %sub3A : vector<512x256xf32>
    %reduce_sum3A = arith.constant dense<0.000000e+00> : vector<512xf32>
    %reduce_sum3A_11 = vector.multi_reduction <add>, %mul3A, %reduce_sum3A [1] : vector<512x256xf32> to vector<512xf32>
    %add3A = arith.addf %sub3A, %sub3A : vector<512x256xf32>
    %broadcast_in_dim3A = arith.constant 0x7F800000 : f32
    %broadcast_in_dim3A_12 = vector.broadcast %broadcast_in_dim3A : f32 to vector<512xf32>
    %broadcast_in_dim3A_13 = arith.constant 0 : i32
    %broadcast_in_dim3A_14 = vector.broadcast %broadcast_in_dim3A_13 : i32 to vector<512xi32>
    %iota3A = tpu.iota {dimensions = array<i32: 1>} : vector<512x2048xi32>
    %get3A_15 = arith.constant 0 : index
    %get3A_16 = arith.constant 0 : index
    %get3A_17 = vector.load %arg4[%get3A_15, %get3A_16] : memref<8192x256xf32, #tpu.memory_space<vmem>>, vector<2048x256xf32>
    %get3A_18 = arith.constant 0 : index
    %get3A_19 = arith.constant 0 : index
    %get3A_20 = vector.load %arg5[%get3A_18, %get3A_19] : memref<1x8192xf32, #tpu.memory_space<vmem>>, vector<1x2048xf32>
    %get3A_21 = vector.shape_cast %get3A_20 : vector<1x2048xf32> to vector<2048xf32>
    %dot_general3A = arith.constant dense<0.000000e+00> : vector<512x2048xf32>
    %dot_general3A_22 = tpu.matmul %add3A, %get3A_17, %dot_general3A {dimension_numbers = #tpu.dot_dimension_numbers<[1], [1], [0], [0], [0, 0, 1, 0], [], []>, transpose_lhs_hint = false} : vector<512x256xf32>, vector<2048x256xf32>, vector<512x2048xf32> -> vector<512x2048xf32>
    %broadcast_in_dim3A_23 = vector.shape_cast %reduce_sum3A_11 : vector<512xf32> to vector<512x1xf32>
    %broadcast_in_dim3A_24 = vector.shape_cast %get3A_21 : vector<2048xf32> to vector<1x2048xf32>
    %add3A_25 = vector.broadcast %broadcast_in_dim3A_23 : vector<512x1xf32> to vector<512x2048xf32>
    %add3A_26 = vector.broadcast %broadcast_in_dim3A_24 : vector<1x2048xf32> to vector<512x2048xf32>
    %add3A_27 = arith.addf %add3A_25, %add3A_26 : vector<512x2048xf32>
    %sub3A_28 = arith.subf %add3A_27, %dot_general3A_22 : vector<512x2048xf32>
    %slice3A = vector.extract_strided_slice %sub3A_28 {offsets = [0, 0], sizes = [512, 1024], strides = [1, 1]} : vector<512x2048xf32> to vector<512x1024xf32>
    %slice3A_29 = vector.extract_strided_slice %sub3A_28 {offsets = [0, 1024], sizes = [512, 1024], strides = [1, 1]} : vector<512x2048xf32> to vector<512x1024xf32>
    %min3A = arith.minimumf %slice3A, %slice3A_29 : vector<512x1024xf32>
    %slice3A_30 = vector.extract_strided_slice %min3A {offsets = [0, 0], sizes = [512, 512], strides = [1, 1]} : vector<512x1024xf32> to vector<512x512xf32>
    %slice3A_31 = vector.extract_strided_slice %min3A {offsets = [0, 512], sizes = [512, 512], strides = [1, 1]} : vector<512x1024xf32> to vector<512x512xf32>
    %min3A_32 = arith.minimumf %slice3A_30, %slice3A_31 : vector<512x512xf32>
    %slice3A_33 = vector.extract_strided_slice %min3A_32 {offsets = [0, 0], sizes = [512, 256], strides = [1, 1]} : vector<512x512xf32> to vector<512x256xf32>
    %slice3A_34 = vector.extract_strided_slice %min3A_32 {offsets = [0, 256], sizes = [512, 256], strides = [1, 1]} : vector<512x512xf32> to vector<512x256xf32>
    %min3A_35 = arith.minimumf %slice3A_33, %slice3A_34 : vector<512x256xf32>
    %slice3A_36 = vector.extract_strided_slice %min3A_35 {offsets = [0, 0], sizes = [512, 128], strides = [1, 1]} : vector<512x256xf32> to vector<512x128xf32>
    %slice3A_37 = vector.extract_strided_slice %min3A_35 {offsets = [0, 128], sizes = [512, 128], strides = [1, 1]} : vector<512x256xf32> to vector<512x128xf32>
    %min3A_38 = arith.minimumf %slice3A_36, %slice3A_37 : vector<512x128xf32>
    %reduce_min3A = arith.constant dense<0x7F800000> : vector<512xf32>
    %reduce_min3A_39 = vector.multi_reduction <minimumf>, %min3A_38, %reduce_min3A [1] : vector<512x128xf32> to vector<512xf32>
    %broadcast_in_dim3A_40 = vector.shape_cast %reduce_min3A_39 : vector<512xf32> to vector<512x1xf32>
    %eq3A = vector.broadcast %broadcast_in_dim3A_40 : vector<512x1xf32> to vector<512x2048xf32>
    %eq3A_41 = arith.cmpf oeq, %sub3A_28, %eq3A : vector<512x2048xf32>
    %jit3A = arith.constant 8192 : i32
    %broadcast_in_dim3A_42 = vector.broadcast %jit3A : i32 to vector<512x2048xi32>
    %select_n3A = arith.select %eq3A_41, %iota3A, %broadcast_in_dim3A_42 : vector<512x2048xi1>, vector<512x2048xi32>
    %slice3A_43 = vector.extract_strided_slice %select_n3A {offsets = [0, 0], sizes = [512, 1024], strides = [1, 1]} : vector<512x2048xi32> to vector<512x1024xi32>
    %slice3A_44 = vector.extract_strided_slice %select_n3A {offsets = [0, 1024], sizes = [512, 1024], strides = [1, 1]} : vector<512x2048xi32> to vector<512x1024xi32>
    %min3A_45 = arith.minsi %slice3A_43, %slice3A_44 : vector<512x1024xi32>
    %slice3A_46 = vector.extract_strided_slice %min3A_45 {offsets = [0, 0], sizes = [512, 512], strides = [1, 1]} : vector<512x1024xi32> to vector<512x512xi32>
    %slice3A_47 = vector.extract_strided_slice %min3A_45 {offsets = [0, 512], sizes = [512, 512], strides = [1, 1]} : vector<512x1024xi32> to vector<512x512xi32>
    %min3A_48 = arith.minsi %slice3A_46, %slice3A_47 : vector<512x512xi32>
    %slice3A_49 = vector.extract_strided_slice %min3A_48 {offsets = [0, 0], sizes = [512, 256], strides = [1, 1]} : vector<512x512xi32> to vector<512x256xi32>
    %slice3A_50 = vector.extract_strided_slice %min3A_48 {offsets = [0, 256], sizes = [512, 256], strides = [1, 1]} : vector<512x512xi32> to vector<512x256xi32>
    %min3A_51 = arith.minsi %slice3A_49, %slice3A_50 : vector<512x256xi32>
    %slice3A_52 = vector.extract_strided_slice %min3A_51 {offsets = [0, 0], sizes = [512, 128], strides = [1, 1]} : vector<512x256xi32> to vector<512x128xi32>
    %slice3A_53 = vector.extract_strided_slice %min3A_51 {offsets = [0, 128], sizes = [512, 128], strides = [1, 1]} : vector<512x256xi32> to vector<512x128xi32>
    %min3A_54 = arith.minsi %slice3A_52, %slice3A_53 : vector<512x128xi32>
    %reduce_min3A_55 = arith.constant dense<2147483647> : vector<512xi32>
    %reduce_min3A_56 = vector.multi_reduction <minsi>, %min3A_54, %reduce_min3A_55 [1] : vector<512x128xi32> to vector<512xi32>
    %add3A_57 = arith.constant 0 : i32
    %add3A_58 = vector.broadcast %add3A_57 : i32 to vector<512xi32>
    %add3A_59 = arith.addi %reduce_min3A_56, %add3A_58 : vector<512xi32>
    %lt3A = arith.cmpf olt, %reduce_min3A_39, %broadcast_in_dim3A_12 : vector<512xf32>
    %select_n3A_60 = arith.select %lt3A, %reduce_min3A_39, %broadcast_in_dim3A_12 : vector<512xi1>, vector<512xf32>
    %select_n3A_61 = arith.select %lt3A, %add3A_59, %broadcast_in_dim3A_14 : vector<512xi1>, vector<512xi32>
    %get3A_62 = arith.constant 2048 : index
    %get3A_63 = arith.constant 0 : index
    %get3A_64 = vector.load %arg4[%get3A_62, %get3A_63] : memref<8192x256xf32, #tpu.memory_space<vmem>>, vector<2048x256xf32>
    %get3A_65 = arith.constant 0 : index
    %get3A_66 = arith.constant 2048 : index
    %get3A_67 = vector.load %arg5[%get3A_65, %get3A_66] : memref<1x8192xf32, #tpu.memory_space<vmem>>, vector<1x2048xf32>
    %get3A_68 = vector.shape_cast %get3A_67 : vector<1x2048xf32> to vector<2048xf32>
    %dot_general3A_69 = arith.constant dense<0.000000e+00> : vector<512x2048xf32>
    %dot_general3A_70 = tpu.matmul %add3A, %get3A_64, %dot_general3A_69 {dimension_numbers = #tpu.dot_dimension_numbers<[1], [1], [0], [0], [0, 0, 1, 0], [], []>, transpose_lhs_hint = false} : vector<512x256xf32>, vector<2048x256xf32>, vector<512x2048xf32> -> vector<512x2048xf32>
    %broadcast_in_dim3A_71 = vector.shape_cast %reduce_sum3A_11 : vector<512xf32> to vector<512x1xf32>
    %broadcast_in_dim3A_72 = vector.shape_cast %get3A_68 : vector<2048xf32> to vector<1x2048xf32>
    %add3A_73 = vector.broadcast %broadcast_in_dim3A_71 : vector<512x1xf32> to vector<512x2048xf32>
    %add3A_74 = vector.broadcast %broadcast_in_dim3A_72 : vector<1x2048xf32> to vector<512x2048xf32>
    %add3A_75 = arith.addf %add3A_73, %add3A_74 : vector<512x2048xf32>
    %sub3A_76 = arith.subf %add3A_75, %dot_general3A_70 : vector<512x2048xf32>
    %slice3A_77 = vector.extract_strided_slice %sub3A_76 {offsets = [0, 0], sizes = [512, 1024], strides = [1, 1]} : vector<512x2048xf32> to vector<512x1024xf32>
    %slice3A_78 = vector.extract_strided_slice %sub3A_76 {offsets = [0, 1024], sizes = [512, 1024], strides = [1, 1]} : vector<512x2048xf32> to vector<512x1024xf32>
    %min3A_79 = arith.minimumf %slice3A_77, %slice3A_78 : vector<512x1024xf32>
    %slice3A_80 = vector.extract_strided_slice %min3A_79 {offsets = [0, 0], sizes = [512, 512], strides = [1, 1]} : vector<512x1024xf32> to vector<512x512xf32>
    %slice3A_81 = vector.extract_strided_slice %min3A_79 {offsets = [0, 512], sizes = [512, 512], strides = [1, 1]} : vector<512x1024xf32> to vector<512x512xf32>
    %min3A_82 = arith.minimumf %slice3A_80, %slice3A_81 : vector<512x512xf32>
    %slice3A_83 = vector.extract_strided_slice %min3A_82 {offsets = [0, 0], sizes = [512, 256], strides = [1, 1]} : vector<512x512xf32> to vector<512x256xf32>
    %slice3A_84 = vector.extract_strided_slice %min3A_82 {offsets = [0, 256], sizes = [512, 256], strides = [1, 1]} : vector<512x512xf32> to vector<512x256xf32>
    %min3A_85 = arith.minimumf %slice3A_83, %slice3A_84 : vector<512x256xf32>
    %slice3A_86 = vector.extract_strided_slice %min3A_85 {offsets = [0, 0], sizes = [512, 128], strides = [1, 1]} : vector<512x256xf32> to vector<512x128xf32>
    %slice3A_87 = vector.extract_strided_slice %min3A_85 {offsets = [0, 128], sizes = [512, 128], strides = [1, 1]} : vector<512x256xf32> to vector<512x128xf32>
    %min3A_88 = arith.minimumf %slice3A_86, %slice3A_87 : vector<512x128xf32>
    %reduce_min3A_89 = arith.constant dense<0x7F800000> : vector<512xf32>
    %reduce_min3A_90 = vector.multi_reduction <minimumf>, %min3A_88, %reduce_min3A_89 [1] : vector<512x128xf32> to vector<512xf32>
    %broadcast_in_dim3A_91 = vector.shape_cast %reduce_min3A_90 : vector<512xf32> to vector<512x1xf32>
    %eq3A_92 = vector.broadcast %broadcast_in_dim3A_91 : vector<512x1xf32> to vector<512x2048xf32>
    %eq3A_93 = arith.cmpf oeq, %sub3A_76, %eq3A_92 : vector<512x2048xf32>
    %jit3A_94 = arith.constant 8192 : i32
    %broadcast_in_dim3A_95 = vector.broadcast %jit3A_94 : i32 to vector<512x2048xi32>
    %select_n3A_96 = arith.select %eq3A_93, %iota3A, %broadcast_in_dim3A_95 : vector<512x2048xi1>, vector<512x2048xi32>
    %slice3A_97 = vector.extract_strided_slice %select_n3A_96 {offsets = [0, 0], sizes = [512, 1024], strides = [1, 1]} : vector<512x2048xi32> to vector<512x1024xi32>
    %slice3A_98 = vector.extract_strided_slice %select_n3A_96 {offsets = [0, 1024], sizes = [512, 1024], strides = [1, 1]} : vector<512x2048xi32> to vector<512x1024xi32>
    %min3A_99 = arith.minsi %slice3A_97, %slice3A_98 : vector<512x1024xi32>
    %slice3A_100 = vector.extract_strided_slice %min3A_99 {offsets = [0, 0], sizes = [512, 512], strides = [1, 1]} : vector<512x1024xi32> to vector<512x512xi32>
    %slice3A_101 = vector.extract_strided_slice %min3A_99 {offsets = [0, 512], sizes = [512, 512], strides = [1, 1]} : vector<512x1024xi32> to vector<512x512xi32>
    %min3A_102 = arith.minsi %slice3A_100, %slice3A_101 : vector<512x512xi32>
    %slice3A_103 = vector.extract_strided_slice %min3A_102 {offsets = [0, 0], sizes = [512, 256], strides = [1, 1]} : vector<512x512xi32> to vector<512x256xi32>
    %slice3A_104 = vector.extract_strided_slice %min3A_102 {offsets = [0, 256], sizes = [512, 256], strides = [1, 1]} : vector<512x512xi32> to vector<512x256xi32>
    %min3A_105 = arith.minsi %slice3A_103, %slice3A_104 : vector<512x256xi32>
    %slice3A_106 = vector.extract_strided_slice %min3A_105 {offsets = [0, 0], sizes = [512, 128], strides = [1, 1]} : vector<512x256xi32> to vector<512x128xi32>
    %slice3A_107 = vector.extract_strided_slice %min3A_105 {offsets = [0, 128], sizes = [512, 128], strides = [1, 1]} : vector<512x256xi32> to vector<512x128xi32>
    %min3A_108 = arith.minsi %slice3A_106, %slice3A_107 : vector<512x128xi32>
    %reduce_min3A_109 = arith.constant dense<2147483647> : vector<512xi32>
    %reduce_min3A_110 = vector.multi_reduction <minsi>, %min3A_108, %reduce_min3A_109 [1] : vector<512x128xi32> to vector<512xi32>
    %add3A_111 = arith.constant 2048 : i32
    %add3A_112 = vector.broadcast %add3A_111 : i32 to vector<512xi32>
    %add3A_113 = arith.addi %reduce_min3A_110, %add3A_112 : vector<512xi32>
    %lt3A_114 = arith.cmpf olt, %reduce_min3A_90, %select_n3A_60 : vector<512xf32>
    %select_n3A_115 = arith.select %lt3A_114, %reduce_min3A_90, %select_n3A_60 : vector<512xi1>, vector<512xf32>
    %select_n3A_116 = arith.select %lt3A_114, %add3A_113, %select_n3A_61 : vector<512xi1>, vector<512xi32>
    %get3A_117 = arith.constant 4096 : index
    %get3A_118 = arith.constant 0 : index
    %get3A_119 = vector.load %arg4[%get3A_117, %get3A_118] : memref<8192x256xf32, #tpu.memory_space<vmem>>, vector<2048x256xf32>
    %get3A_120 = arith.constant 0 : index
    %get3A_121 = arith.constant 4096 : index
    %get3A_122 = vector.load %arg5[%get3A_120, %get3A_121] : memref<1x8192xf32, #tpu.memory_space<vmem>>, vector<1x2048xf32>
    %get3A_123 = vector.shape_cast %get3A_122 : vector<1x2048xf32> to vector<2048xf32>
    %dot_general3A_124 = arith.constant dense<0.000000e+00> : vector<512x2048xf32>
    %dot_general3A_125 = tpu.matmul %add3A, %get3A_119, %dot_general3A_124 {dimension_numbers = #tpu.dot_dimension_numbers<[1], [1], [0], [0], [0, 0, 1, 0], [], []>, transpose_lhs_hint = false} : vector<512x256xf32>, vector<2048x256xf32>, vector<512x2048xf32> -> vector<512x2048xf32>
    %broadcast_in_dim3A_126 = vector.shape_cast %reduce_sum3A_11 : vector<512xf32> to vector<512x1xf32>
    %broadcast_in_dim3A_127 = vector.shape_cast %get3A_123 : vector<2048xf32> to vector<1x2048xf32>
    %add3A_128 = vector.broadcast %broadcast_in_dim3A_126 : vector<512x1xf32> to vector<512x2048xf32>
    %add3A_129 = vector.broadcast %broadcast_in_dim3A_127 : vector<1x2048xf32> to vector<512x2048xf32>
    %add3A_130 = arith.addf %add3A_128, %add3A_129 : vector<512x2048xf32>
    %sub3A_131 = arith.subf %add3A_130, %dot_general3A_125 : vector<512x2048xf32>
    %slice3A_132 = vector.extract_strided_slice %sub3A_131 {offsets = [0, 0], sizes = [512, 1024], strides = [1, 1]} : vector<512x2048xf32> to vector<512x1024xf32>
    %slice3A_133 = vector.extract_strided_slice %sub3A_131 {offsets = [0, 1024], sizes = [512, 1024], strides = [1, 1]} : vector<512x2048xf32> to vector<512x1024xf32>
    %min3A_134 = arith.minimumf %slice3A_132, %slice3A_133 : vector<512x1024xf32>
    %slice3A_135 = vector.extract_strided_slice %min3A_134 {offsets = [0, 0], sizes = [512, 512], strides = [1, 1]} : vector<512x1024xf32> to vector<512x512xf32>
    %slice3A_136 = vector.extract_strided_slice %min3A_134 {offsets = [0, 512], sizes = [512, 512], strides = [1, 1]} : vector<512x1024xf32> to vector<512x512xf32>
    %min3A_137 = arith.minimumf %slice3A_135, %slice3A_136 : vector<512x512xf32>
    %slice3A_138 = vector.extract_strided_slice %min3A_137 {offsets = [0, 0], sizes = [512, 256], strides = [1, 1]} : vector<512x512xf32> to vector<512x256xf32>
    %slice3A_139 = vector.extract_strided_slice %min3A_137 {offsets = [0, 256], sizes = [512, 256], strides = [1, 1]} : vector<512x512xf32> to vector<512x256xf32>
    %min3A_140 = arith.minimumf %slice3A_138, %slice3A_139 : vector<512x256xf32>
    %slice3A_141 = vector.extract_strided_slice %min3A_140 {offsets = [0, 0], sizes = [512, 128], strides = [1, 1]} : vector<512x256xf32> to vector<512x128xf32>
    %slice3A_142 = vector.extract_strided_slice %min3A_140 {offsets = [0, 128], sizes = [512, 128], strides = [1, 1]} : vector<512x256xf32> to vector<512x128xf32>
    %min3A_143 = arith.minimumf %slice3A_141, %slice3A_142 : vector<512x128xf32>
    %reduce_min3A_144 = arith.constant dense<0x7F800000> : vector<512xf32>
    %reduce_min3A_145 = vector.multi_reduction <minimumf>, %min3A_143, %reduce_min3A_144 [1] : vector<512x128xf32> to vector<512xf32>
    %broadcast_in_dim3A_146 = vector.shape_cast %reduce_min3A_145 : vector<512xf32> to vector<512x1xf32>
    %eq3A_147 = vector.broadcast %broadcast_in_dim3A_146 : vector<512x1xf32> to vector<512x2048xf32>
    %eq3A_148 = arith.cmpf oeq, %sub3A_131, %eq3A_147 : vector<512x2048xf32>
    %jit3A_149 = arith.constant 8192 : i32
    %broadcast_in_dim3A_150 = vector.broadcast %jit3A_149 : i32 to vector<512x2048xi32>
    %select_n3A_151 = arith.select %eq3A_148, %iota3A, %broadcast_in_dim3A_150 : vector<512x2048xi1>, vector<512x2048xi32>
    %slice3A_152 = vector.extract_strided_slice %select_n3A_151 {offsets = [0, 0], sizes = [512, 1024], strides = [1, 1]} : vector<512x2048xi32> to vector<512x1024xi32>
    %slice3A_153 = vector.extract_strided_slice %select_n3A_151 {offsets = [0, 1024], sizes = [512, 1024], strides = [1, 1]} : vector<512x2048xi32> to vector<512x1024xi32>
    %min3A_154 = arith.minsi %slice3A_152, %slice3A_153 : vector<512x1024xi32>
    %slice3A_155 = vector.extract_strided_slice %min3A_154 {offsets = [0, 0], sizes = [512, 512], strides = [1, 1]} : vector<512x1024xi32> to vector<512x512xi32>
    %slice3A_156 = vector.extract_strided_slice %min3A_154 {offsets = [0, 512], sizes = [512, 512], strides = [1, 1]} : vector<512x1024xi32> to vector<512x512xi32>
    %min3A_157 = arith.minsi %slice3A_155, %slice3A_156 : vector<512x512xi32>
    %slice3A_158 = vector.extract_strided_slice %min3A_157 {offsets = [0, 0], sizes = [512, 256], strides = [1, 1]} : vector<512x512xi32> to vector<512x256xi32>
    %slice3A_159 = vector.extract_strided_slice %min3A_157 {offsets = [0, 256], sizes = [512, 256], strides = [1, 1]} : vector<512x512xi32> to vector<512x256xi32>
    %min3A_160 = arith.minsi %slice3A_158, %slice3A_159 : vector<512x256xi32>
    %slice3A_161 = vector.extract_strided_slice %min3A_160 {offsets = [0, 0], sizes = [512, 128], strides = [1, 1]} : vector<512x256xi32> to vector<512x128xi32>
    %slice3A_162 = vector.extract_strided_slice %min3A_160 {offsets = [0, 128], sizes = [512, 128], strides = [1, 1]} : vector<512x256xi32> to vector<512x128xi32>
    %min3A_163 = arith.minsi %slice3A_161, %slice3A_162 : vector<512x128xi32>
    %reduce_min3A_164 = arith.constant dense<2147483647> : vector<512xi32>
    %reduce_min3A_165 = vector.multi_reduction <minsi>, %min3A_163, %reduce_min3A_164 [1] : vector<512x128xi32> to vector<512xi32>
    %add3A_166 = arith.constant 4096 : i32
    %add3A_167 = vector.broadcast %add3A_166 : i32 to vector<512xi32>
    %add3A_168 = arith.addi %reduce_min3A_165, %add3A_167 : vector<512xi32>
    %lt3A_169 = arith.cmpf olt, %reduce_min3A_145, %select_n3A_115 : vector<512xf32>
    %select_n3A_170 = arith.select %lt3A_169, %reduce_min3A_145, %select_n3A_115 : vector<512xi1>, vector<512xf32>
    %select_n3A_171 = arith.select %lt3A_169, %add3A_168, %select_n3A_116 : vector<512xi1>, vector<512xi32>
    %get3A_172 = arith.constant 6144 : index
    %get3A_173 = arith.constant 0 : index
    %get3A_174 = vector.load %arg4[%get3A_172, %get3A_173] : memref<8192x256xf32, #tpu.memory_space<vmem>>, vector<2048x256xf32>
    %get3A_175 = arith.constant 0 : index
    %get3A_176 = arith.constant 6144 : index
    %get3A_177 = vector.load %arg5[%get3A_175, %get3A_176] : memref<1x8192xf32, #tpu.memory_space<vmem>>, vector<1x2048xf32>
    %get3A_178 = vector.shape_cast %get3A_177 : vector<1x2048xf32> to vector<2048xf32>
    %dot_general3A_179 = arith.constant dense<0.000000e+00> : vector<512x2048xf32>
    %dot_general3A_180 = tpu.matmul %add3A, %get3A_174, %dot_general3A_179 {dimension_numbers = #tpu.dot_dimension_numbers<[1], [1], [0], [0], [0, 0, 1, 0], [], []>, transpose_lhs_hint = false} : vector<512x256xf32>, vector<2048x256xf32>, vector<512x2048xf32> -> vector<512x2048xf32>
    %broadcast_in_dim3A_181 = vector.shape_cast %reduce_sum3A_11 : vector<512xf32> to vector<512x1xf32>
    %broadcast_in_dim3A_182 = vector.shape_cast %get3A_178 : vector<2048xf32> to vector<1x2048xf32>
    %add3A_183 = vector.broadcast %broadcast_in_dim3A_181 : vector<512x1xf32> to vector<512x2048xf32>
    %add3A_184 = vector.broadcast %broadcast_in_dim3A_182 : vector<1x2048xf32> to vector<512x2048xf32>
    %add3A_185 = arith.addf %add3A_183, %add3A_184 : vector<512x2048xf32>
    %sub3A_186 = arith.subf %add3A_185, %dot_general3A_180 : vector<512x2048xf32>
    %slice3A_187 = vector.extract_strided_slice %sub3A_186 {offsets = [0, 0], sizes = [512, 1024], strides = [1, 1]} : vector<512x2048xf32> to vector<512x1024xf32>
    %slice3A_188 = vector.extract_strided_slice %sub3A_186 {offsets = [0, 1024], sizes = [512, 1024], strides = [1, 1]} : vector<512x2048xf32> to vector<512x1024xf32>
    %min3A_189 = arith.minimumf %slice3A_187, %slice3A_188 : vector<512x1024xf32>
    %slice3A_190 = vector.extract_strided_slice %min3A_189 {offsets = [0, 0], sizes = [512, 512], strides = [1, 1]} : vector<512x1024xf32> to vector<512x512xf32>
    %slice3A_191 = vector.extract_strided_slice %min3A_189 {offsets = [0, 512], sizes = [512, 512], strides = [1, 1]} : vector<512x1024xf32> to vector<512x512xf32>
    %min3A_192 = arith.minimumf %slice3A_190, %slice3A_191 : vector<512x512xf32>
    %slice3A_193 = vector.extract_strided_slice %min3A_192 {offsets = [0, 0], sizes = [512, 256], strides = [1, 1]} : vector<512x512xf32> to vector<512x256xf32>
    %slice3A_194 = vector.extract_strided_slice %min3A_192 {offsets = [0, 256], sizes = [512, 256], strides = [1, 1]} : vector<512x512xf32> to vector<512x256xf32>
    %min3A_195 = arith.minimumf %slice3A_193, %slice3A_194 : vector<512x256xf32>
    %slice3A_196 = vector.extract_strided_slice %min3A_195 {offsets = [0, 0], sizes = [512, 128], strides = [1, 1]} : vector<512x256xf32> to vector<512x128xf32>
    %slice3A_197 = vector.extract_strided_slice %min3A_195 {offsets = [0, 128], sizes = [512, 128], strides = [1, 1]} : vector<512x256xf32> to vector<512x128xf32>
    %min3A_198 = arith.minimumf %slice3A_196, %slice3A_197 : vector<512x128xf32>
    %reduce_min3A_199 = arith.constant dense<0x7F800000> : vector<512xf32>
    %reduce_min3A_200 = vector.multi_reduction <minimumf>, %min3A_198, %reduce_min3A_199 [1] : vector<512x128xf32> to vector<512xf32>
    %broadcast_in_dim3A_201 = vector.shape_cast %reduce_min3A_200 : vector<512xf32> to vector<512x1xf32>
    %eq3A_202 = vector.broadcast %broadcast_in_dim3A_201 : vector<512x1xf32> to vector<512x2048xf32>
    %eq3A_203 = arith.cmpf oeq, %sub3A_186, %eq3A_202 : vector<512x2048xf32>
    %jit3A_204 = arith.constant 8192 : i32
    %broadcast_in_dim3A_205 = vector.broadcast %jit3A_204 : i32 to vector<512x2048xi32>
    %select_n3A_206 = arith.select %eq3A_203, %iota3A, %broadcast_in_dim3A_205 : vector<512x2048xi1>, vector<512x2048xi32>
    %slice3A_207 = vector.extract_strided_slice %select_n3A_206 {offsets = [0, 0], sizes = [512, 1024], strides = [1, 1]} : vector<512x2048xi32> to vector<512x1024xi32>
    %slice3A_208 = vector.extract_strided_slice %select_n3A_206 {offsets = [0, 1024], sizes = [512, 1024], strides = [1, 1]} : vector<512x2048xi32> to vector<512x1024xi32>
    %min3A_209 = arith.minsi %slice3A_207, %slice3A_208 : vector<512x1024xi32>
    %slice3A_210 = vector.extract_strided_slice %min3A_209 {offsets = [0, 0], sizes = [512, 512], strides = [1, 1]} : vector<512x1024xi32> to vector<512x512xi32>
    %slice3A_211 = vector.extract_strided_slice %min3A_209 {offsets = [0, 512], sizes = [512, 512], strides = [1, 1]} : vector<512x1024xi32> to vector<512x512xi32>
    %min3A_212 = arith.minsi %slice3A_210, %slice3A_211 : vector<512x512xi32>
    %slice3A_213 = vector.extract_strided_slice %min3A_212 {offsets = [0, 0], sizes = [512, 256], strides = [1, 1]} : vector<512x512xi32> to vector<512x256xi32>
    %slice3A_214 = vector.extract_strided_slice %min3A_212 {offsets = [0, 256], sizes = [512, 256], strides = [1, 1]} : vector<512x512xi32> to vector<512x256xi32>
    %min3A_215 = arith.minsi %slice3A_213, %slice3A_214 : vector<512x256xi32>
    %slice3A_216 = vector.extract_strided_slice %min3A_215 {offsets = [0, 0], sizes = [512, 128], strides = [1, 1]} : vector<512x256xi32> to vector<512x128xi32>
    %slice3A_217 = vector.extract_strided_slice %min3A_215 {offsets = [0, 128], sizes = [512, 128], strides = [1, 1]} : vector<512x256xi32> to vector<512x128xi32>
    %min3A_218 = arith.minsi %slice3A_216, %slice3A_217 : vector<512x128xi32>
    %reduce_min3A_219 = arith.constant dense<2147483647> : vector<512xi32>
    %reduce_min3A_220 = vector.multi_reduction <minsi>, %min3A_218, %reduce_min3A_219 [1] : vector<512x128xi32> to vector<512xi32>
    %add3A_221 = arith.constant 6144 : i32
    %add3A_222 = vector.broadcast %add3A_221 : i32 to vector<512xi32>
    %add3A_223 = arith.addi %reduce_min3A_220, %add3A_222 : vector<512xi32>
    %lt3A_224 = arith.cmpf olt, %reduce_min3A_200, %select_n3A_170 : vector<512xf32>
    %select_n3A_225 = arith.select %lt3A_224, %add3A_223, %select_n3A_171 : vector<512xi1>, vector<512xi32>
    %swap3A_226 = arith.constant 0 : index
    %swap3A_227 = vector.load %arg6[%swap3A_226] : memref<512xi32, #tpu.memory_space<vmem>>, vector<512xi32>
    tpu.vector_store %arg6[%swap3A_226], %select_n3A_225 {strides = array<i32>} : memref<512xi32, #tpu.memory_space<vmem>>, vector<512xi32>,
    return
  }
  func.func @transform_0(%arg0: i32) -> (i32, i32) {
    %c0_i32 = arith.constant 0 : i32
    %c0_i32_0 = arith.constant 0 : i32
    return %arg0, %c0_i32 : i32, i32
  }
  func.func @transform_1(%arg0: i32) -> (i32, i32) {
    %c0_i32 = arith.constant 0 : i32
    %c0_i32_0 = arith.constant 0 : i32
    return %arg0, %c0_i32 : i32, i32
  }
  func.func @transform_2(%arg0: i32) -> (i32, i32) {
    %c0_i32 = arith.constant 0 : i32
    %c0_i32_0 = arith.constant 0 : i32
    return %arg0, %c0_i32 : i32, i32
  }
  func.func @transform_3(%arg0: i32) -> (i32, i32) {
    %c0_i32 = arith.constant 0 : i32
    %c0_i32_0 = arith.constant 0 : i32
    %c0_i32_1 = arith.constant 0 : i32
    return %c0_i32, %c0_i32_0 : i32, i32
  }
  func.func @transform_4(%arg0: i32) -> (i32, i32) {
    %c0_i32 = arith.constant 0 : i32
    %c0_i32_0 = arith.constant 0 : i32
    %c0_i32_1 = arith.constant 0 : i32
    return %c0_i32, %c0_i32_0 : i32, i32
  }
  func.func @transform_5(%arg0: i32) -> i32 {
    %c0_i32 = arith.constant 0 : i32
    return %arg0 : i32
  }
  func.func @transform_6(%arg0: i32) -> (i32, i32) {
    %c0_i32 = arith.constant 0 : i32
    %c0_i32_0 = arith.constant 0 : i32
    return %arg0, %c0_i32 : i32, i32
  }
}

</mosaic_0001>

<sc_bundles>
// kernel: kernel.10.cloned.1.call-start
scs
__scs_entry_jumppad:
0x0: {  	(pc) =	sbr.rel $0x88, $3  }
0x1: {  	(tag) =	ssettag $0x0;
	lr =	simm.s32 $0x1  }
0x2: {  	[smem:$0x3F9D] =	sst lr;
	_ =	strace $0xD0000000  }
0x3: {  	_ = 	snop  }
0x4: {  	_ = 	snop  }
0x5: {  	_ = 	snop  }
0x6: {  	_ = 	snop  }
0x7: {  	_ = 	snop  }
__scs_overlays_trampoline_lowered:
0x8: {  	[smem:$0x3FAC] =	sst s0  }
0x9: {  	[smem:$0x3FAD] =	sst s1  }
0xa: {  	[smem:$0x3FAE] =	sst s2  }
0xb: {  	[smem:$0x3FAF] =	sst s3  }
0xc: {  	[smem:$0x3FB0] =	sst s4  }
0xd: {  	[smem:$0x3FB1] =	sst s5  }
0xe: {  	[smem:$0x3FB2] =	sst s6  }
0xf: {  	[smem:$0x3FB3] =	sst s7  }
0x10: {  	[smem:$0x3FB4] =	sst s8  }
0x11: {  	[smem:$0x3FB5] =	sst s9;
	s0 =	simm.s32 @!p0 $0x0  }
0x12: {  	s1 =	sld [smem:$0x3F9B];
	s0 =	simm.s32 @p0 $0x1  }
0x13: {  	[smem:$0x3FB6] =	sst s0;
	s0 =	simm.s32 @!p1 $0x0  }
0x14: {  	s2 =	sld [smem:$0x3F9A];
	s0 =	simm.s32 @p1 $0x1  }
0x15: {  	[smem:$0x3FB7] =	sst s0;
	s0 =	simm.s32 @!p2 $0x0  }
0x16: {  	s3 =	sld [smem:$0x3FDB];
	s0 =	simm.s32 @p2 $0x1  }
0x17: {  	s4 =	simm.s32 $0x1BF5;
	[smem:$0x3FB9] =	sst s0  }
0x18: {  	s0 =	sld [smem:$0x3F9C];
	_ =	swait.ge [sflag:s4], $0x0  }
0x19: {  	s7 =	sld [smem:$0x3F9D]  }
0x1a: {  	s8 =	sadd.s32 $0xFFFFE003, lr  }
0x1b: {  	s9 =	sadd.s32 $0xFFFFFEF7, lr;
	s5 =	simm.s32 $0xFFFFFFFF;
	p2 =	slt.u32 s8, $0xFFFFF086  }
0x1c: {  	p1 =	slt.u32 s9, $0xF7A;
	s5 =	simm.s32 @!p2 $0x0  }
0x1d: {  	s5 =	simm.s32 @p1 $0x1;
	p0 =	seq.s32 s7, s2  }
0x1e: {  	s7 =	smul.u32 @!p0 $0xF7A, s2;
	p2 =	seq.s32 @!p0 s5, $0x0  }
0x1f: {  	s9 =	smul.u32 $0xF7A, s1;
	s8 =	simm.s32 @!p0 $0x1BF5;
	p2 =	por !p2, p0  }
0x20: {  	[sflag:s8] =	ssyncset.s32 @!p0 $0xFFFFF086;
	s6 =	sadd.s32 @!p0 s3, s7;
	s7 =	simm.s32 @!p0 $0x108  }
0x21: {  	s3 =	sadd.s32 s3, s9;
	s6 =	sadd.s32 @!p0 $0x88, s6;
	s7 =	simm.s32 @p2 $0x1082  }
0x22: {  	[simem:s7], [sflag:s8] =	dma.local @!p0 [hbm:s6], $0xF7A  }
0x23: {  	s9 =	sor.u32 $0xD0000000, s2;
	s6 =	simm.s32 $0x108;
	_ =	swait.ge @!p0 [sflag:s8], $0x0  }
0x24: {  	s3 =	sadd.s32 $0x88, s3;
	s6 =	simm.s32 @!p1 $0x1082;
	[sflag:s4] =	ssyncset.s32 $0xFFFFF086  }
0x25: {  	[simem:s6], [sflag:s4] =	dma.local [hbm:s3], $0xF7A  }
0x26: {  	[smem:$0x3F9D] =	sst s1;
	(tag) =	ssettag s2;
	_ =	strace s9  }
0x27: {  	s1 =	sld [smem:$0x3FAD]  }
0x28: {  	s2 =	sld [smem:$0x3FAE]  }
0x29: {  	s4 =	sld [smem:$0x3FB0]  }
0x2a: {  	p0 =	seq.s32 s5, $0x0;
	s5 =	sld [smem:$0x3FB1]  }
0x2b: {  	s6 =	sld [smem:$0x3FB2]  }
0x2c: {  	s7 =	sld [smem:$0x3FB3]  }
0x2d: {  	s3 =	simm.s32 $0x108;
	s8 =	sld [smem:$0x3FB4]  }
0x2e: {  	s3 =	simm.s32 @!p0 $0x1082;
	s9 =	sld [smem:$0x3FB5]  }
0x2f: {  	lr =	sadd.s32 s0, s3;
	s0 =	sld [smem:$0x3FAC]  }
0x30: {  	s3 =	sld [smem:$0x3FAF]  }
0x31: {  	[smem:$0x3FB8] =	sst s10  }
0x32: {  	s10 =	sld [smem:$0x3FB6];
	_ =	sdelay $0x3  }
0x33: {  	p0 =	seq.s32 s10, $0x1;
	s10 =	sld [smem:$0x3FB8];
	_ =	sdelay $0x3  }
0x34: {  	[smem:$0x3FB8] =	sst s10  }
0x35: {  	s10 =	sld [smem:$0x3FB7];
	_ =	sdelay $0x3  }
0x36: {  	p1 =	seq.s32 s10, $0x1;
	s10 =	sld [smem:$0x3FB8];
	_ =	sdelay $0x3  }
0x37: {  	[smem:$0x3FB8] =	sst s10  }
0x38: {  	s10 =	sld [smem:$0x3FB9]  }
0x39: {  	_ = 	snop;
	(pc) =	sbr.ind lr, $3  }
0x3a: {  	_ = 	snop  }
0x3b: {  	_ = 	snop  }
0x3c: {  	p2 =	seq.s32 s10, $0x1;
	s10 =	sld [smem:$0x3FB8]  }
0x3d: {  	_ =	shalt  }
0x3e: {  	_ =	shalt  }
0x3f: {  	_ =	shalt  }
0x40: {  	_ =	shalt  }
0x41: {  	_ =	shalt  }
0x42: {  	_ =	shalt  }
0x43: {  	_ =	shalt  }
0x44: {  	_ =	shalt  }
0x45: {  	_ =	shalt  }
0x46: {  	_ =	shalt  }
0x47: {  	_ =	shalt  }
0x48: {  	_ =	shalt  }
0x49: {  	_ =	shalt  }
0x4a: {  	_ =	shalt  }
0x4b: {  	_ =	shalt  }
0x4c: {  	_ =	shalt  }
0x4d: {  	_ =	shalt  }
0x4e: {  	_ =	shalt  }
0x4f: {  	_ =	shalt  }
0x50: {  	_ =	shalt  }
0x51: {  	_ =	shalt  }
0x52: {  	_ =	shalt  }
0x53: {  	_ =	shalt  }
0x54: {  	_ =	shalt  }
0x55: {  	_ =	shalt  }
0x56: {  	_ =	shalt  }
0x57: {  	_ =	shalt  }
0x58: {  	_ =	shalt  }
0x59: {  	_ =	shalt  }
0x5a: {  	_ =	shalt  }
0x5b: {  	_ =	shalt  }
0x5c: {  	_ =	shalt  }
0x5d: {  	_ =	shalt  }
0x5e: {  	_ =	shalt  }
0x5f: {  	_ =	shalt  }
0x60: {  	_ =	shalt  }
0x61: {  	_ =	shalt  }
0x62: {  	_ =	shalt  }
0x63: {  	_ =	shalt  }
0x64: {  	_ =	shalt  }
0x65: {  	_ =	shalt  }
0x66: {  	_ =	shalt  }
0x67: {  	_ =	shalt  }
0x68: {  	_ =	shalt  }
0x69: {  	_ =	shalt  }
0x6a: {  	_ =	shalt  }
0x6b: {  	_ =	shalt  }
0x6c: {  	_ =	shalt  }
0x6d: {  	_ =	shalt  }
0x6e: {  	_ =	shalt  }
0x6f: {  	_ =	shalt  }
0x70: {  	_ =	shalt  }
0x71: {  	_ =	shalt  }
0x72: {  	_ =	shalt  }
0x73: {  	_ =	shalt  }
0x74: {  	_ =	shalt  }
0x75: {  	_ =	shalt  }
0x76: {  	_ =	shalt  }
0x77: {  	_ =	shalt  }
0x78: {  	_ =	shalt  }
0x79: {  	_ =	shalt  }
0x7a: {  	_ =	shalt  }
0x7b: {  	_ =	shalt  }
0x7c: {  	_ =	shalt  }
0x7d: {  	_ =	shalt  }
0x7e: {  	_ =	shalt  }
0x7f: {  	_ =	shalt  }
0x80: {  	_ =	shalt  }
0x81: {  	_ =	shalt  }
0x82: {  	_ =	shalt  }
0x83: {  	_ =	shalt  }
0x84: {  	_ =	shalt  }
0x85: {  	_ =	shalt  }
0x86: {  	_ =	shalt  }
0x87: {  	_ =	shalt  }
.Lfunc_end0:
.L_simem_size_0:
called_computation_lowered:
.L_overlay_start_0:
0x88: {  	s2 =	sld [smem:$0x3FD9]  }
0x89: {  	s3 =	sld [smem:$0x3FFE];
	_ =	sdelay $0x1  }
0x8a: {  	s1 =	srdreg.scid  }
0x8b: {  	s0 =	sand.u32 $0x1, s1  }
0x8c: {  	s15 =	sshll.u32 s0, $0xA;
	s2 =	sadd.s32 s3, s2  }
0x8d: {  	s2 =	sadd.s32 s2, s15  }
0x8e: {  	[smem:$0x3FC4] =	sst s2  }
0x8f: {  	_ = 	snop  }
0x90: {  	s2 =	sld [smem:$0x3FD0];
	_ =	sdelay $0x2  }
0x91: {  	s4 =	simm.s32 $0xA;
	s5 =	simm.s32 $0x10;
	s16 =	sld [smem:$0x3FC8]  }
0x92: {  	[smem:s5], [sflag:s4] =	dma.local [hbm:s2], $0x1  }
0x93: {  	_ =	swait.eq [sflag:s4], $0x1  }
0x94: {  	[sflag:s4] =	ssyncset.done $0x0  }
0x95: {  	s17 =	sld [smem:$0x10];
	[sflag:s4] =	ssyncadd.s32 $0xFFFFFFFF  }
0x96: {  	s18 =	sld [smem:$0x11];
	(tm) =	ssettm $0x1  }
0x97: {  	s19 =	sld [smem:$0x3FFB];
	_ =	sdelay $0x3  }
0x98: {  	_ =	strace s19  }
0x99: {  	s5 =	sld [smem:$0x3FFC];
	_ =	sdelay $0x3  }
0x9a: {  	_ =	strace s5  }
0x9b: {  	s5 =	sld [smem:$0x3FFD];
	_ =	sdelay $0x3  }
0x9c: {  	_ =	strace s5  }
0x9d: {  	_ =	strace $0x8FFFFFFF  }
0x9e: {  	s20 =	sld [smem:$0x3FDB];
	_ =	sdelay $0x1  }
0x9f: {  	s6 =	simm.s32 $_scs_section_size  }
0xa0: {  	s7 =	simm.s32 $_size__tile_overlayer_lowered;
	s8 =	simm.s32 $_tile_overlayer_lowered  }
0xa1: {  	s23 =	simm.s32 $0x1BFF;
	s22 =	sshll.u32 s8, $0x1;
	s5 =	sadd.s32 s6, s20  }
0xa2: {  	s9 =	simm.s32 $0x0;
	s21 =	sshll.u32 s7, $0x1;
	s7 =	sadd.s32 s22, s5  }
0xa3: {  	[timem:s9], [sflag:s23] =	dma.local [hbm:s7], s21  }
0xa4: {  	_ =	swait.ge [sflag:s23], s21  }
0xa5: {  	s6 =	ssub.s32 $0x0, s21;
	[sflag:s23] =	ssyncset.done $0x0  }
0xa6: {  	[sflag:s23] =	ssyncadd.s32 s6;
	_ =	sdelay $0x1  }
0xa7: {  	s24 =	simm.s32 $0x1B8B  }
0xa8: {  	_ =	swait.ge [sflag:s24], $0x1  }
0xa9: {  	[sflag:s24] =	ssyncset.done $0x0  }
0xaa: {  	s25 =	simm.s32 $0x1B8E;
	[sflag:s24] =	ssyncadd.s32 $0xFFFFFFFF  }
0xab: {  	s26 =	simm.s32 $execute0_lowered;
	[smem:$0x3FD2] =	sst s25  }
0xac: {  	s6 =	sshll.u32 s26, $0x1;
	_ =	strace $0x80000046;
	[dreg:$0x1] =	wrdreg $0xFFFFFFFF  }
0xad: {  	s28 =	simm.s32 $_size_execute0_lowered;
	s5 =	sadd.s32 s5, s6;
	[dreg:$0x0] =	wrdreg $0x0  }
0xae: {  	s6 =	sshll.u32 s28, $0x1;
	[dreg:$0x2] =	wrdreg s5  }
0xaf: {  	[dreg:$0x3] =	wrdreg s6  }
0xb0: {  	[dreg:$0x4] =	wrdreg $0xC0  }
0xb1: {  	_ =	task [dreg:s9], $0x5FFFF  }
0xb2: {  	[dreg:$0x1] =	wrdreg $0xFFFFFFFF  }
0xb3: {  	[dreg:$0x0] =	wrdreg $0x60  }
0xb4: {  	[dreg:$0x2] =	wrdreg s16  }
0xb5: {  	[dreg:$0x3] =	wrdreg s17  }
0xb6: {  	[dreg:$0x4] =	wrdreg s18  }
0xb7: {  	[dreg:$0x5] =	wrdreg $0x9  }
0xb8: {  	_ =	task.clear_ibuf [dreg:s9], $0x6FFFF;
	_ =	strace $0x90000046  }
0xb9: {  	s29 =	simm.s32 $0x9;
	_ =	strace $0x80000048  }
0xba: {  	_ =	swait.ge [sflag:s29], $0x1  }
0xbb: {  	[sflag:s29] =	ssyncadd.s32 $0xFFFFFFFF  }
0xbc: {  	_ =	strace $0x90000048  }
0xbd: {  	_ =	sfence  }
0xbe: {  	s30 =	sld [smem:$0x0];
	_ =	sdelay $0x2  }
0xbf: {  	s31 =	sshll.u32 s1, $0xD;
	s1 =	sshrl.u32 s1, $0x2  }
0xc0: {  	s3 =	sand.u32 $0x4000, s31;
	s1 =	sadd.s32 s1, s30  }
0xc1: {  	s0 =	sor.u32 s3, s0;
	s1 =	sshll.u32 s1, $0x11  }
0xc2: {  	s0 =	sor.u32 s1, s0  }
0xc3: {  	s0 =	sadd.s32 $0x8F2B, s0  }
0xc4: {  	[sflag:s0] =	ssyncadd.remote.s32 $0x1  }
0xc5: {  	_ =	sfence.sel $0xFFFF  }
0xc6: {  	[dreg:$0x0] =	wrdreg $0xFFFFFFFF;
	(pc) =	sbr.abs _section_cstart, $3  }
0xc7: {  	[dreg:$0x1] =	wrdreg $0xFFFFFFFF  }
0xc8: {  	_ =	task.clear_ibuf [dreg:s9], $0x2FFFF;
	_ =	strace $0x9FFFFFFF  }
0xc9: {  	(tm) =	ssettm $0x7FFFFFFF  }
tec
execute0_lowered:
.L_overlay_start_1:
0x0: {  	(tag) =	ssettag $0x1  }
0x1: {  	s1 =	rddreg [dreg:$0x0]  }
0x2: {  	s5 =	rddreg [dreg:$0x1];
	s2 =	srdreg.scid  }
0x3: {  	s0 =	stileid.u32;
	s6 =	rddreg [dreg:$0x2];
	s3 =	simm.s32 $0x0  }
0x4: {  	s11 =	simm.s32 $0x900;
	s12 =	simm.s32 $0x1100;
	s13 =	simm.s32 $0x1900  }
0x5: {  	s14 =	simm.s32 $0x2100;
	s15 =	simm.s32 $0x2900;
	s16 =	simm.s32 $0x3100  }
0x6: {  	s17 =	simm.s32 $0x3900;
	s18 =	simm.s32 $0x4100;
	s19 =	simm.s32 $0x4900  }
0x7: {  	s20 =	simm.s32 $0x5100;
	s21 =	simm.s32 $0x5900;
	s22 =	simm.s32 $0x6100  }
0x8: {  	s23 =	simm.s32 $0x6900;
	s24 =	simm.s32 $0x7100;
	s25 =	simm.s32 $0x7900  }
0x9: {  	s26 =	simm.s32 $0x8100;
	s4 =	sand.u32 $0x1, s2;
	s7 =	sshll.u32 s0, $0x1  }
0xa: {  	s28 =	simm.s32 $0x8900;
	s29 =	simm.s32 $0x1;
	s7 =	sor.u32 s4, s7  }
0xb: {  	s2 =	rddreg [dreg:$0x3];
	s4 =	ssub.s32 $0x2, s4;
	s8 =	smul.u32 $0x90, s7  }
0xc: {  	[smem:$0x7FF] =	sst s3;
	s9 =	sshrl.u32 s4, $0x1;
	s7 =	smul.u32 $0x1200, s7  }
0xd: {  	_ =	strace $0x80000047;
	s9 =	ssub.s32 s4, s9;
	s10 =	sshrl.u32 s8, $0x3  }
0xe: {  	v2 =	vlaneseq.u32;
	s8 =	sadd.s32 $0x48, s8;
	s6 =	sadd.s32 s6, s7;
	s7 =	smax.u32 s9, $0x1  }
0xf: {  	vm0 =	vmmov $0xffff;
	v1 =	vshrl.u32 v2, $0x3;
	s9 =	simm.s32 $0x80;
	s4 =	sadd.s32 s5, s10;
	s8 =	sshrl.u32 s8, $0x3  }
0x10: {  	v0 =	vand.u32 $0x7, v2;
	v2 =	vor.u32 $0x8, v2;
	v1 =	vmul.u32 $0x8, v1;
	s10 =	simm.s32 $0x100;
	s5 =	sadd.s32 s5, s8;
	s8 =	simm.s32 $0x2  }
.LBB2_1:
0x11: {  	[tilespmem:s3], [sflag:$0x2] =	stream.linear.gather [hbm4b:s4+s3], $0x48, $0x38;
	[tilespmem:$0x9100] =	vst v63  }
0x12: {  	_ =	swait.ge [sflag:s8], $0x48  }
0x13: {  	[sflag:s8] =	ssyncset.done $0x0  }
0x14: {  	[sflag:s8] =	ssyncadd.s32 $0xFFFFFFB8  }
0x15: {  	[tilespmem:s9], [sflag:$0x2] =	stream.linear.gather [hbm4b:s5+s3], $0x48, $0x38;
	[tilespmem:$0x9100] =	vst v63  }
0x16: {  	_ =	swait.ge [sflag:s8], $0x48  }
0x17: {  	[sflag:s8] =	ssyncset.done $0x0  }
0x18: {  	[sflag:s8] =	ssyncadd.s32 $0xFFFFFFB8  }
0x19: {  	v3 =	vld [tilespmem:$0x0];
	_ =	sdelay $0x4  }
0x1a: {  	v4 =	vshll.u32 v3, $0x1  }
0x1b: {  	v3 =	vand.u32 $0x7, v3;
	v4 =	vand.u32 $0xFFFFFFF0, v4  }
0x1c: {  	v3 =	vor.u32 v3, v4  }
0x1d: {  	v4 =	vperm.xlane v3, v0;
	_ =	sdelay $0x1  }
0x1e: {  	v3 =	vperm.xlane v3, v2;
	v4 =	vadd.s32 v1, v4;
	_ =	sdelay $0x1  }
0x1f: {  	v3 =	vadd.s32 v1, v3;
	_ =	sdelay $0x2  }
0x20: {  	[tilespmem:s10], [sflag:$0x1] =	stream.indirect_vreg.gather [hbm4b:s1+s3], $0x80, v4, vm0, $0xb8;
	[tilespmem:$0x9100] =	vst v63  }
0x21: {  	_ = 	snop  }
0x22: {  	[tilespmem:s11], [sflag:$0x1] =	stream.indirect_vreg.gather [hbm4b:s1+s3], $0x80, v3, vm0, $0xb8;
	[tilespmem:$0x9100] =	vst v63  }
0x23: {  	v3 =	vld [tilespmem:$0x10];
	_ =	sdelay $0x4  }
0x24: {  	v55 =	vshll.u32 v3, $0x1  }
0x25: {  	v3 =	vand.u32 $0x7, v3;
	v4 =	vand.u32 $0xFFFFFFF0, v55  }
0x26: {  	v3 =	vor.u32 v3, v4  }
0x27: {  	v4 =	vperm.xlane v3, v0;
	_ =	sdelay $0x1  }
0x28: {  	v3 =	vperm.xlane v3, v2;
	v4 =	vadd.s32 v1, v4;
	_ =	sdelay $0x1  }
0x29: {  	v3 =	vadd.s32 v1, v3;
	_ =	sdelay $0x2  }
0x2a: {  	[tilespmem:s12], [sflag:$0x1] =	stream.indirect_vreg.gather [hbm4b:s1+s3], $0x80, v4, vm0, $0xb8;
	[tilespmem:$0x9100] =	vst v63  }
0x2b: {  	_ = 	snop  }
0x2c: {  	[tilespmem:s13], [sflag:$0x1] =	stream.indirect_vreg.gather [hbm4b:s1+s3], $0x80, v3, vm0, $0xb8;
	[tilespmem:$0x9100] =	vst v63  }
0x2d: {  	v3 =	vld [tilespmem:$0x20];
	_ =	sdelay $0x4  }
0x2e: {  	v56 =	vshll.u32 v3, $0x1  }
0x2f: {  	v3 =	vand.u32 $0x7, v3;
	v4 =	vand.u32 $0xFFFFFFF0, v56  }
0x30: {  	v3 =	vor.u32 v3, v4  }
0x31: {  	v4 =	vperm.xlane v3, v0;
	_ =	sdelay $0x1  }
0x32: {  	v3 =	vperm.xlane v3, v2;
	v4 =	vadd.s32 v1, v4;
	_ =	sdelay $0x1  }
0x33: {  	v3 =	vadd.s32 v1, v3;
	_ =	sdelay $0x2  }
0x34: {  	[tilespmem:s14], [sflag:$0x1] =	stream.indirect_vreg.gather [hbm4b:s1+s3], $0x80, v4, vm0, $0xb8;
	[tilespmem:$0x9100] =	vst v63  }
0x35: {  	_ = 	snop  }
0x36: {  	[tilespmem:s15], [sflag:$0x1] =	stream.indirect_vreg.gather [hbm4b:s1+s3], $0x80, v3, vm0, $0xb8;
	[tilespmem:$0x9100] =	vst v63  }
0x37: {  	v3 =	vld [tilespmem:$0x30];
	_ =	sdelay $0x4  }
0x38: {  	v57 =	vshll.u32 v3, $0x1  }
0x39: {  	v3 =	vand.u32 $0x7, v3;
	v4 =	vand.u32 $0xFFFFFFF0, v57  }
0x3a: {  	v3 =	vor.u32 v3, v4  }
0x3b: {  	v4 =	vperm.xlane v3, v0;
	_ =	sdelay $0x1  }
0x3c: {  	v3 =	vperm.xlane v3, v2;
	v4 =	vadd.s32 v1, v4;
	_ =	sdelay $0x1  }
0x3d: {  	v3 =	vadd.s32 v1, v3;
	_ =	sdelay $0x2  }
0x3e: {  	[tilespmem:s16], [sflag:$0x1] =	stream.indirect_vreg.gather [hbm4b:s1+s3], $0x80, v4, vm0, $0xb8;
	[tilespmem:$0x9100] =	vst v63  }
0x3f: {  	_ = 	snop  }
0x40: {  	[tilespmem:s17], [sflag:$0x1] =	stream.indirect_vreg.gather [hbm4b:s1+s3], $0x80, v3, vm0, $0xb8;
	[tilespmem:$0x9100] =	vst v63  }
0x41: {  	v3 =	vld.msk [tilespmem:$0x40], $0xff;
	_ =	sdelay $0x4  }
0x42: {  	v58 =	vshll.u32 v3, $0x1  }
0x43: {  	v3 =	vand.u32 $0x7, v3;
	v4 =	vand.u32 $0xFFFFFFF0, v58  }
0x44: {  	v3 =	vor.u32 v3, v4  }
0x45: {  	v3 =	vperm.xlane v3, v0;
	_ =	sdelay $0x1  }
0x46: {  	v3 =	vadd.s32 v1, v3;
	_ =	sdelay $0x4  }
0x47: {  	[tilespmem:s18], [sflag:$0x1] =	stream.indirect_vreg.gather [hbm4b:s1+s3], $0x80, v3, vm0, $0xb8;
	[tilespmem:$0x9100] =	vst v63  }
0x48: {  	v3 =	vld [tilespmem:$0x80];
	_ =	sdelay $0x4  }
0x49: {  	v59 =	vshll.u32 v3, $0x1  }
0x4a: {  	v3 =	vand.u32 $0x7, v3;
	v4 =	vand.u32 $0xFFFFFFF0, v59  }
0x4b: {  	v3 =	vor.u32 v3, v4  }
0x4c: {  	v4 =	vperm.xlane v3, v0;
	_ =	sdelay $0x1  }
0x4d: {  	v3 =	vperm.xlane v3, v2;
	v4 =	vadd.s32 v1, v4;
	_ =	sdelay $0x1  }
0x4e: {  	v3 =	vadd.s32 v1, v3;
	_ =	sdelay $0x2  }
0x4f: {  	[tilespmem:s19], [sflag:$0x1] =	stream.indirect_vreg.gather [hbm4b:s1+s3], $0x80, v4, vm0, $0xb8;
	[tilespmem:$0x9100] =	vst v63  }
0x50: {  	_ = 	snop  }
0x51: {  	[tilespmem:s20], [sflag:$0x1] =	stream.indirect_vreg.gather [hbm4b:s1+s3], $0x80, v3, vm0, $0xb8;
	[tilespmem:$0x9100] =	vst v63  }
0x52: {  	v3 =	vld [tilespmem:$0x90];
	_ =	sdelay $0x4  }
0x53: {  	v60 =	vshll.u32 v3, $0x1  }
0x54: {  	v3 =	vand.u32 $0x7, v3;
	v4 =	vand.u32 $0xFFFFFFF0, v60  }
0x55: {  	v3 =	vor.u32 v3, v4  }
0x56: {  	v4 =	vperm.xlane v3, v0;
	_ =	sdelay $0x1  }
0x57: {  	v3 =	vperm.xlane v3, v2;
	v4 =	vadd.s32 v1, v4;
	_ =	sdelay $0x1  }
0x58: {  	v3 =	vadd.s32 v1, v3;
	_ =	sdelay $0x2  }
0x59: {  	[tilespmem:s21], [sflag:$0x1] =	stream.indirect_vreg.gather [hbm4b:s1+s3], $0x80, v4, vm0, $0xb8;
	[tilespmem:$0x9100] =	vst v63  }
0x5a: {  	_ = 	snop  }
0x5b: {  	[tilespmem:s22], [sflag:$0x1] =	stream.indirect_vreg.gather [hbm4b:s1+s3], $0x80, v3, vm0, $0xb8;
	[tilespmem:$0x9100] =	vst v63  }
0x5c: {  	v3 =	vld [tilespmem:$0xA0];
	_ =	sdelay $0x4  }
0x5d: {  	v61 =	vshll.u32 v3, $0x1  }
0x5e: {  	v3 =	vand.u32 $0x7, v3;
	v4 =	vand.u32 $0xFFFFFFF0, v61  }
0x5f: {  	v3 =	vor.u32 v3, v4  }
0x60: {  	v4 =	vperm.xlane v3, v0;
	_ =	sdelay $0x1  }
0x61: {  	v3 =	vperm.xlane v3, v2;
	v4 =	vadd.s32 v1, v4;
	_ =	sdelay $0x1  }
0x62: {  	v3 =	vadd.s32 v1, v3;
	_ =	sdelay $0x2  }
0x63: {  	[tilespmem:s23], [sflag:$0x1] =	stream.indirect_vreg.gather [hbm4b:s1+s3], $0x80, v4, vm0, $0xb8;
	[tilespmem:$0x9100] =	vst v63  }
0x64: {  	_ = 	snop  }
0x65: {  	[tilespmem:s24], [sflag:$0x1] =	stream.indirect_vreg.gather [hbm4b:s1+s3], $0x80, v3, vm0, $0xb8;
	[tilespmem:$0x9100] =	vst v63  }
0x66: {  	v3 =	vld [tilespmem:$0xB0];
	_ =	sdelay $0x4  }
0x67: {  	v62 =	vshll.u32 v3, $0x1  }
0x68: {  	v3 =	vand.u32 $0x7, v3;
	v4 =	vand.u32 $0xFFFFFFF0, v62  }
0x69: {  	v3 =	vor.u32 v3, v4  }
0x6a: {  	v4 =	vperm.xlane v3, v0;
	_ =	sdelay $0x1  }
0x6b: {  	v3 =	vperm.xlane v3, v2;
	v4 =	vadd.s32 v1, v4;
	_ =	sdelay $0x1  }
0x6c: {  	v3 =	vadd.s32 v1, v3;
	_ =	sdelay $0x2  }
0x6d: {  	[tilespmem:s25], [sflag:$0x1] =	stream.indirect_vreg.gather [hbm4b:s1+s3], $0x80, v4, vm0, $0xb8;
	[tilespmem:$0x9100] =	vst v63  }
0x6e: {  	_ = 	snop  }
0x6f: {  	[tilespmem:s26], [sflag:$0x1] =	stream.indirect_vreg.gather [hbm4b:s1+s3], $0x80, v3, vm0, $0xb8;
	[tilespmem:$0x9100] =	vst v63  }
0x70: {  	v3 =	vld.msk [tilespmem:$0xC0], $0xff;
	_ =	sdelay $0x4  }
0x71: {  	v63 =	vshll.u32 v3, $0x1  }
0x72: {  	v3 =	vand.u32 $0x7, v3;
	v4 =	vand.u32 $0xFFFFFFF0, v63  }
0x73: {  	v3 =	vor.u32 v3, v4  }
0x74: {  	v3 =	vperm.xlane v3, v0;
	_ =	sdelay $0x1  }
0x75: {  	v3 =	vadd.s32 v1, v3;
	_ =	sdelay $0x4  }
0x76: {  	[tilespmem:s28], [sflag:$0x1] =	stream.indirect_vreg.gather [hbm4b:s1+s3], $0x80, v3, vm0, $0xb8;
	[tilespmem:$0x9100] =	vst v63  }
0x77: {  	_ =	swait.ge [sflag:s29], $0x4800  }
0x78: {  	[sflag:s29] =	ssyncset.done $0x0  }
0x79: {  	[sflag:s29] =	ssyncadd.s32 $0xFFFFB800  }
0x7a: {  	_ =	swait.ge [sflag:s29], $0x4800  }
0x7b: {  	p0 =	sne.s32 s7, $0x1;
	[sflag:s29] =	ssyncset.done $0x0  }
.Ltmp0:
0x7c: {  	[sflag:s29] =	ssyncadd.s32 $0xFFFFB800;
	(pc) =	sbr.rel @p0 .LBB2_1-.Ltmp0, $4  }
0x7d: {  	[hbm4b:s6+s3] =	stream.linear.scatter [tilespmem:s10], [sflag:$0x2], $0x9000, $0x38;
	[tilespmem:$0x9100] =	vst v63  }
0x7e: {  	_ =	swait.ge [sflag:s8], $0x9000  }
0x7f: {  	[sflag:s8] =	ssyncset.done $0x0  }
0x80: {  	s7 =	sadd.s32 $0xFFFFFFFF, s7;
	[sflag:s8] =	ssyncadd.s32 $0xFFFF7000  }
0x81: {  	_ =	sfence.sel $0x180000  }
0x82: {  	[bflag:$0x0] =	sbarrier.arrive $0xFFFF  }
0x83: {  	p0 =	sne.s32 s0, $0x0;
	_ =	strace $0x90000047  }
0x84: {  	s0 =	sadd.s32 @!p0 $0x100000, s2;
	[bflag:$0x2] =	sbarrier.arrive $0xFFFF  }
0x85: {  	[sflag:s0] =	ssyncadd.tile.s32 @!p0 $0x1;
	_ =	shalt  }
.Lfunc_end2:
_tile_overlayer_lowered:
.L_overlay_start_2:
0x86: {  	(tag) =	ssettag $0x2  }
0x87: {  	s0 =	rddreg [dreg:$0x0];
	s2 =	stileid.u32  }
0x88: {  	s1 =	rddreg [dreg:$0x1];
	p0 =	sne.s32 s2, $0x0  }
0x89: {  	s3 =	rddreg [dreg:$0x2];
	[bflag:$0x3] =	sbarrier.arrive $0xFFFF;
	s2 =	simm.s32 @!p0 $0x1C02  }
0x8a: {  	[timem:s3], [sflag:s2] =	dma.local @!p0 [hbm:s0], s1  }
0x8b: {  	s0 =	simm.s32 @!p0 $0x2  }
0x8c: {  	_ =	swait.ge @!p0 [sflag:s0], s1  }
0x8d: {  	s1 =	ssub.s32 @!p0 $0x0, s1;
	[sflag:s0] =	ssyncset.done @!p0 $0x0  }
0x8e: {  	[sflag:s0] =	ssyncadd.s32 @!p0 s1  }
0x8f: {  	[bflag:$0x3] =	sbarrier.arrive $0xFFFF  }
0x90: {  	_ =	shalt  }

// kernel: kernel.13.cloned.1.call-start
scs
__scs_entry_jumppad:
0x0: {  	(pc) =	sbr.rel $0x88, $3  }
0x1: {  	(tag) =	ssettag $0x0;
	lr =	simm.s32 $0x1  }
0x2: {  	[smem:$0x3F9D] =	sst lr;
	_ =	strace $0xD0000000  }
0x3: {  	_ = 	snop  }
0x4: {  	_ = 	snop  }
0x5: {  	_ = 	snop  }
0x6: {  	_ = 	snop  }
0x7: {  	_ = 	snop  }
__scs_overlays_trampoline_lowered:
0x8: {  	[smem:$0x3FAC] =	sst s0  }
0x9: {  	[smem:$0x3FAD] =	sst s1  }
0xa: {  	[smem:$0x3FAE] =	sst s2  }
0xb: {  	[smem:$0x3FAF] =	sst s3  }
0xc: {  	[smem:$0x3FB0] =	sst s4  }
0xd: {  	[smem:$0x3FB1] =	sst s5  }
0xe: {  	[smem:$0x3FB2] =	sst s6  }
0xf: {  	[smem:$0x3FB3] =	sst s7  }
0x10: {  	[smem:$0x3FB4] =	sst s8  }
0x11: {  	[smem:$0x3FB5] =	sst s9;
	s0 =	simm.s32 @!p0 $0x0  }
0x12: {  	s1 =	sld [smem:$0x3F9B];
	s0 =	simm.s32 @p0 $0x1  }
0x13: {  	[smem:$0x3FB6] =	sst s0;
	s0 =	simm.s32 @!p1 $0x0  }
0x14: {  	s2 =	sld [smem:$0x3F9A];
	s0 =	simm.s32 @p1 $0x1  }
0x15: {  	[smem:$0x3FB7] =	sst s0;
	s0 =	simm.s32 @!p2 $0x0  }
0x16: {  	s3 =	sld [smem:$0x3FDB];
	s0 =	simm.s32 @p2 $0x1  }
0x17: {  	s4 =	simm.s32 $0x1BF5;
	[smem:$0x3FB9] =	sst s0  }
0x18: {  	s0 =	sld [smem:$0x3F9C];
	_ =	swait.ge [sflag:s4], $0x0  }
0x19: {  	s7 =	sld [smem:$0x3F9D]  }
0x1a: {  	s8 =	sadd.s32 $0xFFFFE003, lr  }
0x1b: {  	s9 =	sadd.s32 $0xFFFFFEF7, lr;
	s5 =	simm.s32 $0xFFFFFFFF;
	p2 =	slt.u32 s8, $0xFFFFF086  }
0x1c: {  	p1 =	slt.u32 s9, $0xF7A;
	s5 =	simm.s32 @!p2 $0x0  }
0x1d: {  	s5 =	simm.s32 @p1 $0x1;
	p0 =	seq.s32 s7, s2  }
0x1e: {  	s7 =	smul.u32 @!p0 $0xF7A, s2;
	p2 =	seq.s32 @!p0 s5, $0x0  }
0x1f: {  	s9 =	smul.u32 $0xF7A, s1;
	s8 =	simm.s32 @!p0 $0x1BF5;
	p2 =	por !p2, p0  }
0x20: {  	[sflag:s8] =	ssyncset.s32 @!p0 $0xFFFFF086;
	s6 =	sadd.s32 @!p0 s3, s7;
	s7 =	simm.s32 @!p0 $0x108  }
0x21: {  	s3 =	sadd.s32 s3, s9;
	s6 =	sadd.s32 @!p0 $0x88, s6;
	s7 =	simm.s32 @p2 $0x1082  }
0x22: {  	[simem:s7], [sflag:s8] =	dma.local @!p0 [hbm:s6], $0xF7A  }
0x23: {  	s9 =	sor.u32 $0xD0000000, s2;
	s6 =	simm.s32 $0x108;
	_ =	swait.ge @!p0 [sflag:s8], $0x0  }
0x24: {  	s3 =	sadd.s32 $0x88, s3;
	s6 =	simm.s32 @!p1 $0x1082;
	[sflag:s4] =	ssyncset.s32 $0xFFFFF086  }
0x25: {  	[simem:s6], [sflag:s4] =	dma.local [hbm:s3], $0xF7A  }
0x26: {  	[smem:$0x3F9D] =	sst s1;
	(tag) =	ssettag s2;
	_ =	strace s9  }
0x27: {  	s1 =	sld [smem:$0x3FAD]  }
0x28: {  	s2 =	sld [smem:$0x3FAE]  }
0x29: {  	s4 =	sld [smem:$0x3FB0]  }
0x2a: {  	p0 =	seq.s32 s5, $0x0;
	s5 =	sld [smem:$0x3FB1]  }
0x2b: {  	s6 =	sld [smem:$0x3FB2]  }
0x2c: {  	s7 =	sld [smem:$0x3FB3]  }
0x2d: {  	s3 =	simm.s32 $0x108;
	s8 =	sld [smem:$0x3FB4]  }
0x2e: {  	s3 =	simm.s32 @!p0 $0x1082;
	s9 =	sld [smem:$0x3FB5]  }
0x2f: {  	lr =	sadd.s32 s0, s3;
	s0 =	sld [smem:$0x3FAC]  }
0x30: {  	s3 =	sld [smem:$0x3FAF]  }
0x31: {  	[smem:$0x3FB8] =	sst s10  }
0x32: {  	s10 =	sld [smem:$0x3FB6];
	_ =	sdelay $0x3  }
0x33: {  	p0 =	seq.s32 s10, $0x1;
	s10 =	sld [smem:$0x3FB8];
	_ =	sdelay $0x3  }
0x34: {  	[smem:$0x3FB8] =	sst s10  }
0x35: {  	s10 =	sld [smem:$0x3FB7];
	_ =	sdelay $0x3  }
0x36: {  	p1 =	seq.s32 s10, $0x1;
	s10 =	sld [smem:$0x3FB8];
	_ =	sdelay $0x3  }
0x37: {  	[smem:$0x3FB8] =	sst s10  }
0x38: {  	s10 =	sld [smem:$0x3FB9]  }
0x39: {  	_ = 	snop;
	(pc) =	sbr.ind lr, $3  }
0x3a: {  	_ = 	snop  }
0x3b: {  	_ = 	snop  }
0x3c: {  	p2 =	seq.s32 s10, $0x1;
	s10 =	sld [smem:$0x3FB8]  }
0x3d: {  	_ =	shalt  }
0x3e: {  	_ =	shalt  }
0x3f: {  	_ =	shalt  }
0x40: {  	_ =	shalt  }
0x41: {  	_ =	shalt  }
0x42: {  	_ =	shalt  }
0x43: {  	_ =	shalt  }
0x44: {  	_ =	shalt  }
0x45: {  	_ =	shalt  }
0x46: {  	_ =	shalt  }
0x47: {  	_ =	shalt  }
0x48: {  	_ =	shalt  }
0x49: {  	_ =	shalt  }
0x4a: {  	_ =	shalt  }
0x4b: {  	_ =	shalt  }
0x4c: {  	_ =	shalt  }
0x4d: {  	_ =	shalt  }
0x4e: {  	_ =	shalt  }
0x4f: {  	_ =	shalt  }
0x50: {  	_ =	shalt  }
0x51: {  	_ =	shalt  }
0x52: {  	_ =	shalt  }
0x53: {  	_ =	shalt  }
0x54: {  	_ =	shalt  }
0x55: {  	_ =	shalt  }
0x56: {  	_ =	shalt  }
0x57: {  	_ =	shalt  }
0x58: {  	_ =	shalt  }
0x59: {  	_ =	shalt  }
0x5a: {  	_ =	shalt  }
0x5b: {  	_ =	shalt  }
0x5c: {  	_ =	shalt  }
0x5d: {  	_ =	shalt  }
0x5e: {  	_ =	shalt  }
0x5f: {  	_ =	shalt  }
0x60: {  	_ =	shalt  }
0x61: {  	_ =	shalt  }
0x62: {  	_ =	shalt  }
0x63: {  	_ =	shalt  }
0x64: {  	_ =	shalt  }
0x65: {  	_ =	shalt  }
0x66: {  	_ =	shalt  }
0x67: {  	_ =	shalt  }
0x68: {  	_ =	shalt  }
0x69: {  	_ =	shalt  }
0x6a: {  	_ =	shalt  }
0x6b: {  	_ =	shalt  }
0x6c: {  	_ =	shalt  }
0x6d: {  	_ =	shalt  }
0x6e: {  	_ =	shalt  }
0x6f: {  	_ =	shalt  }
0x70: {  	_ =	shalt  }
0x71: {  	_ =	shalt  }
0x72: {  	_ =	shalt  }
0x73: {  	_ =	shalt  }
0x74: {  	_ =	shalt  }
0x75: {  	_ =	shalt  }
0x76: {  	_ =	shalt  }
0x77: {  	_ =	shalt  }
0x78: {  	_ =	shalt  }
0x79: {  	_ =	shalt  }
0x7a: {  	_ =	shalt  }
0x7b: {  	_ =	shalt  }
0x7c: {  	_ =	shalt  }
0x7d: {  	_ =	shalt  }
0x7e: {  	_ =	shalt  }
0x7f: {  	_ =	shalt  }
0x80: {  	_ =	shalt  }
0x81: {  	_ =	shalt  }
0x82: {  	_ =	shalt  }
0x83: {  	_ =	shalt  }
0x84: {  	_ =	shalt  }
0x85: {  	_ =	shalt  }
0x86: {  	_ =	shalt  }
0x87: {  	_ =	shalt  }
.Lfunc_end0:
.L_simem_size_0:
called_computation.1_lowered:
.L_overlay_start_0:
0x88: {  	s2 =	sld [smem:$0x3FD9]  }
0x89: {  	s3 =	sld [smem:$0x3FFE];
	_ =	sdelay $0x1  }
0x8a: {  	s1 =	srdreg.scid  }
0x8b: {  	s0 =	sand.u32 $0x1, s1  }
0x8c: {  	s17 =	sshll.u32 s0, $0xA;
	s2 =	sadd.s32 s3, s2  }
0x8d: {  	s2 =	sadd.s32 s2, s17  }
0x8e: {  	[smem:$0x3FC4] =	sst s2  }
0x8f: {  	_ = 	snop  }
0x90: {  	s2 =	sld [smem:$0x3FC7];
	(tm) =	ssettm $0x1  }
0x91: {  	s18 =	sld [smem:$0x3FFB];
	_ =	sdelay $0x3  }
0x92: {  	_ =	strace s18  }
0x93: {  	s3 =	sld [smem:$0x3FFC];
	_ =	sdelay $0x3  }
0x94: {  	_ =	strace s3  }
0x95: {  	s3 =	sld [smem:$0x3FFD];
	_ =	sdelay $0x3  }
0x96: {  	_ =	strace s3  }
0x97: {  	_ =	strace $0x8FFFFFFF  }
0x98: {  	s19 =	sld [smem:$0x3FDB];
	_ =	sdelay $0x1  }
0x99: {  	s4 =	simm.s32 $_scs_section_size  }
0x9a: {  	s5 =	simm.s32 $_size__tile_overlayer_lowered;
	s6 =	simm.s32 $_tile_overlayer_lowered  }
0x9b: {  	s22 =	simm.s32 $0x1BFF;
	s21 =	sshll.u32 s6, $0x1;
	s3 =	sadd.s32 s4, s19  }
0x9c: {  	s7 =	simm.s32 $0x0;
	s20 =	sshll.u32 s5, $0x1;
	s5 =	sadd.s32 s21, s3  }
0x9d: {  	[timem:s7], [sflag:s22] =	dma.local [hbm:s5], s20  }
0x9e: {  	_ =	swait.ge [sflag:s22], s20  }
0x9f: {  	s4 =	ssub.s32 $0x0, s20;
	[sflag:s22] =	ssyncset.done $0x0  }
0xa0: {  	[sflag:s22] =	ssyncadd.s32 s4;
	_ =	sdelay $0x1  }
0xa1: {  	s23 =	simm.s32 $0x1B8B  }
0xa2: {  	_ =	swait.ge [sflag:s23], $0x1  }
0xa3: {  	[sflag:s23] =	ssyncset.done $0x0  }
0xa4: {  	s25 =	simm.s32 $0x1B8E;
	s24 =	sld [smem:$0x3FFE];
	[sflag:s23] =	ssyncadd.s32 $0xFFFFFFFF  }
0xa5: {  	s26 =	simm.s32 $execute0_lowered;
	[smem:$0x3FD2] =	sst s25  }
0xa6: {  	s5 =	sshll.u32 s26, $0x1;
	_ =	strace $0x80000049;
	[dreg:$0x1] =	wrdreg $0xFFFFFFFF  }
0xa7: {  	s28 =	simm.s32 $_size_execute0_lowered;
	s3 =	sadd.s32 s3, s5;
	[dreg:$0x0] =	wrdreg $0x0  }
0xa8: {  	s5 =	sshll.u32 s28, $0x1;
	[dreg:$0x2] =	wrdreg s3  }
0xa9: {  	[dreg:$0x3] =	wrdreg s5  }
0xaa: {  	[dreg:$0x4] =	wrdreg $0xC0  }
0xab: {  	_ =	task [dreg:s7], $0x5FFFF  }
0xac: {  	[dreg:$0x1] =	wrdreg $0xFFFFFFFF  }
0xad: {  	[dreg:$0x0] =	wrdreg $0x60  }
0xae: {  	[dreg:$0x2] =	wrdreg s2  }
0xaf: {  	[dreg:$0x3] =	wrdreg s24  }
0xb0: {  	[dreg:$0x4] =	wrdreg $0x9  }
0xb1: {  	_ =	task.clear_ibuf [dreg:s7], $0x5FFFF;
	_ =	strace $0x90000049  }
0xb2: {  	s29 =	simm.s32 $0x9;
	_ =	strace $0x8000004B  }
0xb3: {  	_ =	swait.ge [sflag:s29], $0x1  }
0xb4: {  	[sflag:s29] =	ssyncadd.s32 $0xFFFFFFFF  }
0xb5: {  	_ =	strace $0x9000004B  }
0xb6: {  	_ =	sfence  }
0xb7: {  	s30 =	sld [smem:$0x0];
	_ =	sdelay $0x2  }
0xb8: {  	s31 =	sshll.u32 s1, $0xD;
	s1 =	sshrl.u32 s1, $0x2  }
0xb9: {  	s3 =	sand.u32 $0x4000, s31;
	s1 =	sadd.s32 s1, s30  }
0xba: {  	s0 =	sor.u32 s3, s0;
	s1 =	sshll.u32 s1, $0x11  }
0xbb: {  	s0 =	sor.u32 s1, s0  }
0xbc: {  	s0 =	sadd.s32 $0x8F2B, s0  }
0xbd: {  	[sflag:s0] =	ssyncadd.remote.s32 $0x1  }
0xbe: {  	_ =	sfence.sel $0xFFFF  }
0xbf: {  	[dreg:$0x0] =	wrdreg $0xFFFFFFFF;
	(pc) =	sbr.abs _section_cstart, $3  }
0xc0: {  	[dreg:$0x1] =	wrdreg $0xFFFFFFFF  }
0xc1: {  	_ =	task.clear_ibuf [dreg:s7], $0x2FFFF;
	_ =	strace $0x9FFFFFFF  }
0xc2: {  	(tm) =	ssettm $0x7FFFFFFF  }
0xc3: {  	_ =	shalt  }
tec
execute0_lowered:
.L_overlay_start_1:
0x0: {  	(tag) =	ssettag $0x1  }
0x1: {  	s2 =	rddreg [dreg:$0x0];
	s1 =	srdreg.scid  }
0x2: {  	s0 =	stileid.u32;
	s4 =	rddreg [dreg:$0x1]  }
0x3: {  	s3 =	simm.s32 $0x0;
	s11 =	simm.s32 $0x900;
	s12 =	simm.s32 $0x1100  }
0x4: {  	s13 =	simm.s32 $0x1900;
	s14 =	simm.s32 $0x2100;
	s15 =	simm.s32 $0x2900  }
0x5: {  	s16 =	simm.s32 $0x3100;
	s17 =	simm.s32 $0x3900;
	s18 =	simm.s32 $0x4100  }
0x6: {  	s19 =	simm.s32 $0x4900;
	s20 =	simm.s32 $0x5100;
	s21 =	simm.s32 $0x5900  }
0x7: {  	s22 =	simm.s32 $0x6100;
	s23 =	simm.s32 $0x6900;
	s24 =	simm.s32 $0x7100  }
0x8: {  	s25 =	simm.s32 $0x7900;
	s5 =	sand.u32 $0x1, s1;
	s6 =	sshll.u32 s0, $0x1  }
0x9: {  	s26 =	simm.s32 $0x8100;
	s28 =	simm.s32 $0x8900;
	s6 =	sor.u32 s5, s6  }
0xa: {  	s29 =	simm.s32 $0x1;
	s1 =	rddreg [dreg:$0x2];
	s7 =	smul.u32 $0x1200, s6  }
0xb: {  	[smem:$0x7FF] =	sst s3;
	s30 =	ssub.s32 $0x2, s5;
	s6 =	smul.u32 $0x90, s6  }
0xc: {  	s8 =	sadd.s32 $0x4A00, s4;
	_ =	strace $0x8000004A;
	s5 =	sshrl.u32 s30, $0x1  }
0xd: {  	s10 =	ssub.s32 s30, s5;
	s9 =	sshrl.u32 s6, $0x3;
	s6 =	sadd.s32 $0x48, s6  }
0xe: {  	v2 =	vlaneseq.u32;
	s7 =	sadd.s32 s7, s4;
	s4 =	sadd.s32 s8, s9;
	s31 =	sshrl.u32 s6, $0x3  }
0xf: {  	vm0 =	vmmov $0xffff;
	v1 =	vshrl.u32 v2, $0x3;
	s6 =	sadd.s32 $0x4E00, s7;
	s7 =	smax.u32 s10, $0x1;
	s9 =	simm.s32 $0x80  }
0x10: {  	v0 =	vand.u32 $0x7, v2;
	v2 =	vor.u32 $0x8, v2;
	v1 =	vmul.u32 $0x8, v1;
	s10 =	simm.s32 $0x100;
	s5 =	sadd.s32 s8, s31;
	s8 =	simm.s32 $0x2  }
.LBB2_1:
0x11: {  	[tilespmem:s3], [sflag:$0x2] =	stream.linear.gather [hbm4b:s4+s3], $0x48, $0x38;
	[tilespmem:$0x9100] =	vst v63  }
0x12: {  	_ =	swait.ge [sflag:s8], $0x48  }
0x13: {  	[sflag:s8] =	ssyncset.done $0x0  }
0x14: {  	[sflag:s8] =	ssyncadd.s32 $0xFFFFFFB8  }
0x15: {  	[tilespmem:s9], [sflag:$0x2] =	stream.linear.gather [hbm4b:s5+s3], $0x48, $0x38;
	[tilespmem:$0x9100] =	vst v63  }
0x16: {  	_ =	swait.ge [sflag:s8], $0x48  }
0x17: {  	[sflag:s8] =	ssyncset.done $0x0  }
0x18: {  	[sflag:s8] =	ssyncadd.s32 $0xFFFFFFB8  }
0x19: {  	v3 =	vld [tilespmem:$0x0];
	_ =	sdelay $0x4  }
0x1a: {  	v4 =	vshll.u32 v3, $0x1  }
0x1b: {  	v3 =	vand.u32 $0x7, v3;
	v4 =	vand.u32 $0xFFFFFFF0, v4  }
0x1c: {  	v3 =	vor.u32 v3, v4  }
0x1d: {  	v4 =	vperm.xlane v3, v0;
	_ =	sdelay $0x1  }
0x1e: {  	v3 =	vperm.xlane v3, v2;
	v4 =	vadd.s32 v1, v4;
	_ =	sdelay $0x1  }
0x1f: {  	v3 =	vadd.s32 v1, v3;
	_ =	sdelay $0x2  }
0x20: {  	[tilespmem:s10], [sflag:$0x1] =	stream.indirect_vreg.gather [hbm4b:s2+s3], $0x80, v4, vm0, $0xb8;
	[tilespmem:$0x9100] =	vst v63  }
0x21: {  	_ = 	snop  }
0x22: {  	[tilespmem:s11], [sflag:$0x1] =	stream.indirect_vreg.gather [hbm4b:s2+s3], $0x80, v3, vm0, $0xb8;
	[tilespmem:$0x9100] =	vst v63  }
0x23: {  	v3 =	vld [tilespmem:$0x10];
	_ =	sdelay $0x4  }
0x24: {  	v55 =	vshll.u32 v3, $0x1  }
0x25: {  	v3 =	vand.u32 $0x7, v3;
	v4 =	vand.u32 $0xFFFFFFF0, v55  }
0x26: {  	v3 =	vor.u32 v3, v4  }
0x27: {  	v4 =	vperm.xlane v3, v0;
	_ =	sdelay $0x1  }
0x28: {  	v3 =	vperm.xlane v3, v2;
	v4 =	vadd.s32 v1, v4;
	_ =	sdelay $0x1  }
0x29: {  	v3 =	vadd.s32 v1, v3;
	_ =	sdelay $0x2  }
0x2a: {  	[tilespmem:s12], [sflag:$0x1] =	stream.indirect_vreg.gather [hbm4b:s2+s3], $0x80, v4, vm0, $0xb8;
	[tilespmem:$0x9100] =	vst v63  }
0x2b: {  	_ = 	snop  }
0x2c: {  	[tilespmem:s13], [sflag:$0x1] =	stream.indirect_vreg.gather [hbm4b:s2+s3], $0x80, v3, vm0, $0xb8;
	[tilespmem:$0x9100] =	vst v63  }
0x2d: {  	v3 =	vld [tilespmem:$0x20];
	_ =	sdelay $0x4  }
0x2e: {  	v56 =	vshll.u32 v3, $0x1  }
0x2f: {  	v3 =	vand.u32 $0x7, v3;
	v4 =	vand.u32 $0xFFFFFFF0, v56  }
0x30: {  	v3 =	vor.u32 v3, v4  }
0x31: {  	v4 =	vperm.xlane v3, v0;
	_ =	sdelay $0x1  }
0x32: {  	v3 =	vperm.xlane v3, v2;
	v4 =	vadd.s32 v1, v4;
	_ =	sdelay $0x1  }
0x33: {  	v3 =	vadd.s32 v1, v3;
	_ =	sdelay $0x2  }
0x34: {  	[tilespmem:s14], [sflag:$0x1] =	stream.indirect_vreg.gather [hbm4b:s2+s3], $0x80, v4, vm0, $0xb8;
	[tilespmem:$0x9100] =	vst v63  }
0x35: {  	_ = 	snop  }
0x36: {  	[tilespmem:s15], [sflag:$0x1] =	stream.indirect_vreg.gather [hbm4b:s2+s3], $0x80, v3, vm0, $0xb8;
	[tilespmem:$0x9100] =	vst v63  }
0x37: {  	v3 =	vld [tilespmem:$0x30];
	_ =	sdelay $0x4  }
0x38: {  	v57 =	vshll.u32 v3, $0x1  }
0x39: {  	v3 =	vand.u32 $0x7, v3;
	v4 =	vand.u32 $0xFFFFFFF0, v57  }
0x3a: {  	v3 =	vor.u32 v3, v4  }
0x3b: {  	v4 =	vperm.xlane v3, v0;
	_ =	sdelay $0x1  }
0x3c: {  	v3 =	vperm.xlane v3, v2;
	v4 =	vadd.s32 v1, v4;
	_ =	sdelay $0x1  }
0x3d: {  	v3 =	vadd.s32 v1, v3;
	_ =	sdelay $0x2  }
0x3e: {  	[tilespmem:s16], [sflag:$0x1] =	stream.indirect_vreg.gather [hbm4b:s2+s3], $0x80, v4, vm0, $0xb8;
	[tilespmem:$0x9100] =	vst v63  }
0x3f: {  	_ = 	snop  }
0x40: {  	[tilespmem:s17], [sflag:$0x1] =	stream.indirect_vreg.gather [hbm4b:s2+s3], $0x80, v3, vm0, $0xb8;
	[tilespmem:$0x9100] =	vst v63  }
0x41: {  	v3 =	vld.msk [tilespmem:$0x40], $0xff;
	_ =	sdelay $0x4  }
0x42: {  	v58 =	vshll.u32 v3, $0x1  }
0x43: {  	v3 =	vand.u32 $0x7, v3;
	v4 =	vand.u32 $0xFFFFFFF0, v58  }
0x44: {  	v3 =	vor.u32 v3, v4  }
0x45: {  	v3 =	vperm.xlane v3, v0;
	_ =	sdelay $0x1  }
0x46: {  	v3 =	vadd.s32 v1, v3;
	_ =	sdelay $0x4  }
0x47: {  	[tilespmem:s18], [sflag:$0x1] =	stream.indirect_vreg.gather [hbm4b:s2+s3], $0x80, v3, vm0, $0xb8;
	[tilespmem:$0x9100] =	vst v63  }
0x48: {  	v3 =	vld [tilespmem:$0x80];
	_ =	sdelay $0x4  }
0x49: {  	v59 =	vshll.u32 v3, $0x1  }
0x4a: {  	v3 =	vand.u32 $0x7, v3;
	v4 =	vand.u32 $0xFFFFFFF0, v59  }
0x4b: {  	v3 =	vor.u32 v3, v4  }
0x4c: {  	v4 =	vperm.xlane v3, v0;
	_ =	sdelay $0x1  }
0x4d: {  	v3 =	vperm.xlane v3, v2;
	v4 =	vadd.s32 v1, v4;
	_ =	sdelay $0x1  }
0x4e: {  	v3 =	vadd.s32 v1, v3;
	_ =	sdelay $0x2  }
0x4f: {  	[tilespmem:s19], [sflag:$0x1] =	stream.indirect_vreg.gather [hbm4b:s2+s3], $0x80, v4, vm0, $0xb8;
	[tilespmem:$0x9100] =	vst v63  }
0x50: {  	_ = 	snop  }
0x51: {  	[tilespmem:s20], [sflag:$0x1] =	stream.indirect_vreg.gather [hbm4b:s2+s3], $0x80, v3, vm0, $0xb8;
	[tilespmem:$0x9100] =	vst v63  }
0x52: {  	v3 =	vld [tilespmem:$0x90];
	_ =	sdelay $0x4  }
0x53: {  	v60 =	vshll.u32 v3, $0x1  }
0x54: {  	v3 =	vand.u32 $0x7, v3;
	v4 =	vand.u32 $0xFFFFFFF0, v60  }
0x55: {  	v3 =	vor.u32 v3, v4  }
0x56: {  	v4 =	vperm.xlane v3, v0;
	_ =	sdelay $0x1  }
0x57: {  	v3 =	vperm.xlane v3, v2;
	v4 =	vadd.s32 v1, v4;
	_ =	sdelay $0x1  }
0x58: {  	v3 =	vadd.s32 v1, v3;
	_ =	sdelay $0x2  }
0x59: {  	[tilespmem:s21], [sflag:$0x1] =	stream.indirect_vreg.gather [hbm4b:s2+s3], $0x80, v4, vm0, $0xb8;
	[tilespmem:$0x9100] =	vst v63  }
0x5a: {  	_ = 	snop  }
0x5b: {  	[tilespmem:s22], [sflag:$0x1] =	stream.indirect_vreg.gather [hbm4b:s2+s3], $0x80, v3, vm0, $0xb8;
	[tilespmem:$0x9100] =	vst v63  }
0x5c: {  	v3 =	vld [tilespmem:$0xA0];
	_ =	sdelay $0x4  }
0x5d: {  	v61 =	vshll.u32 v3, $0x1  }
0x5e: {  	v3 =	vand.u32 $0x7, v3;
	v4 =	vand.u32 $0xFFFFFFF0, v61  }
0x5f: {  	v3 =	vor.u32 v3, v4  }
0x60: {  	v4 =	vperm.xlane v3, v0;
	_ =	sdelay $0x1  }
0x61: {  	v3 =	vperm.xlane v3, v2;
	v4 =	vadd.s32 v1, v4;
	_ =	sdelay $0x1  }
0x62: {  	v3 =	vadd.s32 v1, v3;
	_ =	sdelay $0x2  }
0x63: {  	[tilespmem:s23], [sflag:$0x1] =	stream.indirect_vreg.gather [hbm4b:s2+s3], $0x80, v4, vm0, $0xb8;
	[tilespmem:$0x9100] =	vst v63  }
0x64: {  	_ = 	snop  }
0x65: {  	[tilespmem:s24], [sflag:$0x1] =	stream.indirect_vreg.gather [hbm4b:s2+s3], $0x80, v3, vm0, $0xb8;
	[tilespmem:$0x9100] =	vst v63  }
0x66: {  	v3 =	vld [tilespmem:$0xB0];
	_ =	sdelay $0x4  }
0x67: {  	v62 =	vshll.u32 v3, $0x1  }
0x68: {  	v3 =	vand.u32 $0x7, v3;
	v4 =	vand.u32 $0xFFFFFFF0, v62  }
0x69: {  	v3 =	vor.u32 v3, v4  }
0x6a: {  	v4 =	vperm.xlane v3, v0;
	_ =	sdelay $0x1  }
0x6b: {  	v3 =	vperm.xlane v3, v2;
	v4 =	vadd.s32 v1, v4;
	_ =	sdelay $0x1  }
0x6c: {  	v3 =	vadd.s32 v1, v3;
	_ =	sdelay $0x2  }
0x6d: {  	[tilespmem:s25], [sflag:$0x1] =	stream.indirect_vreg.gather [hbm4b:s2+s3], $0x80, v4, vm0, $0xb8;
	[tilespmem:$0x9100] =	vst v63  }
0x6e: {  	_ = 	snop  }
0x6f: {  	[tilespmem:s26], [sflag:$0x1] =	stream.indirect_vreg.gather [hbm4b:s2+s3], $0x80, v3, vm0, $0xb8;
	[tilespmem:$0x9100] =	vst v63  }
0x70: {  	v3 =	vld.msk [tilespmem:$0xC0], $0xff;
	_ =	sdelay $0x4  }
0x71: {  	v63 =	vshll.u32 v3, $0x1  }
0x72: {  	v3 =	vand.u32 $0x7, v3;
	v4 =	vand.u32 $0xFFFFFFF0, v63  }
0x73: {  	v3 =	vor.u32 v3, v4  }
0x74: {  	v3 =	vperm.xlane v3, v0;
	_ =	sdelay $0x1  }
0x75: {  	v3 =	vadd.s32 v1, v3;
	_ =	sdelay $0x4  }
0x76: {  	[tilespmem:s28], [sflag:$0x1] =	stream.indirect_vreg.gather [hbm4b:s2+s3], $0x80, v3, vm0, $0xb8;
	[tilespmem:$0x9100] =	vst v63  }
0x77: {  	_ =	swait.ge [sflag:s29], $0x4800  }
0x78: {  	[sflag:s29] =	ssyncset.done $0x0  }
0x79: {  	[sflag:s29] =	ssyncadd.s32 $0xFFFFB800  }
0x7a: {  	_ =	swait.ge [sflag:s29], $0x4800  }
0x7b: {  	p0 =	sne.s32 s7, $0x1;
	[sflag:s29] =	ssyncset.done $0x0  }
.Ltmp0:
0x7c: {  	[sflag:s29] =	ssyncadd.s32 $0xFFFFB800;
	(pc) =	sbr.rel @p0 .LBB2_1-.Ltmp0, $4  }
0x7d: {  	[hbm4b:s6+s3] =	stream.linear.scatter [tilespmem:s10], [sflag:$0x2], $0x9000, $0x38;
	[tilespmem:$0x9100] =	vst v63  }
0x7e: {  	_ =	swait.ge [sflag:s8], $0x9000  }
0x7f: {  	[sflag:s8] =	ssyncset.done $0x0  }
0x80: {  	s7 =	sadd.s32 $0xFFFFFFFF, s7;
	[sflag:s8] =	ssyncadd.s32 $0xFFFF7000  }
0x81: {  	_ =	sfence.sel $0x180000  }
0x82: {  	[bflag:$0x0] =	sbarrier.arrive $0xFFFF  }
0x83: {  	p0 =	sne.s32 s0, $0x0;
	_ =	strace $0x9000004A  }
0x84: {  	s0 =	sadd.s32 @!p0 $0x100000, s1;
	[bflag:$0x2] =	sbarrier.arrive $0xFFFF  }
0x85: {  	[sflag:s0] =	ssyncadd.tile.s32 @!p0 $0x1;
	_ =	shalt  }
.Lfunc_end2:
_tile_overlayer_lowered:
.L_overlay_start_2:
0x86: {  	(tag) =	ssettag $0x2  }
0x87: {  	s0 =	rddreg [dreg:$0x0];
	s2 =	stileid.u32  }
0x88: {  	s1 =	rddreg [dreg:$0x1];
	p0 =	sne.s32 s2, $0x0  }
0x89: {  	s3 =	rddreg [dreg:$0x2];
	[bflag:$0x3] =	sbarrier.arrive $0xFFFF;
	s2 =	simm.s32 @!p0 $0x1C02  }
0x8a: {  	[timem:s3], [sflag:s2] =	dma.local @!p0 [hbm:s0], s1  }
0x8b: {  	s0 =	simm.s32 @!p0 $0x2  }
0x8c: {  	_ =	swait.ge @!p0 [sflag:s0], s1  }
0x8d: {  	s1 =	ssub.s32 @!p0 $0x0, s1;
	[sflag:s0] =	ssyncset.done @!p0 $0x0  }
0x8e: {  	[sflag:s0] =	ssyncadd.s32 @!p0 s1  }
0x8f: {  	[bflag:$0x3] =	sbarrier.arrive $0xFFFF  }
0x90: {  	_ =	shalt  }

// kernel: kernel.16.cloned.1.call-start
scs
__scs_entry_jumppad:
0x0: {  	(pc) =	sbr.rel $0x88, $3  }
0x1: {  	(tag) =	ssettag $0x0;
	lr =	simm.s32 $0x1  }
0x2: {  	[smem:$0x3F9D] =	sst lr;
	_ =	strace $0xD0000000  }
0x3: {  	_ = 	snop  }
0x4: {  	_ = 	snop  }
0x5: {  	_ = 	snop  }
0x6: {  	_ = 	snop  }
0x7: {  	_ = 	snop  }
__scs_overlays_trampoline_lowered:
0x8: {  	[smem:$0x3FAC] =	sst s0  }
0x9: {  	[smem:$0x3FAD] =	sst s1  }
0xa: {  	[smem:$0x3FAE] =	sst s2  }
0xb: {  	[smem:$0x3FAF] =	sst s3  }
0xc: {  	[smem:$0x3FB0] =	sst s4  }
0xd: {  	[smem:$0x3FB1] =	sst s5  }
0xe: {  	[smem:$0x3FB2] =	sst s6  }
0xf: {  	[smem:$0x3FB3] =	sst s7  }
0x10: {  	[smem:$0x3FB4] =	sst s8  }
0x11: {  	[smem:$0x3FB5] =	sst s9;
	s0 =	simm.s32 @!p0 $0x0  }
0x12: {  	s1 =	sld [smem:$0x3F9B];
	s0 =	simm.s32 @p0 $0x1  }
0x13: {  	[smem:$0x3FB6] =	sst s0;
	s0 =	simm.s32 @!p1 $0x0  }
0x14: {  	s2 =	sld [smem:$0x3F9A];
	s0 =	simm.s32 @p1 $0x1  }
0x15: {  	[smem:$0x3FB7] =	sst s0;
	s0 =	simm.s32 @!p2 $0x0  }
0x16: {  	s3 =	sld [smem:$0x3FDB];
	s0 =	simm.s32 @p2 $0x1  }
0x17: {  	s4 =	simm.s32 $0x1BF5;
	[smem:$0x3FB9] =	sst s0  }
0x18: {  	s0 =	sld [smem:$0x3F9C];
	_ =	swait.ge [sflag:s4], $0x0  }
0x19: {  	s7 =	sld [smem:$0x3F9D]  }
0x1a: {  	s8 =	sadd.s32 $0xFFFFE003, lr  }
0x1b: {  	s9 =	sadd.s32 $0xFFFFFEF7, lr;
	s5 =	simm.s32 $0xFFFFFFFF;
	p2 =	slt.u32 s8, $0xFFFFF086  }
0x1c: {  	p1 =	slt.u32 s9, $0xF7A;
	s5 =	simm.s32 @!p2 $0x0  }
0x1d: {  	s5 =	simm.s32 @p1 $0x1;
	p0 =	seq.s32 s7, s2  }
0x1e: {  	s7 =	smul.u32 @!p0 $0xF7A, s2;
	p2 =	seq.s32 @!p0 s5, $0x0  }
0x1f: {  	s9 =	smul.u32 $0xF7A, s1;
	s8 =	simm.s32 @!p0 $0x1BF5;
	p2 =	por !p2, p0  }
0x20: {  	[sflag:s8] =	ssyncset.s32 @!p0 $0xFFFFF086;
	s6 =	sadd.s32 @!p0 s3, s7;
	s7 =	simm.s32 @!p0 $0x108  }
0x21: {  	s3 =	sadd.s32 s3, s9;
	s6 =	sadd.s32 @!p0 $0x88, s6;
	s7 =	simm.s32 @p2 $0x1082  }
0x22: {  	[simem:s7], [sflag:s8] =	dma.local @!p0 [hbm:s6], $0xF7A  }
0x23: {  	s9 =	sor.u32 $0xD0000000, s2;
	s6 =	simm.s32 $0x108;
	_ =	swait.ge @!p0 [sflag:s8], $0x0  }
0x24: {  	s3 =	sadd.s32 $0x88, s3;
	s6 =	simm.s32 @!p1 $0x1082;
	[sflag:s4] =	ssyncset.s32 $0xFFFFF086  }
0x25: {  	[simem:s6], [sflag:s4] =	dma.local [hbm:s3], $0xF7A  }
0x26: {  	[smem:$0x3F9D] =	sst s1;
	(tag) =	ssettag s2;
	_ =	strace s9  }
0x27: {  	s1 =	sld [smem:$0x3FAD]  }
0x28: {  	s2 =	sld [smem:$0x3FAE]  }
0x29: {  	s4 =	sld [smem:$0x3FB0]  }
0x2a: {  	p0 =	seq.s32 s5, $0x0;
	s5 =	sld [smem:$0x3FB1]  }
0x2b: {  	s6 =	sld [smem:$0x3FB2]  }
0x2c: {  	s7 =	sld [smem:$0x3FB3]  }
0x2d: {  	s3 =	simm.s32 $0x108;
	s8 =	sld [smem:$0x3FB4]  }
0x2e: {  	s3 =	simm.s32 @!p0 $0x1082;
	s9 =	sld [smem:$0x3FB5]  }
0x2f: {  	lr =	sadd.s32 s0, s3;
	s0 =	sld [smem:$0x3FAC]  }
0x30: {  	s3 =	sld [smem:$0x3FAF]  }
0x31: {  	[smem:$0x3FB8] =	sst s10  }
0x32: {  	s10 =	sld [smem:$0x3FB6];
	_ =	sdelay $0x3  }
0x33: {  	p0 =	seq.s32 s10, $0x1;
	s10 =	sld [smem:$0x3FB8];
	_ =	sdelay $0x3  }
0x34: {  	[smem:$0x3FB8] =	sst s10  }
0x35: {  	s10 =	sld [smem:$0x3FB7];
	_ =	sdelay $0x3  }
0x36: {  	p1 =	seq.s32 s10, $0x1;
	s10 =	sld [smem:$0x3FB8];
	_ =	sdelay $0x3  }
0x37: {  	[smem:$0x3FB8] =	sst s10  }
0x38: {  	s10 =	sld [smem:$0x3FB9]  }
0x39: {  	_ = 	snop;
	(pc) =	sbr.ind lr, $3  }
0x3a: {  	_ = 	snop  }
0x3b: {  	_ = 	snop  }
0x3c: {  	p2 =	seq.s32 s10, $0x1;
	s10 =	sld [smem:$0x3FB8]  }
0x3d: {  	_ =	shalt  }
0x3e: {  	_ =	shalt  }
0x3f: {  	_ =	shalt  }
0x40: {  	_ =	shalt  }
0x41: {  	_ =	shalt  }
0x42: {  	_ =	shalt  }
0x43: {  	_ =	shalt  }
0x44: {  	_ =	shalt  }
0x45: {  	_ =	shalt  }
0x46: {  	_ =	shalt  }
0x47: {  	_ =	shalt  }
0x48: {  	_ =	shalt  }
0x49: {  	_ =	shalt  }
0x4a: {  	_ =	shalt  }
0x4b: {  	_ =	shalt  }
0x4c: {  	_ =	shalt  }
0x4d: {  	_ =	shalt  }
0x4e: {  	_ =	shalt  }
0x4f: {  	_ =	shalt  }
0x50: {  	_ =	shalt  }
0x51: {  	_ =	shalt  }
0x52: {  	_ =	shalt  }
0x53: {  	_ =	shalt  }
0x54: {  	_ =	shalt  }
0x55: {  	_ =	shalt  }
0x56: {  	_ =	shalt  }
0x57: {  	_ =	shalt  }
0x58: {  	_ =	shalt  }
0x59: {  	_ =	shalt  }
0x5a: {  	_ =	shalt  }
0x5b: {  	_ =	shalt  }
0x5c: {  	_ =	shalt  }
0x5d: {  	_ =	shalt  }
0x5e: {  	_ =	shalt  }
0x5f: {  	_ =	shalt  }
0x60: {  	_ =	shalt  }
0x61: {  	_ =	shalt  }
0x62: {  	_ =	shalt  }
0x63: {  	_ =	shalt  }
0x64: {  	_ =	shalt  }
0x65: {  	_ =	shalt  }
0x66: {  	_ =	shalt  }
0x67: {  	_ =	shalt  }
0x68: {  	_ =	shalt  }
0x69: {  	_ =	shalt  }
0x6a: {  	_ =	shalt  }
0x6b: {  	_ =	shalt  }
0x6c: {  	_ =	shalt  }
0x6d: {  	_ =	shalt  }
0x6e: {  	_ =	shalt  }
0x6f: {  	_ =	shalt  }
0x70: {  	_ =	shalt  }
0x71: {  	_ =	shalt  }
0x72: {  	_ =	shalt  }
0x73: {  	_ =	shalt  }
0x74: {  	_ =	shalt  }
0x75: {  	_ =	shalt  }
0x76: {  	_ =	shalt  }
0x77: {  	_ =	shalt  }
0x78: {  	_ =	shalt  }
0x79: {  	_ =	shalt  }
0x7a: {  	_ =	shalt  }
0x7b: {  	_ =	shalt  }
0x7c: {  	_ =	shalt  }
0x7d: {  	_ =	shalt  }
0x7e: {  	_ =	shalt  }
0x7f: {  	_ =	shalt  }
0x80: {  	_ =	shalt  }
0x81: {  	_ =	shalt  }
0x82: {  	_ =	shalt  }
0x83: {  	_ =	shalt  }
0x84: {  	_ =	shalt  }
0x85: {  	_ =	shalt  }
0x86: {  	_ =	shalt  }
0x87: {  	_ =	shalt  }
.Lfunc_end0:
.L_simem_size_0:
called_computation.2_lowered:
.L_overlay_start_0:
0x88: {  	s2 =	sld [smem:$0x3FD9]  }
0x89: {  	s3 =	sld [smem:$0x3FFE];
	_ =	sdelay $0x1  }
0x8a: {  	s1 =	srdreg.scid  }
0x8b: {  	s0 =	sand.u32 $0x1, s1  }
0x8c: {  	s14 =	sshll.u32 s0, $0xA;
	s2 =	sadd.s32 s3, s2  }
0x8d: {  	s2 =	sadd.s32 s2, s14  }
0x8e: {  	[smem:$0x3FC4] =	sst s2  }
0x8f: {  	_ = 	snop  }
0x90: {  	s2 =	sld [smem:$0x3FD0];
	_ =	sdelay $0x2  }
0x91: {  	s4 =	simm.s32 $0xA;
	s5 =	simm.s32 $0x10;
	s15 =	sld [smem:$0x3FC6]  }
0x92: {  	[smem:s5], [sflag:s4] =	dma.local [hbm:s2], $0x1  }
0x93: {  	_ =	swait.eq [sflag:s4], $0x1  }
0x94: {  	[sflag:s4] =	ssyncset.done $0x0  }
0x95: {  	[sflag:s4] =	ssyncadd.s32 $0xFFFFFFFF  }
0x96: {  	s16 =	sld [smem:$0x11];
	(tm) =	ssettm $0x1  }
0x97: {  	s17 =	sld [smem:$0x3FFB];
	_ =	sdelay $0x3  }
0x98: {  	_ =	strace s17  }
0x99: {  	s4 =	sld [smem:$0x3FFC];
	_ =	sdelay $0x3  }
0x9a: {  	_ =	strace s4  }
0x9b: {  	s4 =	sld [smem:$0x3FFD];
	_ =	sdelay $0x3  }
0x9c: {  	_ =	strace s4  }
0x9d: {  	_ =	strace $0x8FFFFFFF  }
0x9e: {  	s18 =	sld [smem:$0x3FDB];
	_ =	sdelay $0x1  }
0x9f: {  	s19 =	simm.s32 $_scs_section_size  }
0xa0: {  	s6 =	simm.s32 $_size__tile_overlayer_lowered;
	s7 =	simm.s32 $_tile_overlayer_lowered  }
0xa1: {  	s22 =	simm.s32 $0x1BFF;
	s21 =	sshll.u32 s7, $0x1;
	s4 =	sadd.s32 s19, s18  }
0xa2: {  	s8 =	simm.s32 $0x0;
	s20 =	sshll.u32 s6, $0x1;
	s6 =	sadd.s32 s21, s4  }
0xa3: {  	[timem:s8], [sflag:s22] =	dma.local [hbm:s6], s20  }
0xa4: {  	_ =	swait.ge [sflag:s22], s20  }
0xa5: {  	s5 =	ssub.s32 $0x0, s20;
	[sflag:s22] =	ssyncset.done $0x0  }
0xa6: {  	[sflag:s22] =	ssyncadd.s32 s5;
	_ =	sdelay $0x1  }
0xa7: {  	s23 =	simm.s32 $0x1B8B  }
0xa8: {  	_ =	swait.ge [sflag:s23], $0x1  }
0xa9: {  	[sflag:s23] =	ssyncset.done $0x0  }
0xaa: {  	s25 =	simm.s32 $0x1B8E;
	s24 =	sld [smem:$0x3FFE];
	[sflag:s23] =	ssyncadd.s32 $0xFFFFFFFF  }
0xab: {  	s26 =	simm.s32 $execute0_lowered;
	[smem:$0x3FD2] =	sst s25  }
0xac: {  	s6 =	sshll.u32 s26, $0x1;
	_ =	strace $0x8000004C;
	[dreg:$0x1] =	wrdreg $0xFFFFFFFF  }
0xad: {  	s28 =	simm.s32 $_size_execute0_lowered;
	s4 =	sadd.s32 s4, s6;
	[dreg:$0x0] =	wrdreg $0x0  }
0xae: {  	s6 =	sshll.u32 s28, $0x1;
	[dreg:$0x2] =	wrdreg s4  }
0xaf: {  	[dreg:$0x3] =	wrdreg s6  }
0xb0: {  	[dreg:$0x4] =	wrdreg $0xC0  }
0xb1: {  	_ =	task [dreg:s8], $0x5FFFF  }
0xb2: {  	[dreg:$0x1] =	wrdreg $0xFFFFFFFF  }
0xb3: {  	[dreg:$0x0] =	wrdreg $0x60  }
0xb4: {  	[dreg:$0x2] =	wrdreg s15  }
0xb5: {  	[dreg:$0x3] =	wrdreg s24  }
0xb6: {  	[dreg:$0x4] =	wrdreg s16  }
0xb7: {  	[dreg:$0x5] =	wrdreg $0x9  }
0xb8: {  	_ =	task.clear_ibuf [dreg:s8], $0x6FFFF;
	_ =	strace $0x9000004C  }
0xb9: {  	s29 =	simm.s32 $0x9;
	_ =	strace $0x8000004E  }
0xba: {  	_ =	swait.ge [sflag:s29], $0x1  }
0xbb: {  	[sflag:s29] =	ssyncadd.s32 $0xFFFFFFFF  }
0xbc: {  	_ =	strace $0x9000004E  }
0xbd: {  	_ =	sfence  }
0xbe: {  	s30 =	sld [smem:$0x0];
	_ =	sdelay $0x2  }
0xbf: {  	s31 =	sshll.u32 s1, $0xD;
	s1 =	sshrl.u32 s1, $0x2  }
0xc0: {  	s3 =	sand.u32 $0x4000, s31;
	s1 =	sadd.s32 s1, s30  }
0xc1: {  	s0 =	sor.u32 s3, s0;
	s1 =	sshll.u32 s1, $0x11  }
0xc2: {  	s0 =	sor.u32 s1, s0  }
0xc3: {  	s0 =	sadd.s32 $0x8F2B, s0  }
0xc4: {  	[sflag:s0] =	ssyncadd.remote.s32 $0x1  }
0xc5: {  	_ =	sfence.sel $0xFFFF  }
0xc6: {  	[dreg:$0x0] =	wrdreg $0xFFFFFFFF;
	(pc) =	sbr.abs _section_cstart, $3  }
0xc7: {  	[dreg:$0x1] =	wrdreg $0xFFFFFFFF  }
0xc8: {  	_ =	task.clear_ibuf [dreg:s8], $0x2FFFF;
	_ =	strace $0x9FFFFFFF  }
0xc9: {  	(tm) =	ssettm $0x7FFFFFFF  }
tec
execute0_lowered:
.L_overlay_start_1:
0x0: {  	(tag) =	ssettag $0x1  }
0x1: {  	s1 =	rddreg [dreg:$0x0]  }
0x2: {  	s0 =	rddreg [dreg:$0x1];
	s2 =	srdreg.scid  }
0x3: {  	s3 =	stileid.u32;
	s7 =	rddreg [dreg:$0x2];
	s11 =	simm.s32 $0x100  }
0x4: {  	s15 =	simm.s32 $0x2100;
	s16 =	simm.s32 $0x2900;
	s17 =	simm.s32 $0x3100  }
0x5: {  	s18 =	simm.s32 $0x3900;
	s19 =	simm.s32 $0x4100;
	s20 =	simm.s32 $0x4900  }
0x6: {  	s21 =	simm.s32 $0x5100;
	s22 =	simm.s32 $0x5900;
	s23 =	simm.s32 $0x6100  }
0x7: {  	s24 =	simm.s32 $0x6900;
	s25 =	simm.s32 $0x7100;
	s28 =	simm.s32 $0x8100  }
0x8: {  	s29 =	simm.s32 $0x8900;
	s2 =	sand.u32 $0x1, s2;
	s4 =	sshll.u32 s3, $0x1  }
0x9: {  	s30 =	simm.s32 $0x9100;
	s31 =	simm.s32 $0x1;
	s4 =	sor.u32 s2, s4  }
0xa: {  	s3 =	simm.s32 $0x0;
	s2 =	ssub.s32 $0x2, s2;
	s8 =	smul.u32 $0x1200, s4  }
0xb: {  	[smem:$0x7FF] =	sst s3;
	s4 =	smul.u32 $0x90, s4;
	s6 =	sshrl.u32 s2, $0x1  }
0xc: {  	s5 =	sadd.s32 $0x28E00, s0;
	_ =	strace $0x8000004D;
	s2 =	ssub.s32 s2, s6  }
0xd: {  	s0 =	sadd.s32 s8, s0;
	s9 =	sshrl.u32 s4, $0x3;
	s10 =	sadd.s32 $0x48, s4  }
0xe: {  	v2 =	vlaneseq.u32;
	s7 =	sadd.s32 s7, s8;
	s8 =	smax.u32 s2, $0x1;
	s2 =	simm.s32 $0x0  }
0xf: {  	vm0 =	vmmov $0xffff;
	v1 =	vshrl.u32 v2, $0x3;
	s4 =	sadd.s32 s5, s9;
	s26 =	sshrl.u32 s10, $0x3;
	s6 =	sadd.s32 $0x4E00, s0  }
0x10: {  	v0 =	vand.u32 $0x7, v2;
	v2 =	vor.u32 $0x8, v2;
	v1 =	vmul.u32 $0x8, v1;
	s9 =	simm.s32 $0x2;
	s5 =	sadd.s32 s5, s26;
	s26 =	simm.s32 $0x7900  }
.LBB2_1:
0x11: {  	[tilespmem:s3], [sflag:$0x2] =	stream.linear.gather [hbm4b:s4+s3], $0x48, $0x38;
	[tilespmem:$0x12100] =	vst v63  }
0x12: {  	_ =	swait.ge [sflag:s9], $0x48  }
0x13: {  	[sflag:s9] =	ssyncset.done $0x0  }
0x14: {  	s0 =	simm.s32 $0x80;
	[sflag:s9] =	ssyncadd.s32 $0xFFFFFFB8  }
0x15: {  	[tilespmem:s0], [sflag:$0x2] =	stream.linear.gather [hbm4b:s5+s3], $0x48, $0x38;
	[tilespmem:$0x12100] =	vst v63  }
0x16: {  	_ =	swait.ge [sflag:s9], $0x48  }
0x17: {  	[sflag:s9] =	ssyncset.done $0x0  }
0x18: {  	[sflag:s9] =	ssyncadd.s32 $0xFFFFFFB8  }
0x19: {  	v3 =	vld [tilespmem:$0x0];
	_ =	sdelay $0x4  }
0x1a: {  	v4 =	vshll.u32 v3, $0x1  }
0x1b: {  	v3 =	vand.u32 $0x7, v3;
	v4 =	vand.u32 $0xFFFFFFF0, v4  }
0x1c: {  	v3 =	vor.u32 v3, v4  }
0x1d: {  	v4 =	vperm.xlane v3, v0;
	_ =	sdelay $0x1  }
0x1e: {  	v3 =	vperm.xlane v3, v2;
	v4 =	vadd.s32 v1, v4;
	_ =	sdelay $0x1  }
0x1f: {  	v3 =	vadd.s32 v1, v3;
	_ =	sdelay $0x2  }
0x20: {  	[tilespmem:s11], [sflag:$0x1] =	stream.indirect_vreg.gather [hbm4b:s1+s3], $0x80, v4, vm0, $0xb8;
	[tilespmem:$0x12100] =	vst v63  }
0x21: {  	s10 =	simm.s32 $0x900  }
0x22: {  	[tilespmem:s10], [sflag:$0x1] =	stream.indirect_vreg.gather [hbm4b:s1+s3], $0x80, v3, vm0, $0xb8;
	[tilespmem:$0x12100] =	vst v63  }
0x23: {  	v3 =	vld [tilespmem:$0x10];
	_ =	sdelay $0x4  }
0x24: {  	v4 =	vshll.u32 v3, $0x1  }
0x25: {  	v3 =	vand.u32 $0x7, v3;
	v4 =	vand.u32 $0xFFFFFFF0, v4  }
0x26: {  	v3 =	vor.u32 v3, v4  }
0x27: {  	v4 =	vperm.xlane v3, v0;
	_ =	sdelay $0x1  }
0x28: {  	v3 =	vperm.xlane v3, v2;
	v4 =	vadd.s32 v1, v4;
	_ =	sdelay $0x1  }
0x29: {  	v3 =	vadd.s32 v1, v3;
	_ =	sdelay $0x1  }
0x2a: {  	s12 =	simm.s32 $0x1100  }
0x2b: {  	[tilespmem:s12], [sflag:$0x1] =	stream.indirect_vreg.gather [hbm4b:s1+s3], $0x80, v4, vm0, $0xb8;
	[tilespmem:$0x12100] =	vst v63  }
0x2c: {  	s13 =	simm.s32 $0x1900  }
0x2d: {  	[tilespmem:s13], [sflag:$0x1] =	stream.indirect_vreg.gather [hbm4b:s1+s3], $0x80, v3, vm0, $0xb8;
	[tilespmem:$0x12100] =	vst v63  }
0x2e: {  	v3 =	vld [tilespmem:$0x20];
	_ =	sdelay $0x4  }
0x2f: {  	v4 =	vshll.u32 v3, $0x1  }
0x30: {  	v3 =	vand.u32 $0x7, v3;
	v4 =	vand.u32 $0xFFFFFFF0, v4  }
0x31: {  	v3 =	vor.u32 v3, v4  }
0x32: {  	v4 =	vperm.xlane v3, v0;
	_ =	sdelay $0x1  }
0x33: {  	v3 =	vperm.xlane v3, v2;
	v4 =	vadd.s32 v1, v4;
	_ =	sdelay $0x1  }
0x34: {  	v3 =	vadd.s32 v1, v3;
	_ =	sdelay $0x2  }
0x35: {  	[tilespmem:s15], [sflag:$0x1] =	stream.indirect_vreg.gather [hbm4b:s1+s3], $0x80, v4, vm0, $0xb8;
	[tilespmem:$0x12100] =	vst v63  }
0x36: {  	_ = 	snop  }
0x37: {  	[tilespmem:s16], [sflag:$0x1] =	stream.indirect_vreg.gather [hbm4b:s1+s3], $0x80, v3, vm0, $0xb8;
	[tilespmem:$0x12100] =	vst v63  }
0x38: {  	v3 =	vld [tilespmem:$0x30];
	_ =	sdelay $0x4  }
0x39: {  	v4 =	vshll.u32 v3, $0x1  }
0x3a: {  	v3 =	vand.u32 $0x7, v3;
	v4 =	vand.u32 $0xFFFFFFF0, v4  }
0x3b: {  	v3 =	vor.u32 v3, v4  }
0x3c: {  	v4 =	vperm.xlane v3, v0;
	_ =	sdelay $0x1  }
0x3d: {  	v3 =	vperm.xlane v3, v2;
	v4 =	vadd.s32 v1, v4;
	_ =	sdelay $0x1  }
0x3e: {  	v3 =	vadd.s32 v1, v3;
	_ =	sdelay $0x2  }
0x3f: {  	[tilespmem:s17], [sflag:$0x1] =	stream.indirect_vreg.gather [hbm4b:s1+s3], $0x80, v4, vm0, $0xb8;
	[tilespmem:$0x12100] =	vst v63  }
0x40: {  	_ = 	snop  }
0x41: {  	[tilespmem:s18], [sflag:$0x1] =	stream.indirect_vreg.gather [hbm4b:s1+s3], $0x80, v3, vm0, $0xb8;
	[tilespmem:$0x12100] =	vst v63  }
0x42: {  	v3 =	vld.msk [tilespmem:$0x40], $0xff;
	_ =	sdelay $0x4  }
0x43: {  	v4 =	vshll.u32 v3, $0x1  }
0x44: {  	v3 =	vand.u32 $0x7, v3;
	v4 =	vand.u32 $0xFFFFFFF0, v4  }
0x45: {  	v3 =	vor.u32 v3, v4  }
0x46: {  	v3 =	vperm.xlane v3, v0;
	_ =	sdelay $0x1  }
0x47: {  	v3 =	vadd.s32 v1, v3;
	_ =	sdelay $0x4  }
0x48: {  	[tilespmem:s19], [sflag:$0x1] =	stream.indirect_vreg.gather [hbm4b:s1+s3], $0x80, v3, vm0, $0xb8;
	[tilespmem:$0x12100] =	vst v63  }
0x49: {  	v3 =	vld [tilespmem:$0x80];
	_ =	sdelay $0x4  }
0x4a: {  	v4 =	vshll.u32 v3, $0x1  }
0x4b: {  	v3 =	vand.u32 $0x7, v3;
	v4 =	vand.u32 $0xFFFFFFF0, v4  }
0x4c: {  	v3 =	vor.u32 v3, v4  }
0x4d: {  	v4 =	vperm.xlane v3, v0;
	_ =	sdelay $0x1  }
0x4e: {  	v3 =	vperm.xlane v3, v2;
	v4 =	vadd.s32 v1, v4;
	_ =	sdelay $0x1  }
0x4f: {  	v3 =	vadd.s32 v1, v3;
	_ =	sdelay $0x2  }
0x50: {  	[tilespmem:s20], [sflag:$0x1] =	stream.indirect_vreg.gather [hbm4b:s1+s3], $0x80, v4, vm0, $0xb8;
	[tilespmem:$0x12100] =	vst v63  }
0x51: {  	_ = 	snop  }
0x52: {  	[tilespmem:s21], [sflag:$0x1] =	stream.indirect_vreg.gather [hbm4b:s1+s3], $0x80, v3, vm0, $0xb8;
	[tilespmem:$0x12100] =	vst v63  }
0x53: {  	v3 =	vld [tilespmem:$0x90];
	_ =	sdelay $0x4  }
0x54: {  	v4 =	vshll.u32 v3, $0x1  }
0x55: {  	v3 =	vand.u32 $0x7, v3;
	v4 =	vand.u32 $0xFFFFFFF0, v4  }
0x56: {  	v3 =	vor.u32 v3, v4  }
0x57: {  	v4 =	vperm.xlane v3, v0;
	_ =	sdelay $0x1  }
0x58: {  	v3 =	vperm.xlane v3, v2;
	v4 =	vadd.s32 v1, v4;
	_ =	sdelay $0x1  }
0x59: {  	v3 =	vadd.s32 v1, v3;
	_ =	sdelay $0x2  }
0x5a: {  	[tilespmem:s22], [sflag:$0x1] =	stream.indirect_vreg.gather [hbm4b:s1+s3], $0x80, v4, vm0, $0xb8;
	[tilespmem:$0x12100] =	vst v63  }
0x5b: {  	_ = 	snop  }
0x5c: {  	[tilespmem:s23], [sflag:$0x1] =	stream.indirect_vreg.gather [hbm4b:s1+s3], $0x80, v3, vm0, $0xb8;
	[tilespmem:$0x12100] =	vst v63  }
0x5d: {  	v3 =	vld [tilespmem:$0xA0];
	_ =	sdelay $0x4  }
0x5e: {  	v4 =	vshll.u32 v3, $0x1  }
0x5f: {  	v3 =	vand.u32 $0x7, v3;
	v4 =	vand.u32 $0xFFFFFFF0, v4  }
0x60: {  	v3 =	vor.u32 v3, v4  }
0x61: {  	v4 =	vperm.xlane v3, v0;
	_ =	sdelay $0x1  }
0x62: {  	v3 =	vperm.xlane v3, v2;
	v4 =	vadd.s32 v1, v4;
	_ =	sdelay $0x1  }
0x63: {  	v3 =	vadd.s32 v1, v3;
	_ =	sdelay $0x2  }
0x64: {  	[tilespmem:s24], [sflag:$0x1] =	stream.indirect_vreg.gather [hbm4b:s1+s3], $0x80, v4, vm0, $0xb8;
	[tilespmem:$0x12100] =	vst v63  }
0x65: {  	_ = 	snop  }
0x66: {  	[tilespmem:s25], [sflag:$0x1] =	stream.indirect_vreg.gather [hbm4b:s1+s3], $0x80, v3, vm0, $0xb8;
	[tilespmem:$0x12100] =	vst v63  }
0x67: {  	v3 =	vld [tilespmem:$0xB0];
	_ =	sdelay $0x4  }
0x68: {  	v4 =	vshll.u32 v3, $0x1  }
0x69: {  	v3 =	vand.u32 $0x7, v3;
	v4 =	vand.u32 $0xFFFFFFF0, v4  }
0x6a: {  	v3 =	vor.u32 v3, v4  }
0x6b: {  	v4 =	vperm.xlane v3, v0;
	_ =	sdelay $0x1  }
0x6c: {  	v3 =	vperm.xlane v3, v2;
	v4 =	vadd.s32 v1, v4;
	_ =	sdelay $0x1  }
0x6d: {  	v3 =	vadd.s32 v1, v3;
	_ =	sdelay $0x2  }
0x6e: {  	[tilespmem:s26], [sflag:$0x1] =	stream.indirect_vreg.gather [hbm4b:s1+s3], $0x80, v4, vm0, $0xb8;
	[tilespmem:$0x12100] =	vst v63  }
0x6f: {  	_ = 	snop  }
0x70: {  	[tilespmem:s28], [sflag:$0x1] =	stream.indirect_vreg.gather [hbm4b:s1+s3], $0x80, v3, vm0, $0xb8;
	[tilespmem:$0x12100] =	vst v63  }
0x71: {  	v3 =	vld.msk [tilespmem:$0xC0], $0xff;
	_ =	sdelay $0x4  }
0x72: {  	v4 =	vshll.u32 v3, $0x1  }
0x73: {  	v3 =	vand.u32 $0x7, v3;
	v4 =	vand.u32 $0xFFFFFFF0, v4  }
0x74: {  	v3 =	vor.u32 v3, v4  }
0x75: {  	v3 =	vperm.xlane v3, v0;
	_ =	sdelay $0x1  }
0x76: {  	v3 =	vadd.s32 v1, v3;
	_ =	sdelay $0x4  }
0x77: {  	[tilespmem:s29], [sflag:$0x1] =	stream.indirect_vreg.gather [hbm4b:s1+s3], $0x80, v3, vm0, $0xb8;
	[tilespmem:$0x12100] =	vst v63  }
0x78: {  	_ = 	snop  }
0x79: {  	[tilespmem:s30], [sflag:$0x2] =	stream.linear.gather [hbm4b:s6+s3], $0x9000, $0x38;
	[tilespmem:$0x12100] =	vst v63  }
0x7a: {  	_ =	swait.ge [sflag:s9], $0x9000  }
0x7b: {  	[sflag:s9] =	ssyncset.done $0x0  }
0x7c: {  	[sflag:s9] =	ssyncadd.s32 $0xFFFF7000  }
0x7d: {  	_ =	swait.ge [sflag:s31], $0x4800  }
0x7e: {  	[sflag:s31] =	ssyncset.done $0x0  }
0x7f: {  	[sflag:s31] =	ssyncadd.s32 $0xFFFFB800  }
0x80: {  	_ =	swait.ge [sflag:s31], $0x4800  }
0x81: {  	s14 =	sand.u32 $0x7800, s3;
	s10 =	sand.u32 $0x380, s3;
	[sflag:s31] =	ssyncset.done $0x0  }
0x82: {  	s0 =	sor.u32 s10, s14;
	[sflag:s31] =	ssyncadd.s32 $0xFFFFB800  }
0x83: {  	v10 =	vld [tilespmem:s0+$0x9100]  }
0x84: {  	v11 =	vld [tilespmem:s0+$0x9110]  }
0x85: {  	v12 =	vld [tilespmem:s0+$0x9120]  }
0x86: {  	v13 =	vld [tilespmem:s0+$0x9130]  }
0x87: {  	v14 =	vld [tilespmem:s0+$0x9140]  }
0x88: {  	v15 =	vld [tilespmem:s0+$0x9150]  }
0x89: {  	v16 =	vld [tilespmem:s0+$0x9160]  }
0x8a: {  	v17 =	vld [tilespmem:s0+$0x9170]  }
0x8b: {  	v18 =	vld [tilespmem:s0+$0x9500]  }
0x8c: {  	v19 =	vld [tilespmem:s0+$0x9510]  }
0x8d: {  	v20 =	vld [tilespmem:s0+$0x9520]  }
0x8e: {  	v21 =	vld [tilespmem:s0+$0x9530]  }
0x8f: {  	v22 =	vld [tilespmem:s0+$0x9540]  }
0x90: {  	v23 =	vld [tilespmem:s0+$0x9550]  }
0x91: {  	v24 =	vld [tilespmem:s0+$0x9560]  }
0x92: {  	v25 =	vld [tilespmem:s0+$0x9570]  }
0x93: {  	v26 =	vld [tilespmem:s0+$0xD900]  }
0x94: {  	v27 =	vld [tilespmem:s0+$0xD910]  }
0x95: {  	v28 =	vld [tilespmem:s0+$0xD920]  }
0x96: {  	v29 =	vld [tilespmem:s0+$0xD930]  }
0x97: {  	v30 =	vld [tilespmem:s0+$0xD940]  }
0x98: {  	v31 =	vld [tilespmem:s0+$0xD950]  }
0x99: {  	v32 =	vld [tilespmem:s0+$0xD960]  }
0x9a: {  	v33 =	vld [tilespmem:s0+$0xD970]  }
0x9b: {  	v34 =	vld [tilespmem:s0+$0xDD00]  }
0x9c: {  	v9 =	vld [tilespmem:s0+$0xDD10]  }
0x9d: {  	v8 =	vld [tilespmem:s0+$0xDD20]  }
0x9e: {  	v7 =	vld [tilespmem:s0+$0xDD30]  }
0x9f: {  	v6 =	vld [tilespmem:s0+$0xDD40]  }
0xa0: {  	v5 =	vld [tilespmem:s0+$0xDD50]  }
0xa1: {  	v35 =	vld [tilespmem:s0+$0x100]  }
0xa2: {  	v36 =	vld [tilespmem:s0+$0x110]  }
0xa3: {  	v37 =	vld [tilespmem:s0+$0x120]  }
0xa4: {  	v38 =	vld [tilespmem:s0+$0x130]  }
0xa5: {  	v39 =	vld [tilespmem:s0+$0x140]  }
0xa6: {  	v62 =	vld [tilespmem:s0+$0x150];
	v10 =	vadd.f32 v10, v35  }
0xa7: {  	v63 =	vld [tilespmem:s0+$0x160];
	v11 =	vadd.f32 v11, v36  }
0xa8: {  	[tilespmem:s0+$0x100] =	vst v10;
	v10 =	vadd.f32 v12, v37;
	v12 =	vld [tilespmem:s0+$0x170]  }
0xa9: {  	[tilespmem:s0+$0x110] =	vst v11;
	v11 =	vadd.f32 v13, v38;
	v13 =	vld [tilespmem:s0+$0x500]  }
0xaa: {  	v4 =	vld [tilespmem:s0+$0xDD60];
	[tilespmem:s0+$0x120] =	vst v10;
	v10 =	vadd.f32 v14, v39  }
0xab: {  	v14 =	vld [tilespmem:s0+$0x510];
	[tilespmem:s0+$0x130] =	vst v11;
	v11 =	vadd.f32 v15, v62  }
0xac: {  	v15 =	vld [tilespmem:s0+$0x520];
	[tilespmem:s0+$0x140] =	vst v10;
	v10 =	vadd.f32 v16, v63  }
0xad: {  	v3 =	vld [tilespmem:s0+$0xDD70];
	[tilespmem:s0+$0x150] =	vst v11  }
0xae: {  	v11 =	vadd.f32 v17, v12;
	v12 =	vld [tilespmem:s0+$0x530];
	[tilespmem:s0+$0x160] =	vst v10;
	v10 =	vadd.f32 v18, v13  }
0xaf: {  	v13 =	vld [tilespmem:s0+$0x540]  }
0xb0: {  	[tilespmem:s0+$0x500] =	vst v10;
	v10 =	vld [tilespmem:s0+$0x550]  }
0xb1: {  	[tilespmem:s0+$0x170] =	vst v11;
	v11 =	vadd.f32 v19, v14;
	v14 =	vadd.f32 v20, v15;
	v15 =	vld [tilespmem:s0+$0x560]  }
0xb2: {  	v16 =	vld [tilespmem:s0+$0x570]  }
0xb3: {  	[tilespmem:s0+$0x510] =	vst v11;
	v11 =	vld [tilespmem:s0+$0x4900];
	v12 =	vadd.f32 v21, v12  }
0xb4: {  	[tilespmem:s0+$0x520] =	vst v14;
	v14 =	vld [tilespmem:s0+$0x4910];
	v13 =	vadd.f32 v22, v13  }
0xb5: {  	[tilespmem:s0+$0x530] =	vst v12;
	v12 =	vld [tilespmem:s0+$0x4920];
	v10 =	vadd.f32 v23, v10  }
0xb6: {  	v15 =	vadd.f32 v24, v15;
	[tilespmem:s0+$0x540] =	vst v13;
	v13 =	vld [tilespmem:s0+$0x4930]  }
0xb7: {  	v16 =	vadd.f32 v25, v16;
	[tilespmem:s0+$0x550] =	vst v10;
	v10 =	vld [tilespmem:s0+$0x4940]  }
0xb8: {  	[tilespmem:s0+$0x560] =	vst v15;
	v11 =	vadd.f32 v26, v11;
	v15 =	vld [tilespmem:s0+$0x4950]  }
0xb9: {  	[tilespmem:s0+$0x570] =	vst v16;
	v16 =	vld [tilespmem:s0+$0x4960];
	v14 =	vadd.f32 v27, v14  }
0xba: {  	v17 =	vld [tilespmem:s0+$0x4970];
	[tilespmem:s0+$0x4900] =	vst v11;
	v11 =	vadd.f32 v28, v12  }
0xbb: {  	[tilespmem:s0+$0x4910] =	vst v14;
	v14 =	vld [tilespmem:s0+$0x4D00];
	v12 =	vadd.f32 v29, v13  }
0xbc: {  	[tilespmem:s0+$0x4920] =	vst v11;
	v11 =	vld [tilespmem:s0+$0x4D10];
	v10 =	vadd.f32 v30, v10  }
0xbd: {  	v13 =	vadd.f32 v31, v15;
	[tilespmem:s0+$0x4930] =	vst v12;
	v12 =	vld [tilespmem:s0+$0x4D20]  }
0xbe: {  	v15 =	vadd.f32 v32, v16;
	[tilespmem:s0+$0x4940] =	vst v10;
	v10 =	vld [tilespmem:s0+$0x4D30]  }
0xbf: {  	v16 =	vadd.f32 v33, v17;
	[tilespmem:s0+$0x4950] =	vst v13;
	v13 =	vld [tilespmem:s0+$0x4D40]  }
0xc0: {  	s10 =	simm.s32 $0x80;
	s12 =	simm.s32 $0x100;
	[tilespmem:s0+$0x4960] =	vst v15;
	v15 =	vadd.f32 v34, v14;
	v14 =	vld [tilespmem:s0+$0x4D50]  }
.LBB2_2:
0xc1: {  	s13 =	sand.u32 $0x7800, s12;
	s14 =	sand.u32 $0x380, s10;
	p0 =	sne.s32 s12, $0x4700;
	[tilespmem:s0+$0x4970] =	vst v16;
	v9 =	vadd.f32 v9, v11;
	v11 =	vld [tilespmem:s0+$0x4D60]  }
0xc2: {  	s13 =	sor.u32 s14, s13;
	[tilespmem:s0+$0x4D00] =	vst v15;
	v8 =	vadd.f32 v8, v12;
	v12 =	vld [tilespmem:s0+$0x4D70]  }
0xc3: {  	v15 =	vld [tilespmem:s13+$0x9100];
	[tilespmem:s0+$0x4D10] =	vst v9;
	v7 =	vadd.f32 v7, v10  }
0xc4: {  	v10 =	vld [tilespmem:s13+$0x9110];
	[tilespmem:s0+$0x4D20] =	vst v8;
	v6 =	vadd.f32 v6, v13  }
0xc5: {  	v13 =	vld [tilespmem:s13+$0x9120];
	[tilespmem:s0+$0x4D30] =	vst v7;
	v5 =	vadd.f32 v5, v14  }
0xc6: {  	v14 =	vld [tilespmem:s13+$0x9130];
	[tilespmem:s0+$0x4D40] =	vst v6;
	v4 =	vadd.f32 v4, v11  }
0xc7: {  	v11 =	vld [tilespmem:s13+$0x9140];
	[tilespmem:s0+$0x4D50] =	vst v5;
	v3 =	vadd.f32 v3, v12  }
0xc8: {  	v12 =	vld [tilespmem:s13+$0x9150];
	[tilespmem:s0+$0x4D60] =	vst v4  }
0xc9: {  	v16 =	vld [tilespmem:s13+$0x9160];
	[tilespmem:s0+$0x4D70] =	vst v3;
	s0 =	smov.u32 s13  }
0xca: {  	v17 =	vld [tilespmem:s0+$0x9170]  }
0xcb: {  	v18 =	vld [tilespmem:s0+$0x9500]  }
0xcc: {  	v19 =	vld [tilespmem:s0+$0x9510]  }
0xcd: {  	v20 =	vld [tilespmem:s0+$0x9520]  }
0xce: {  	v21 =	vld [tilespmem:s0+$0x9530]  }
0xcf: {  	v22 =	vld [tilespmem:s0+$0x9540]  }
0xd0: {  	v23 =	vld [tilespmem:s0+$0x9550]  }
0xd1: {  	v24 =	vld [tilespmem:s0+$0x9560]  }
0xd2: {  	v25 =	vld [tilespmem:s0+$0x9570]  }
0xd3: {  	v26 =	vld [tilespmem:s0+$0xD900]  }
0xd4: {  	v27 =	vld [tilespmem:s0+$0xD910]  }
0xd5: {  	v28 =	vld [tilespmem:s0+$0xD920]  }
0xd6: {  	v29 =	vld [tilespmem:s0+$0xD930]  }
0xd7: {  	v30 =	vld [tilespmem:s0+$0xD940]  }
0xd8: {  	v31 =	vld [tilespmem:s0+$0xD950]  }
0xd9: {  	v32 =	vld [tilespmem:s0+$0xD960]  }
0xda: {  	v33 =	vld [tilespmem:s0+$0xD970]  }
0xdb: {  	v34 =	vld [tilespmem:s0+$0xDD00]  }
0xdc: {  	v9 =	vld [tilespmem:s0+$0xDD10]  }
0xdd: {  	v8 =	vld [tilespmem:s0+$0xDD20]  }
0xde: {  	v7 =	vld [tilespmem:s0+$0xDD30]  }
0xdf: {  	v6 =	vld [tilespmem:s0+$0xDD40]  }
0xe0: {  	v5 =	vld [tilespmem:s0+$0xDD50]  }
0xe1: {  	v4 =	vld [tilespmem:s0+$0xDD60]  }
0xe2: {  	v3 =	vld [tilespmem:s0+$0xDD70]  }
0xe3: {  	v35 =	vld [tilespmem:s0+$0x100]  }
0xe4: {  	v36 =	vld [tilespmem:s0+$0x110]  }
0xe5: {  	v37 =	vld [tilespmem:s0+$0x120]  }
0xe6: {  	v38 =	vld [tilespmem:s0+$0x130]  }
0xe7: {  	v39 =	vld [tilespmem:s0+$0x140]  }
0xe8: {  	v15 =	vadd.f32 v15, v35;
	v35 =	vld [tilespmem:s0+$0x150]  }
0xe9: {  	v10 =	vadd.f32 v10, v36;
	v36 =	vld [tilespmem:s0+$0x160]  }
0xea: {  	[tilespmem:s0+$0x100] =	vst v15;
	v13 =	vadd.f32 v13, v37;
	v15 =	vld [tilespmem:s0+$0x170]  }
0xeb: {  	[tilespmem:s0+$0x110] =	vst v10;
	v10 =	vadd.f32 v14, v38;
	v14 =	vld [tilespmem:s0+$0x500]  }
0xec: {  	[tilespmem:s0+$0x120] =	vst v13;
	v11 =	vadd.f32 v11, v39;
	v13 =	vld [tilespmem:s0+$0x510]  }
0xed: {  	[tilespmem:s0+$0x130] =	vst v10;
	v10 =	vadd.f32 v12, v35;
	v12 =	vld [tilespmem:s0+$0x520]  }
0xee: {  	[tilespmem:s0+$0x140] =	vst v11;
	v11 =	vadd.f32 v16, v36;
	v16 =	vld [tilespmem:s0+$0x530]  }
0xef: {  	[tilespmem:s0+$0x150] =	vst v10;
	v10 =	vadd.f32 v17, v15;
	v15 =	vld [tilespmem:s0+$0x540]  }
0xf0: {  	[tilespmem:s0+$0x160] =	vst v11;
	v11 =	vadd.f32 v18, v14;
	v14 =	vld [tilespmem:s0+$0x550]  }
0xf1: {  	[tilespmem:s0+$0x170] =	vst v10;
	v10 =	vadd.f32 v19, v13;
	v13 =	vld [tilespmem:s0+$0x560]  }
0xf2: {  	[tilespmem:s0+$0x500] =	vst v11;
	v11 =	vadd.f32 v20, v12;
	v12 =	vld [tilespmem:s0+$0x570]  }
0xf3: {  	[tilespmem:s0+$0x510] =	vst v10;
	v10 =	vadd.f32 v21, v16;
	v16 =	vld [tilespmem:s0+$0x4900]  }
0xf4: {  	[tilespmem:s0+$0x520] =	vst v11;
	v11 =	vadd.f32 v22, v15;
	v15 =	vld [tilespmem:s0+$0x4910]  }
0xf5: {  	[tilespmem:s0+$0x530] =	vst v10;
	v10 =	vadd.f32 v23, v14;
	v14 =	vld [tilespmem:s0+$0x4920]  }
0xf6: {  	[tilespmem:s0+$0x540] =	vst v11;
	v11 =	vadd.f32 v24, v13;
	v13 =	vld [tilespmem:s0+$0x4930]  }
0xf7: {  	[tilespmem:s0+$0x550] =	vst v10;
	v10 =	vadd.f32 v25, v12;
	v12 =	vld [tilespmem:s0+$0x4940]  }
0xf8: {  	[tilespmem:s0+$0x560] =	vst v11;
	v11 =	vadd.f32 v26, v16;
	v16 =	vld [tilespmem:s0+$0x4950]  }
0xf9: {  	[tilespmem:s0+$0x570] =	vst v10;
	v10 =	vadd.f32 v27, v15;
	v15 =	vld [tilespmem:s0+$0x4960]  }
0xfa: {  	[tilespmem:s0+$0x4900] =	vst v11;
	v11 =	vadd.f32 v28, v14;
	v14 =	vld [tilespmem:s0+$0x4970]  }
0xfb: {  	[tilespmem:s0+$0x4910] =	vst v10;
	v10 =	vadd.f32 v29, v13;
	v17 =	vld [tilespmem:s0+$0x4D00]  }
.Ltmp0:
0xfc: {  	[tilespmem:s0+$0x4920] =	vst v11;
	v13 =	vadd.f32 v30, v12;
	v11 =	vld [tilespmem:s0+$0x4D10];
	(pc) =	sbr.rel @p0 .LBB2_2-.Ltmp0, $4  }
0xfd: {  	[tilespmem:s0+$0x4930] =	vst v10;
	v16 =	vadd.f32 v31, v16;
	v12 =	vld [tilespmem:s0+$0x4D20]  }
0xfe: {  	[tilespmem:s0+$0x4940] =	vst v13;
	v15 =	vadd.f32 v32, v15;
	v10 =	vld [tilespmem:s0+$0x4D30]  }
0xff: {  	[tilespmem:s0+$0x4950] =	vst v16;
	v16 =	vadd.f32 v33, v14;
	v13 =	vld [tilespmem:s0+$0x4D40]  }
0x100: {  	s10 =	sadd.s32 $0x80, s10;
	s12 =	sadd.s32 $0x100, s12;
	[tilespmem:s0+$0x4960] =	vst v15;
	v15 =	vadd.f32 v34, v17;
	v14 =	vld [tilespmem:s0+$0x4D50]  }
0x101: {  	[tilespmem:s0+$0x4970] =	vst v16;
	v9 =	vadd.f32 v9, v11;
	v62 =	vld [tilespmem:s0+$0x4D60]  }
0x102: {  	v63 =	vld [tilespmem:s0+$0x4D70];
	[tilespmem:s0+$0x4D00] =	vst v15;
	v8 =	vadd.f32 v8, v12  }
0x103: {  	[tilespmem:s0+$0x4D10] =	vst v9;
	v7 =	vadd.f32 v7, v10  }
0x104: {  	[tilespmem:s0+$0x4D20] =	vst v8;
	v6 =	vadd.f32 v6, v13  }
0x105: {  	[tilespmem:s0+$0x4D30] =	vst v7;
	v5 =	vadd.f32 v5, v14  }
0x106: {  	[tilespmem:s0+$0x4D40] =	vst v6;
	v4 =	vadd.f32 v4, v62  }
0x107: {  	s2 =	sadd.s32 $0x1, s2;
	v3 =	vadd.f32 v3, v63;
	[tilespmem:s0+$0x4D50] =	vst v5  }
0x108: {  	p0 =	sne.s32 s2, s8;
	[tilespmem:s0+$0x4D60] =	vst v4  }
.Ltmp1:
0x109: {  	[tilespmem:s0+$0x4D70] =	vst v3;
	(pc) =	sbr.rel @p0 .LBB2_1-.Ltmp1, $4  }
0x10a: {  	[hbm4b:s7+s3] =	stream.linear.scatter [tilespmem:s11], [sflag:$0x2], $0x9000, $0x38;
	[tilespmem:$0x12100] =	vst v63  }
0x10b: {  	_ =	swait.ge [sflag:s9], $0x9000  }
0x10c: {  	[sflag:s9] =	ssyncset.done $0x0  }
0x10d: {  	[sflag:s9] =	ssyncadd.s32 $0xFFFF7000  }
0x10e: {  	_ =	sfence.sel $0x180000  }
0x10f: {  	[bflag:$0x0] =	sbarrier.arrive $0xFFFF  }
0x110: {  	_ =	strace $0x9000004D  }
0x111: {  	s0 =	stileid.u32;
	[bflag:$0x2] =	sbarrier.arrive $0xFFFF  }
0x112: {  	p0 =	sne.s32 s0, $0x0;
	s0 =	rddreg [dreg:$0x3]  }
0x113: {  	s0 =	sadd.s32 @!p0 $0x100000, s0  }
0x114: {  	[sflag:s0] =	ssyncadd.tile.s32 @!p0 $0x1;
	_ =	shalt  }
.Lfunc_end2:
_tile_overlayer_lowered:
.L_overlay_start_2:
0x115: {  	(tag) =	ssettag $0x2  }
0x116: {  	s0 =	rddreg [dreg:$0x0];
	s2 =	stileid.u32  }
0x117: {  	s1 =	rddreg [dreg:$0x1];
	p0 =	sne.s32 s2, $0x0  }
0x118: {  	s3 =	rddreg [dreg:$0x2];
	[bflag:$0x3] =	sbarrier.arrive $0xFFFF;
	s2 =	simm.s32 @!p0 $0x1C02  }
0x119: {  	[timem:s3], [sflag:s2] =	dma.local @!p0 [hbm:s0], s1  }
0x11a: {  	s0 =	simm.s32 @!p0 $0x2  }
0x11b: {  	_ =	swait.ge @!p0 [sflag:s0], s1  }
0x11c: {  	s1 =	ssub.s32 @!p0 $0x0, s1;
	[sflag:s0] =	ssyncset.done @!p0 $0x0  }
0x11d: {  	[sflag:s0] =	ssyncadd.s32 @!p0 s1  }
0x11e: {  	[bflag:$0x3] =	sbarrier.arrive $0xFFFF  }
0x11f: {  	_ =	shalt  }

</sc_bundles>
